<compile_context>
chip_gen: v7x
topology: tpu7x:2x2x1
jax: 0.10.2.dev20260603
libtpu: 0.0.44.dev20260713+nightly
codegen_flags: <defaults>
</compile_context>

<pallas_src>
import functools

import jax
import jax.numpy as jnp
from jax import lax
from jax.experimental import pallas as pl
from jax.experimental.pallas import tpu as pltpu
from jax.experimental.pallas import tpu_sc as plsc

B = 1024
F = 1024
OUT = 256
R = 16
T = 8
L = 16
NTILES = 32
ROWS = B // NTILES


def _sc_body(x_hbm, w_hbm, out_hbm, xbuf, wbuf, col, obuf, sem_x, sem_w):
    wid = lax.axis_index("s") * 2 + lax.axis_index("c")
    base_row = wid * ROWS

    NCH = 4
    CW = F // NCH
    cps = [
        pltpu.async_copy(
            x_hbm.at[pl.ds(base_row, ROWS), pl.ds(c * CW, CW)],
            xbuf.at[:, pl.ds(c * CW, CW)],
            sem_x.at[c],
        )
        for c in range(NCH)
    ]
    cp_w = pltpu.async_copy(w_hbm, wbuf, sem_w)

    col[pl.ds(0, L)] = jnp.full((L,), -1, jnp.int32)

    def pack_body(fg, carry):
        acc = jnp.zeros((L,), jnp.int32)
        for b in range(ROWS):
            acc = acc | (xbuf[b, pl.ds(fg * L, L)] << b)
        col[pl.ds(1 + fg * L, L)] = acc
        col[pl.ds(1 + F + fg * L, L)] = ~acc
        return carry

    for c in range(NCH):
        cps[c].wait()
        lax.fori_loop(c * (CW // L), (c + 1) * (CW // L), pack_body, 0)

    cp_w.wait()

    def og_body(og, carry):
        obase = og * L

        def r_body(r, or_acc):
            acc = jnp.full((L,), -1, jnp.int32)
            nz = jnp.zeros((L,), jnp.int32)
            for tp in range(T // 2):
                ab = plsc.bitcast(
                    wbuf[pl.ds(r * (T // 2) * OUT + tp * OUT + obase, L)],
                    jnp.int16)
                ia, ib = plsc.unpack(ab, format=plsc.PackFormat.INTERLEAVED)
                acc = acc & plsc.load_gather(col, [ia])
                acc = acc & plsc.load_gather(col, [ib])
                nz = nz | ia | ib
            return or_acc | jnp.where(nz != 0, acc, 0)

        or_acc = lax.fori_loop(0, R, r_body, jnp.zeros((L,), jnp.int32),
                               unroll=2)
        for b in range(ROWS):
            obuf[b, pl.ds(obase, L)] = (or_acc >> b) & 1
        return carry

    lax.fori_loop(0, OUT // L, og_body, 0)

    pltpu.sync_copy(obuf, out_hbm.at[pl.ds(base_row, ROWS)])


def kernel(x, weights):
    w_t = jnp.transpose(weights, (1, 2, 0))
    w_t = w_t.reshape(R, T // 2, 2, OUT)
    w16 = (w_t[:, :, 0, :] | (w_t[:, :, 1, :] << 16)).reshape(-1)
    mesh = plsc.VectorSubcoreMesh(core_axis_name="c", subcore_axis_name="s")
    f = functools.partial(
        pl.kernel,
        out_type=jax.ShapeDtypeStruct((B, OUT), jnp.int32),
        mesh=mesh,
        compiler_params=pltpu.CompilerParams(needs_layout_passes=False),
        scratch_types=[
            pltpu.VMEM((ROWS, F), jnp.int32),
            pltpu.VMEM((R * (T // 2) * OUT, ), jnp.int32),
            pltpu.VMEM((1 + 2 * F + 15, ), jnp.int32),
            pltpu.VMEM((ROWS, OUT), jnp.int32),
            pltpu.SemaphoreType.DMA((4,)),
            pltpu.SemaphoreType.DMA,
        ],
    )(_sc_body)
    return f(x, w16).astype(bool)

# --- scband reference (transcript-rebuilt; emitter-appended) ---
"""Pipeline reference for scband-binary-layer-70265664962797 (READ-ONLY COPY).

The authoritative reference and input builder live on the scoring server;
editing this copy changes nothing except your own understanding.
"""

import jax, jax.numpy as jnp
import numpy as np

B = 1024
F = 1024
OUT_FEATURES = 256
OR_TERMS = 16
AND_TERMS = 8
IDX_MAX = 1 + 2 * F  # 2049


def setup_inputs(seed: int = 0) -> dict:
    key = jax.random.key(seed)
    k1, k2 = jax.random.split(key)
    # binary inputs 0/1 (torch harness passes int tensor; forward calls .bool())
    x = jax.random.randint(k1, (B, F), 0, 2).astype(jnp.int32)
    # the learned/loaded buffer: indices into [ones | x | ~x] of width 1+2F
    weights = jax.random.randint(k2, (OUT_FEATURES, OR_TERMS, AND_TERMS), 0, IDX_MAX).astype(jnp.int32)
    return {"x": x, "weights": weights}


def reference(x, weights):
    out_features, or_terms, and_terms = weights.shape
    Bx, Fx = x.shape
    xb = x.astype(bool)
    ones = jnp.ones((Bx, 1), dtype=bool)
    x_in = jnp.concatenate([ones, xb, jnp.logical_not(xb)], axis=1)  # [B, 1+2F]
    or_padding_mask = jnp.logical_not(jnp.all(weights == 0, axis=-1))  # [out, or]
    w_flat = weights.reshape(-1)
    x_sel = jnp.take(x_in, w_flat, axis=1)  # [B, out*or*and] gather
    x_bin = x_sel.reshape(Bx, out_features, or_terms, and_terms)
    x_and = jnp.logical_and(jnp.all(x_bin, axis=-1), or_padding_mask)  # [B, out, or]
    x_or = jnp.any(x_and, axis=-1)  # [B, out]
    return x_or

if __name__ == "__main__":
    import jax
    _d = setup_inputs()
    print(jax.jit(kernel)(*tuple(_d.values())))

</pallas_src>

<mosaic_0001>
#map = affine_map<(d0, d1) -> (0, 0)>
#map1 = affine_map<(d0, d1) -> (0)>
module attributes {stable_mosaic.version = 14 : i64} {
  func.func @_sc_body(%arg0: i32, %arg1: i32, %arg2: memref<1024x1024xi32, #tpu.memory_space<hbm>>, %arg3: memref<16384xi32, #tpu.memory_space<hbm>>, %arg4: memref<1024x256xi32, #tpu.memory_space<hbm>>, %arg5: memref<32x1024xi32, #tpu.memory_space<vmem>>, %arg6: memref<16384xi32, #tpu.memory_space<vmem>>, %arg7: memref<2064xi32, #tpu.memory_space<vmem>>, %arg8: memref<32x256xi32, #tpu.memory_space<vmem>>, %arg9: memref<4x!tpu.dma_semaphore, #tpu.memory_space<semaphore_mem>>, %arg10: memref<!tpu.dma_semaphore, #tpu.memory_space<semaphore_mem>>) attributes {dimension_semantics = [#tpu.dimension_semantics<core_parallel>, #tpu.dimension_semantics<subcore_parallel>], iteration_bounds = array<i64: 2, 16>, scalar_prefetch = 0 : i64, scratch_operands = 6 : i64, tpu.core_type = #tpu.core_type<sc_vector_subcore>, window_params = [{transform_indices = #map}, {transform_indices = #map1}, {transform_indices = #map}]} {
    %mul3A = arith.constant 2 : i32
    %mul3A_0 = arith.muli %arg1, %mul3A : i32
    %add3A = arith.addi %mul3A_0, %arg0 : i32
    %mul3A_1 = arith.constant 32 : i32
    %mul3A_2 = arith.muli %add3A, %mul3A_1 : i32
    %dma_start3A = arith.constant 0 : i32
    %dma_start3A_3 = arith.constant 0 : i32
    %dma_start3A_4 = arith.constant 0 : i32
    %dma_start3A_5 = tpu.memref_slice %arg5[%dma_start3A_3, %dma_start3A_4] : memref<32x1024xi32, #tpu.memory_space<vmem>> -> memref<32x256xi32, #tpu.memory_space<vmem>>
    %dma_start3A_6 = arith.constant 0 : i32
    %dma_start3A_7 = tpu.memref_slice %arg2[%mul3A_2, %dma_start3A_6] : memref<1024x1024xi32, #tpu.memory_space<hbm>> -> memref<32x256xi32, #tpu.memory_space<hbm>>
    %dma_start3A_8 = tpu.memref_slice %arg9[%dma_start3A] : memref<4x!tpu.dma_semaphore, #tpu.memory_space<semaphore_mem>> -> memref<1x!tpu.dma_semaphore, #tpu.memory_space<semaphore_mem>>
    %dma_start3A_9 = tpu.memref_squeeze %dma_start3A_8 : memref<1x!tpu.dma_semaphore, #tpu.memory_space<semaphore_mem>> -> memref<!tpu.dma_semaphore, #tpu.memory_space<semaphore_mem>>
    %dma_start3A_10 = arith.constant 0 : i32
    %dma_start3A_11 = arith.constant 0 : i32
    %dma_start3A_12 = tpu.memref_slice %arg5[%dma_start3A_10, %dma_start3A_11] : memref<32x1024xi32, #tpu.memory_space<vmem>> -> memref<32x256xi32, #tpu.memory_space<vmem>>
    %dma_start3A_13 = arith.constant 0 : i32
    %dma_start3A_14 = tpu.memref_slice %arg2[%mul3A_2, %dma_start3A_13] : memref<1024x1024xi32, #tpu.memory_space<hbm>> -> memref<32x256xi32, #tpu.memory_space<hbm>>
    tpu.enqueue_dma source(%dma_start3A_14 : memref<32x256xi32, #tpu.memory_space<hbm>>) target(%dma_start3A_12 : memref<32x256xi32, #tpu.memory_space<vmem>>) target_semaphore(%dma_start3A_9 : memref<!tpu.dma_semaphore, #tpu.memory_space<semaphore_mem>>)
    %dma_start3A_15 = arith.constant 1 : i32
    %dma_start3A_16 = arith.constant 0 : i32
    %dma_start3A_17 = arith.constant 256 : i32
    %dma_start3A_18 = tpu.memref_slice %arg5[%dma_start3A_16, %dma_start3A_17] : memref<32x1024xi32, #tpu.memory_space<vmem>> -> memref<32x256xi32, #tpu.memory_space<vmem>>
    %dma_start3A_19 = arith.constant 256 : i32
    %dma_start3A_20 = tpu.memref_slice %arg2[%mul3A_2, %dma_start3A_19] : memref<1024x1024xi32, #tpu.memory_space<hbm>> -> memref<32x256xi32, #tpu.memory_space<hbm>>
    %dma_start3A_21 = tpu.memref_slice %arg9[%dma_start3A_15] : memref<4x!tpu.dma_semaphore, #tpu.memory_space<semaphore_mem>> -> memref<1x!tpu.dma_semaphore, #tpu.memory_space<semaphore_mem>>
    %dma_start3A_22 = tpu.memref_squeeze %dma_start3A_21 : memref<1x!tpu.dma_semaphore, #tpu.memory_space<semaphore_mem>> -> memref<!tpu.dma_semaphore, #tpu.memory_space<semaphore_mem>>
    %dma_start3A_23 = arith.constant 0 : i32
    %dma_start3A_24 = arith.constant 256 : i32
    %dma_start3A_25 = tpu.memref_slice %arg5[%dma_start3A_23, %dma_start3A_24] : memref<32x1024xi32, #tpu.memory_space<vmem>> -> memref<32x256xi32, #tpu.memory_space<vmem>>
    %dma_start3A_26 = arith.constant 256 : i32
    %dma_start3A_27 = tpu.memref_slice %arg2[%mul3A_2, %dma_start3A_26] : memref<1024x1024xi32, #tpu.memory_space<hbm>> -> memref<32x256xi32, #tpu.memory_space<hbm>>
    tpu.enqueue_dma source(%dma_start3A_27 : memref<32x256xi32, #tpu.memory_space<hbm>>) target(%dma_start3A_25 : memref<32x256xi32, #tpu.memory_space<vmem>>) target_semaphore(%dma_start3A_22 : memref<!tpu.dma_semaphore, #tpu.memory_space<semaphore_mem>>)
    %dma_start3A_28 = arith.constant 2 : i32
    %dma_start3A_29 = arith.constant 0 : i32
    %dma_start3A_30 = arith.constant 512 : i32
    %dma_start3A_31 = tpu.memref_slice %arg5[%dma_start3A_29, %dma_start3A_30] : memref<32x1024xi32, #tpu.memory_space<vmem>> -> memref<32x256xi32, #tpu.memory_space<vmem>>
    %dma_start3A_32 = arith.constant 512 : i32
    %dma_start3A_33 = tpu.memref_slice %arg2[%mul3A_2, %dma_start3A_32] : memref<1024x1024xi32, #tpu.memory_space<hbm>> -> memref<32x256xi32, #tpu.memory_space<hbm>>
    %dma_start3A_34 = tpu.memref_slice %arg9[%dma_start3A_28] : memref<4x!tpu.dma_semaphore, #tpu.memory_space<semaphore_mem>> -> memref<1x!tpu.dma_semaphore, #tpu.memory_space<semaphore_mem>>
    %dma_start3A_35 = tpu.memref_squeeze %dma_start3A_34 : memref<1x!tpu.dma_semaphore, #tpu.memory_space<semaphore_mem>> -> memref<!tpu.dma_semaphore, #tpu.memory_space<semaphore_mem>>
    %dma_start3A_36 = arith.constant 0 : i32
    %dma_start3A_37 = arith.constant 512 : i32
    %dma_start3A_38 = tpu.memref_slice %arg5[%dma_start3A_36, %dma_start3A_37] : memref<32x1024xi32, #tpu.memory_space<vmem>> -> memref<32x256xi32, #tpu.memory_space<vmem>>
    %dma_start3A_39 = arith.constant 512 : i32
    %dma_start3A_40 = tpu.memref_slice %arg2[%mul3A_2, %dma_start3A_39] : memref<1024x1024xi32, #tpu.memory_space<hbm>> -> memref<32x256xi32, #tpu.memory_space<hbm>>
    tpu.enqueue_dma source(%dma_start3A_40 : memref<32x256xi32, #tpu.memory_space<hbm>>) target(%dma_start3A_38 : memref<32x256xi32, #tpu.memory_space<vmem>>) target_semaphore(%dma_start3A_35 : memref<!tpu.dma_semaphore, #tpu.memory_space<semaphore_mem>>)
    %dma_start3A_41 = arith.constant 3 : i32
    %dma_start3A_42 = arith.constant 0 : i32
    %dma_start3A_43 = arith.constant 768 : i32
    %dma_start3A_44 = tpu.memref_slice %arg5[%dma_start3A_42, %dma_start3A_43] : memref<32x1024xi32, #tpu.memory_space<vmem>> -> memref<32x256xi32, #tpu.memory_space<vmem>>
    %dma_start3A_45 = arith.constant 768 : i32
    %dma_start3A_46 = tpu.memref_slice %arg2[%mul3A_2, %dma_start3A_45] : memref<1024x1024xi32, #tpu.memory_space<hbm>> -> memref<32x256xi32, #tpu.memory_space<hbm>>
    %dma_start3A_47 = tpu.memref_slice %arg9[%dma_start3A_41] : memref<4x!tpu.dma_semaphore, #tpu.memory_space<semaphore_mem>> -> memref<1x!tpu.dma_semaphore, #tpu.memory_space<semaphore_mem>>
    %dma_start3A_48 = tpu.memref_squeeze %dma_start3A_47 : memref<1x!tpu.dma_semaphore, #tpu.memory_space<semaphore_mem>> -> memref<!tpu.dma_semaphore, #tpu.memory_space<semaphore_mem>>
    %dma_start3A_49 = arith.constant 0 : i32
    %dma_start3A_50 = arith.constant 768 : i32
    %dma_start3A_51 = tpu.memref_slice %arg5[%dma_start3A_49, %dma_start3A_50] : memref<32x1024xi32, #tpu.memory_space<vmem>> -> memref<32x256xi32, #tpu.memory_space<vmem>>
    %dma_start3A_52 = arith.constant 768 : i32
    %dma_start3A_53 = tpu.memref_slice %arg2[%mul3A_2, %dma_start3A_52] : memref<1024x1024xi32, #tpu.memory_space<hbm>> -> memref<32x256xi32, #tpu.memory_space<hbm>>
    tpu.enqueue_dma source(%dma_start3A_53 : memref<32x256xi32, #tpu.memory_space<hbm>>) target(%dma_start3A_51 : memref<32x256xi32, #tpu.memory_space<vmem>>) target_semaphore(%dma_start3A_48 : memref<!tpu.dma_semaphore, #tpu.memory_space<semaphore_mem>>)
    tpu.enqueue_dma source(%arg3 : memref<16384xi32, #tpu.memory_space<hbm>>) target(%arg6 : memref<16384xi32, #tpu.memory_space<vmem>>) target_semaphore(%arg10 : memref<!tpu.dma_semaphore, #tpu.memory_space<semaphore_mem>>)
    %broadcast_in_dim3A = arith.constant -1 : i32
    %broadcast_in_dim3A_54 = vector.broadcast %broadcast_in_dim3A : i32 to vector<16xi32>
    %swap3A = arith.constant 0 : index
    %swap3A_55 = tpu.vector_load %arg7[%swap3A] {strides = array<i32>} : memref<2064xi32, #tpu.memory_space<vmem>>, vector<16xi32>,
    tpu.vector_store %arg7[%swap3A], %broadcast_in_dim3A_54 {strides = array<i32>} : memref<2064xi32, #tpu.memory_space<vmem>>, vector<16xi32>,
    %dma_wait3A = arith.constant 0 : i32
    %dma_wait3A_56 = arith.constant 0 : i32
    %dma_wait3A_57 = arith.constant 0 : i32
    %dma_wait3A_58 = tpu.memref_slice %arg5[%dma_wait3A_56, %dma_wait3A_57] : memref<32x1024xi32, #tpu.memory_space<vmem>> -> memref<32x256xi32, #tpu.memory_space<vmem>>
    %dma_wait3A_59 = arith.constant 0 : i32
    %dma_wait3A_60 = tpu.memref_slice %arg2[%mul3A_2, %dma_wait3A_59] : memref<1024x1024xi32, #tpu.memory_space<hbm>> -> memref<32x256xi32, #tpu.memory_space<hbm>>
    %dma_wait3A_61 = tpu.memref_slice %arg9[%dma_wait3A] : memref<4x!tpu.dma_semaphore, #tpu.memory_space<semaphore_mem>> -> memref<1x!tpu.dma_semaphore, #tpu.memory_space<semaphore_mem>>
    %dma_wait3A_62 = tpu.memref_squeeze %dma_wait3A_61 : memref<1x!tpu.dma_semaphore, #tpu.memory_space<semaphore_mem>> -> memref<!tpu.dma_semaphore, #tpu.memory_space<semaphore_mem>>
    %dma_wait3A_63 = arith.constant 0 : i32
    %dma_wait3A_64 = arith.constant 0 : i32
    %dma_wait3A_65 = tpu.memref_slice %arg5[%dma_wait3A_63, %dma_wait3A_64] : memref<32x1024xi32, #tpu.memory_space<vmem>> -> memref<32x256xi32, #tpu.memory_space<vmem>>
    %dma_wait3A_66 = arith.constant 0 : i32
    %dma_wait3A_67 = tpu.memref_slice %arg2[%mul3A_2, %dma_wait3A_66] : memref<1024x1024xi32, #tpu.memory_space<hbm>> -> memref<32x256xi32, #tpu.memory_space<hbm>>
    tpu.wait_dma2 semaphore(%dma_wait3A_62 : memref<!tpu.dma_semaphore, #tpu.memory_space<semaphore_mem>>) src(%dma_wait3A_67 : memref<32x256xi32, #tpu.memory_space<hbm>>) dst(%dma_wait3A_65 : memref<32x256xi32, #tpu.memory_space<vmem>>)
    %scan3A = arith.constant 0 : i32
    %scan3A_68 = arith.constant 0 : i32
    %scan3A_69 = arith.constant 16 : i32
    %scan3A_70 = arith.addi %scan3A_68, %scan3A_69 : i32
    %scan3A_71 = arith.constant 1 : i32
    scf.for %scan3A_136 = %scan3A_68 to %scan3A_70 step %scan3A_71  : i32 {
      %broadcast_in_dim3A_137 = arith.constant 0 : i32
      %broadcast_in_dim3A_138 = vector.broadcast %broadcast_in_dim3A_137 : i32 to vector<16xi32>
      %mul3A_139 = arith.constant 16 : i32
      %mul3A_140 = arith.muli %scan3A_136, %mul3A_139 : i32
      %get3A = arith.constant 0 : i32
      %get3A_141 = arith.index_cast %get3A : i32 to index
      %get3A_142 = arith.index_cast %mul3A_140 : i32 to index
      %get3A_143 = tpu.vector_load %arg5[%get3A_141, %get3A_142] {strides = array<i32>} : memref<32x1024xi32, #tpu.memory_space<vmem>>, vector<16xi32>,
      %shift_left3A = arith.constant 0 : i32
      %shift_left3A_144 = vector.broadcast %shift_left3A : i32 to vector<16xi32>
      %shift_left3A_145 = arith.shli %get3A_143, %shift_left3A_144 : vector<16xi32>
      %or3A = arith.ori %broadcast_in_dim3A_138, %shift_left3A_145 : vector<16xi32>
      %mul3A_146 = arith.constant 16 : i32
      %mul3A_147 = arith.muli %scan3A_136, %mul3A_146 : i32
      %get3A_148 = arith.constant 1 : i32
      %get3A_149 = arith.index_cast %get3A_148 : i32 to index
      %get3A_150 = arith.index_cast %mul3A_147 : i32 to index
      %get3A_151 = tpu.vector_load %arg5[%get3A_149, %get3A_150] {strides = array<i32>} : memref<32x1024xi32, #tpu.memory_space<vmem>>, vector<16xi32>,
      %shift_left3A_152 = arith.constant 1 : i32
      %shift_left3A_153 = vector.broadcast %shift_left3A_152 : i32 to vector<16xi32>
      %shift_left3A_154 = arith.shli %get3A_151, %shift_left3A_153 : vector<16xi32>
      %or3A_155 = arith.ori %or3A, %shift_left3A_154 : vector<16xi32>
      %mul3A_156 = arith.constant 16 : i32
      %mul3A_157 = arith.muli %scan3A_136, %mul3A_156 : i32
      %get3A_158 = arith.constant 2 : i32
      %get3A_159 = arith.index_cast %get3A_158 : i32 to index
      %get3A_160 = arith.index_cast %mul3A_157 : i32 to index
      %get3A_161 = tpu.vector_load %arg5[%get3A_159, %get3A_160] {strides = array<i32>} : memref<32x1024xi32, #tpu.memory_space<vmem>>, vector<16xi32>,
      %shift_left3A_162 = arith.constant 2 : i32
      %shift_left3A_163 = vector.broadcast %shift_left3A_162 : i32 to vector<16xi32>
      %shift_left3A_164 = arith.shli %get3A_161, %shift_left3A_163 : vector<16xi32>
      %or3A_165 = arith.ori %or3A_155, %shift_left3A_164 : vector<16xi32>
      %mul3A_166 = arith.constant 16 : i32
      %mul3A_167 = arith.muli %scan3A_136, %mul3A_166 : i32
      %get3A_168 = arith.constant 3 : i32
      %get3A_169 = arith.index_cast %get3A_168 : i32 to index
      %get3A_170 = arith.index_cast %mul3A_167 : i32 to index
      %get3A_171 = tpu.vector_load %arg5[%get3A_169, %get3A_170] {strides = array<i32>} : memref<32x1024xi32, #tpu.memory_space<vmem>>, vector<16xi32>,
      %shift_left3A_172 = arith.constant 3 : i32
      %shift_left3A_173 = vector.broadcast %shift_left3A_172 : i32 to vector<16xi32>
      %shift_left3A_174 = arith.shli %get3A_171, %shift_left3A_173 : vector<16xi32>
      %or3A_175 = arith.ori %or3A_165, %shift_left3A_174 : vector<16xi32>
      %mul3A_176 = arith.constant 16 : i32
      %mul3A_177 = arith.muli %scan3A_136, %mul3A_176 : i32
      %get3A_178 = arith.constant 4 : i32
      %get3A_179 = arith.index_cast %get3A_178 : i32 to index
      %get3A_180 = arith.index_cast %mul3A_177 : i32 to index
      %get3A_181 = tpu.vector_load %arg5[%get3A_179, %get3A_180] {strides = array<i32>} : memref<32x1024xi32, #tpu.memory_space<vmem>>, vector<16xi32>,
      %shift_left3A_182 = arith.constant 4 : i32
      %shift_left3A_183 = vector.broadcast %shift_left3A_182 : i32 to vector<16xi32>
      %shift_left3A_184 = arith.shli %get3A_181, %shift_left3A_183 : vector<16xi32>
      %or3A_185 = arith.ori %or3A_175, %shift_left3A_184 : vector<16xi32>
      %mul3A_186 = arith.constant 16 : i32
      %mul3A_187 = arith.muli %scan3A_136, %mul3A_186 : i32
      %get3A_188 = arith.constant 5 : i32
      %get3A_189 = arith.index_cast %get3A_188 : i32 to index
      %get3A_190 = arith.index_cast %mul3A_187 : i32 to index
      %get3A_191 = tpu.vector_load %arg5[%get3A_189, %get3A_190] {strides = array<i32>} : memref<32x1024xi32, #tpu.memory_space<vmem>>, vector<16xi32>,
      %shift_left3A_192 = arith.constant 5 : i32
      %shift_left3A_193 = vector.broadcast %shift_left3A_192 : i32 to vector<16xi32>
      %shift_left3A_194 = arith.shli %get3A_191, %shift_left3A_193 : vector<16xi32>
      %or3A_195 = arith.ori %or3A_185, %shift_left3A_194 : vector<16xi32>
      %mul3A_196 = arith.constant 16 : i32
      %mul3A_197 = arith.muli %scan3A_136, %mul3A_196 : i32
      %get3A_198 = arith.constant 6 : i32
      %get3A_199 = arith.index_cast %get3A_198 : i32 to index
      %get3A_200 = arith.index_cast %mul3A_197 : i32 to index
      %get3A_201 = tpu.vector_load %arg5[%get3A_199, %get3A_200] {strides = array<i32>} : memref<32x1024xi32, #tpu.memory_space<vmem>>, vector<16xi32>,
      %shift_left3A_202 = arith.constant 6 : i32
      %shift_left3A_203 = vector.broadcast %shift_left3A_202 : i32 to vector<16xi32>
      %shift_left3A_204 = arith.shli %get3A_201, %shift_left3A_203 : vector<16xi32>
      %or3A_205 = arith.ori %or3A_195, %shift_left3A_204 : vector<16xi32>
      %mul3A_206 = arith.constant 16 : i32
      %mul3A_207 = arith.muli %scan3A_136, %mul3A_206 : i32
      %get3A_208 = arith.constant 7 : i32
      %get3A_209 = arith.index_cast %get3A_208 : i32 to index
      %get3A_210 = arith.index_cast %mul3A_207 : i32 to index
      %get3A_211 = tpu.vector_load %arg5[%get3A_209, %get3A_210] {strides = array<i32>} : memref<32x1024xi32, #tpu.memory_space<vmem>>, vector<16xi32>,
      %shift_left3A_212 = arith.constant 7 : i32
      %shift_left3A_213 = vector.broadcast %shift_left3A_212 : i32 to vector<16xi32>
      %shift_left3A_214 = arith.shli %get3A_211, %shift_left3A_213 : vector<16xi32>
      %or3A_215 = arith.ori %or3A_205, %shift_left3A_214 : vector<16xi32>
      %mul3A_216 = arith.constant 16 : i32
      %mul3A_217 = arith.muli %scan3A_136, %mul3A_216 : i32
      %get3A_218 = arith.constant 8 : i32
      %get3A_219 = arith.index_cast %get3A_218 : i32 to index
      %get3A_220 = arith.index_cast %mul3A_217 : i32 to index
      %get3A_221 = tpu.vector_load %arg5[%get3A_219, %get3A_220] {strides = array<i32>} : memref<32x1024xi32, #tpu.memory_space<vmem>>, vector<16xi32>,
      %shift_left3A_222 = arith.constant 8 : i32
      %shift_left3A_223 = vector.broadcast %shift_left3A_222 : i32 to vector<16xi32>
      %shift_left3A_224 = arith.shli %get3A_221, %shift_left3A_223 : vector<16xi32>
      %or3A_225 = arith.ori %or3A_215, %shift_left3A_224 : vector<16xi32>
      %mul3A_226 = arith.constant 16 : i32
      %mul3A_227 = arith.muli %scan3A_136, %mul3A_226 : i32
      %get3A_228 = arith.constant 9 : i32
      %get3A_229 = arith.index_cast %get3A_228 : i32 to index
      %get3A_230 = arith.index_cast %mul3A_227 : i32 to index
      %get3A_231 = tpu.vector_load %arg5[%get3A_229, %get3A_230] {strides = array<i32>} : memref<32x1024xi32, #tpu.memory_space<vmem>>, vector<16xi32>,
      %shift_left3A_232 = arith.constant 9 : i32
      %shift_left3A_233 = vector.broadcast %shift_left3A_232 : i32 to vector<16xi32>
      %shift_left3A_234 = arith.shli %get3A_231, %shift_left3A_233 : vector<16xi32>
      %or3A_235 = arith.ori %or3A_225, %shift_left3A_234 : vector<16xi32>
      %mul3A_236 = arith.constant 16 : i32
      %mul3A_237 = arith.muli %scan3A_136, %mul3A_236 : i32
      %get3A_238 = arith.constant 10 : i32
      %get3A_239 = arith.index_cast %get3A_238 : i32 to index
      %get3A_240 = arith.index_cast %mul3A_237 : i32 to index
      %get3A_241 = tpu.vector_load %arg5[%get3A_239, %get3A_240] {strides = array<i32>} : memref<32x1024xi32, #tpu.memory_space<vmem>>, vector<16xi32>,
      %shift_left3A_242 = arith.constant 10 : i32
      %shift_left3A_243 = vector.broadcast %shift_left3A_242 : i32 to vector<16xi32>
      %shift_left3A_244 = arith.shli %get3A_241, %shift_left3A_243 : vector<16xi32>
      %or3A_245 = arith.ori %or3A_235, %shift_left3A_244 : vector<16xi32>
      %mul3A_246 = arith.constant 16 : i32
      %mul3A_247 = arith.muli %scan3A_136, %mul3A_246 : i32
      %get3A_248 = arith.constant 11 : i32
      %get3A_249 = arith.index_cast %get3A_248 : i32 to index
      %get3A_250 = arith.index_cast %mul3A_247 : i32 to index
      %get3A_251 = tpu.vector_load %arg5[%get3A_249, %get3A_250] {strides = array<i32>} : memref<32x1024xi32, #tpu.memory_space<vmem>>, vector<16xi32>,
      %shift_left3A_252 = arith.constant 11 : i32
      %shift_left3A_253 = vector.broadcast %shift_left3A_252 : i32 to vector<16xi32>
      %shift_left3A_254 = arith.shli %get3A_251, %shift_left3A_253 : vector<16xi32>
      %or3A_255 = arith.ori %or3A_245, %shift_left3A_254 : vector<16xi32>
      %mul3A_256 = arith.constant 16 : i32
      %mul3A_257 = arith.muli %scan3A_136, %mul3A_256 : i32
      %get3A_258 = arith.constant 12 : i32
      %get3A_259 = arith.index_cast %get3A_258 : i32 to index
      %get3A_260 = arith.index_cast %mul3A_257 : i32 to index
      %get3A_261 = tpu.vector_load %arg5[%get3A_259, %get3A_260] {strides = array<i32>} : memref<32x1024xi32, #tpu.memory_space<vmem>>, vector<16xi32>,
      %shift_left3A_262 = arith.constant 12 : i32
      %shift_left3A_263 = vector.broadcast %shift_left3A_262 : i32 to vector<16xi32>
      %shift_left3A_264 = arith.shli %get3A_261, %shift_left3A_263 : vector<16xi32>
      %or3A_265 = arith.ori %or3A_255, %shift_left3A_264 : vector<16xi32>
      %mul3A_266 = arith.constant 16 : i32
      %mul3A_267 = arith.muli %scan3A_136, %mul3A_266 : i32
      %get3A_268 = arith.constant 13 : i32
      %get3A_269 = arith.index_cast %get3A_268 : i32 to index
      %get3A_270 = arith.index_cast %mul3A_267 : i32 to index
      %get3A_271 = tpu.vector_load %arg5[%get3A_269, %get3A_270] {strides = array<i32>} : memref<32x1024xi32, #tpu.memory_space<vmem>>, vector<16xi32>,
      %shift_left3A_272 = arith.constant 13 : i32
      %shift_left3A_273 = vector.broadcast %shift_left3A_272 : i32 to vector<16xi32>
      %shift_left3A_274 = arith.shli %get3A_271, %shift_left3A_273 : vector<16xi32>
      %or3A_275 = arith.ori %or3A_265, %shift_left3A_274 : vector<16xi32>
      %mul3A_276 = arith.constant 16 : i32
      %mul3A_277 = arith.muli %scan3A_136, %mul3A_276 : i32
      %get3A_278 = arith.constant 14 : i32
      %get3A_279 = arith.index_cast %get3A_278 : i32 to index
      %get3A_280 = arith.index_cast %mul3A_277 : i32 to index
      %get3A_281 = tpu.vector_load %arg5[%get3A_279, %get3A_280] {strides = array<i32>} : memref<32x1024xi32, #tpu.memory_space<vmem>>, vector<16xi32>,
      %shift_left3A_282 = arith.constant 14 : i32
      %shift_left3A_283 = vector.broadcast %shift_left3A_282 : i32 to vector<16xi32>
      %shift_left3A_284 = arith.shli %get3A_281, %shift_left3A_283 : vector<16xi32>
      %or3A_285 = arith.ori %or3A_275, %shift_left3A_284 : vector<16xi32>
      %mul3A_286 = arith.constant 16 : i32
      %mul3A_287 = arith.muli %scan3A_136, %mul3A_286 : i32
      %get3A_288 = arith.constant 15 : i32
      %get3A_289 = arith.index_cast %get3A_288 : i32 to index
      %get3A_290 = arith.index_cast %mul3A_287 : i32 to index
      %get3A_291 = tpu.vector_load %arg5[%get3A_289, %get3A_290] {strides = array<i32>} : memref<32x1024xi32, #tpu.memory_space<vmem>>, vector<16xi32>,
      %shift_left3A_292 = arith.constant 15 : i32
      %shift_left3A_293 = vector.broadcast %shift_left3A_292 : i32 to vector<16xi32>
      %shift_left3A_294 = arith.shli %get3A_291, %shift_left3A_293 : vector<16xi32>
      %or3A_295 = arith.ori %or3A_285, %shift_left3A_294 : vector<16xi32>
      %mul3A_296 = arith.constant 16 : i32
      %mul3A_297 = arith.muli %scan3A_136, %mul3A_296 : i32
      %get3A_298 = arith.constant 16 : i32
      %get3A_299 = arith.index_cast %get3A_298 : i32 to index
      %get3A_300 = arith.index_cast %mul3A_297 : i32 to index
      %get3A_301 = tpu.vector_load %arg5[%get3A_299, %get3A_300] {strides = array<i32>} : memref<32x1024xi32, #tpu.memory_space<vmem>>, vector<16xi32>,
      %shift_left3A_302 = arith.constant 16 : i32
      %shift_left3A_303 = vector.broadcast %shift_left3A_302 : i32 to vector<16xi32>
      %shift_left3A_304 = arith.shli %get3A_301, %shift_left3A_303 : vector<16xi32>
      %or3A_305 = arith.ori %or3A_295, %shift_left3A_304 : vector<16xi32>
      %mul3A_306 = arith.constant 16 : i32
      %mul3A_307 = arith.muli %scan3A_136, %mul3A_306 : i32
      %get3A_308 = arith.constant 17 : i32
      %get3A_309 = arith.index_cast %get3A_308 : i32 to index
      %get3A_310 = arith.index_cast %mul3A_307 : i32 to index
      %get3A_311 = tpu.vector_load %arg5[%get3A_309, %get3A_310] {strides = array<i32>} : memref<32x1024xi32, #tpu.memory_space<vmem>>, vector<16xi32>,
      %shift_left3A_312 = arith.constant 17 : i32
      %shift_left3A_313 = vector.broadcast %shift_left3A_312 : i32 to vector<16xi32>
      %shift_left3A_314 = arith.shli %get3A_311, %shift_left3A_313 : vector<16xi32>
      %or3A_315 = arith.ori %or3A_305, %shift_left3A_314 : vector<16xi32>
      %mul3A_316 = arith.constant 16 : i32
      %mul3A_317 = arith.muli %scan3A_136, %mul3A_316 : i32
      %get3A_318 = arith.constant 18 : i32
      %get3A_319 = arith.index_cast %get3A_318 : i32 to index
      %get3A_320 = arith.index_cast %mul3A_317 : i32 to index
      %get3A_321 = tpu.vector_load %arg5[%get3A_319, %get3A_320] {strides = array<i32>} : memref<32x1024xi32, #tpu.memory_space<vmem>>, vector<16xi32>,
      %shift_left3A_322 = arith.constant 18 : i32
      %shift_left3A_323 = vector.broadcast %shift_left3A_322 : i32 to vector<16xi32>
      %shift_left3A_324 = arith.shli %get3A_321, %shift_left3A_323 : vector<16xi32>
      %or3A_325 = arith.ori %or3A_315, %shift_left3A_324 : vector<16xi32>
      %mul3A_326 = arith.constant 16 : i32
      %mul3A_327 = arith.muli %scan3A_136, %mul3A_326 : i32
      %get3A_328 = arith.constant 19 : i32
      %get3A_329 = arith.index_cast %get3A_328 : i32 to index
      %get3A_330 = arith.index_cast %mul3A_327 : i32 to index
      %get3A_331 = tpu.vector_load %arg5[%get3A_329, %get3A_330] {strides = array<i32>} : memref<32x1024xi32, #tpu.memory_space<vmem>>, vector<16xi32>,
      %shift_left3A_332 = arith.constant 19 : i32
      %shift_left3A_333 = vector.broadcast %shift_left3A_332 : i32 to vector<16xi32>
      %shift_left3A_334 = arith.shli %get3A_331, %shift_left3A_333 : vector<16xi32>
      %or3A_335 = arith.ori %or3A_325, %shift_left3A_334 : vector<16xi32>
      %mul3A_336 = arith.constant 16 : i32
      %mul3A_337 = arith.muli %scan3A_136, %mul3A_336 : i32
      %get3A_338 = arith.constant 20 : i32
      %get3A_339 = arith.index_cast %get3A_338 : i32 to index
      %get3A_340 = arith.index_cast %mul3A_337 : i32 to index
      %get3A_341 = tpu.vector_load %arg5[%get3A_339, %get3A_340] {strides = array<i32>} : memref<32x1024xi32, #tpu.memory_space<vmem>>, vector<16xi32>,
      %shift_left3A_342 = arith.constant 20 : i32
      %shift_left3A_343 = vector.broadcast %shift_left3A_342 : i32 to vector<16xi32>
      %shift_left3A_344 = arith.shli %get3A_341, %shift_left3A_343 : vector<16xi32>
      %or3A_345 = arith.ori %or3A_335, %shift_left3A_344 : vector<16xi32>
      %mul3A_346 = arith.constant 16 : i32
      %mul3A_347 = arith.muli %scan3A_136, %mul3A_346 : i32
      %get3A_348 = arith.constant 21 : i32
      %get3A_349 = arith.index_cast %get3A_348 : i32 to index
      %get3A_350 = arith.index_cast %mul3A_347 : i32 to index
      %get3A_351 = tpu.vector_load %arg5[%get3A_349, %get3A_350] {strides = array<i32>} : memref<32x1024xi32, #tpu.memory_space<vmem>>, vector<16xi32>,
      %shift_left3A_352 = arith.constant 21 : i32
      %shift_left3A_353 = vector.broadcast %shift_left3A_352 : i32 to vector<16xi32>
      %shift_left3A_354 = arith.shli %get3A_351, %shift_left3A_353 : vector<16xi32>
      %or3A_355 = arith.ori %or3A_345, %shift_left3A_354 : vector<16xi32>
      %mul3A_356 = arith.constant 16 : i32
      %mul3A_357 = arith.muli %scan3A_136, %mul3A_356 : i32
      %get3A_358 = arith.constant 22 : i32
      %get3A_359 = arith.index_cast %get3A_358 : i32 to index
      %get3A_360 = arith.index_cast %mul3A_357 : i32 to index
      %get3A_361 = tpu.vector_load %arg5[%get3A_359, %get3A_360] {strides = array<i32>} : memref<32x1024xi32, #tpu.memory_space<vmem>>, vector<16xi32>,
      %shift_left3A_362 = arith.constant 22 : i32
      %shift_left3A_363 = vector.broadcast %shift_left3A_362 : i32 to vector<16xi32>
      %shift_left3A_364 = arith.shli %get3A_361, %shift_left3A_363 : vector<16xi32>
      %or3A_365 = arith.ori %or3A_355, %shift_left3A_364 : vector<16xi32>
      %mul3A_366 = arith.constant 16 : i32
      %mul3A_367 = arith.muli %scan3A_136, %mul3A_366 : i32
      %get3A_368 = arith.constant 23 : i32
      %get3A_369 = arith.index_cast %get3A_368 : i32 to index
      %get3A_370 = arith.index_cast %mul3A_367 : i32 to index
      %get3A_371 = tpu.vector_load %arg5[%get3A_369, %get3A_370] {strides = array<i32>} : memref<32x1024xi32, #tpu.memory_space<vmem>>, vector<16xi32>,
      %shift_left3A_372 = arith.constant 23 : i32
      %shift_left3A_373 = vector.broadcast %shift_left3A_372 : i32 to vector<16xi32>
      %shift_left3A_374 = arith.shli %get3A_371, %shift_left3A_373 : vector<16xi32>
      %or3A_375 = arith.ori %or3A_365, %shift_left3A_374 : vector<16xi32>
      %mul3A_376 = arith.constant 16 : i32
      %mul3A_377 = arith.muli %scan3A_136, %mul3A_376 : i32
      %get3A_378 = arith.constant 24 : i32
      %get3A_379 = arith.index_cast %get3A_378 : i32 to index
      %get3A_380 = arith.index_cast %mul3A_377 : i32 to index
      %get3A_381 = tpu.vector_load %arg5[%get3A_379, %get3A_380] {strides = array<i32>} : memref<32x1024xi32, #tpu.memory_space<vmem>>, vector<16xi32>,
      %shift_left3A_382 = arith.constant 24 : i32
      %shift_left3A_383 = vector.broadcast %shift_left3A_382 : i32 to vector<16xi32>
      %shift_left3A_384 = arith.shli %get3A_381, %shift_left3A_383 : vector<16xi32>
      %or3A_385 = arith.ori %or3A_375, %shift_left3A_384 : vector<16xi32>
      %mul3A_386 = arith.constant 16 : i32
      %mul3A_387 = arith.muli %scan3A_136, %mul3A_386 : i32
      %get3A_388 = arith.constant 25 : i32
      %get3A_389 = arith.index_cast %get3A_388 : i32 to index
      %get3A_390 = arith.index_cast %mul3A_387 : i32 to index
      %get3A_391 = tpu.vector_load %arg5[%get3A_389, %get3A_390] {strides = array<i32>} : memref<32x1024xi32, #tpu.memory_space<vmem>>, vector<16xi32>,
      %shift_left3A_392 = arith.constant 25 : i32
      %shift_left3A_393 = vector.broadcast %shift_left3A_392 : i32 to vector<16xi32>
      %shift_left3A_394 = arith.shli %get3A_391, %shift_left3A_393 : vector<16xi32>
      %or3A_395 = arith.ori %or3A_385, %shift_left3A_394 : vector<16xi32>
      %mul3A_396 = arith.constant 16 : i32
      %mul3A_397 = arith.muli %scan3A_136, %mul3A_396 : i32
      %get3A_398 = arith.constant 26 : i32
      %get3A_399 = arith.index_cast %get3A_398 : i32 to index
      %get3A_400 = arith.index_cast %mul3A_397 : i32 to index
      %get3A_401 = tpu.vector_load %arg5[%get3A_399, %get3A_400] {strides = array<i32>} : memref<32x1024xi32, #tpu.memory_space<vmem>>, vector<16xi32>,
      %shift_left3A_402 = arith.constant 26 : i32
      %shift_left3A_403 = vector.broadcast %shift_left3A_402 : i32 to vector<16xi32>
      %shift_left3A_404 = arith.shli %get3A_401, %shift_left3A_403 : vector<16xi32>
      %or3A_405 = arith.ori %or3A_395, %shift_left3A_404 : vector<16xi32>
      %mul3A_406 = arith.constant 16 : i32
      %mul3A_407 = arith.muli %scan3A_136, %mul3A_406 : i32
      %get3A_408 = arith.constant 27 : i32
      %get3A_409 = arith.index_cast %get3A_408 : i32 to index
      %get3A_410 = arith.index_cast %mul3A_407 : i32 to index
      %get3A_411 = tpu.vector_load %arg5[%get3A_409, %get3A_410] {strides = array<i32>} : memref<32x1024xi32, #tpu.memory_space<vmem>>, vector<16xi32>,
      %shift_left3A_412 = arith.constant 27 : i32
      %shift_left3A_413 = vector.broadcast %shift_left3A_412 : i32 to vector<16xi32>
      %shift_left3A_414 = arith.shli %get3A_411, %shift_left3A_413 : vector<16xi32>
      %or3A_415 = arith.ori %or3A_405, %shift_left3A_414 : vector<16xi32>
      %mul3A_416 = arith.constant 16 : i32
      %mul3A_417 = arith.muli %scan3A_136, %mul3A_416 : i32
      %get3A_418 = arith.constant 28 : i32
      %get3A_419 = arith.index_cast %get3A_418 : i32 to index
      %get3A_420 = arith.index_cast %mul3A_417 : i32 to index
      %get3A_421 = tpu.vector_load %arg5[%get3A_419, %get3A_420] {strides = array<i32>} : memref<32x1024xi32, #tpu.memory_space<vmem>>, vector<16xi32>,
      %shift_left3A_422 = arith.constant 28 : i32
      %shift_left3A_423 = vector.broadcast %shift_left3A_422 : i32 to vector<16xi32>
      %shift_left3A_424 = arith.shli %get3A_421, %shift_left3A_423 : vector<16xi32>
      %or3A_425 = arith.ori %or3A_415, %shift_left3A_424 : vector<16xi32>
      %mul3A_426 = arith.constant 16 : i32
      %mul3A_427 = arith.muli %scan3A_136, %mul3A_426 : i32
      %get3A_428 = arith.constant 29 : i32
      %get3A_429 = arith.index_cast %get3A_428 : i32 to index
      %get3A_430 = arith.index_cast %mul3A_427 : i32 to index
      %get3A_431 = tpu.vector_load %arg5[%get3A_429, %get3A_430] {strides = array<i32>} : memref<32x1024xi32, #tpu.memory_space<vmem>>, vector<16xi32>,
      %shift_left3A_432 = arith.constant 29 : i32
      %shift_left3A_433 = vector.broadcast %shift_left3A_432 : i32 to vector<16xi32>
      %shift_left3A_434 = arith.shli %get3A_431, %shift_left3A_433 : vector<16xi32>
      %or3A_435 = arith.ori %or3A_425, %shift_left3A_434 : vector<16xi32>
      %mul3A_436 = arith.constant 16 : i32
      %mul3A_437 = arith.muli %scan3A_136, %mul3A_436 : i32
      %get3A_438 = arith.constant 30 : i32
      %get3A_439 = arith.index_cast %get3A_438 : i32 to index
      %get3A_440 = arith.index_cast %mul3A_437 : i32 to index
      %get3A_441 = tpu.vector_load %arg5[%get3A_439, %get3A_440] {strides = array<i32>} : memref<32x1024xi32, #tpu.memory_space<vmem>>, vector<16xi32>,
      %shift_left3A_442 = arith.constant 30 : i32
      %shift_left3A_443 = vector.broadcast %shift_left3A_442 : i32 to vector<16xi32>
      %shift_left3A_444 = arith.shli %get3A_441, %shift_left3A_443 : vector<16xi32>
      %or3A_445 = arith.ori %or3A_435, %shift_left3A_444 : vector<16xi32>
      %mul3A_446 = arith.constant 16 : i32
      %mul3A_447 = arith.muli %scan3A_136, %mul3A_446 : i32
      %get3A_448 = arith.constant 31 : i32
      %get3A_449 = arith.index_cast %get3A_448 : i32 to index
      %get3A_450 = arith.index_cast %mul3A_447 : i32 to index
      %get3A_451 = tpu.vector_load %arg5[%get3A_449, %get3A_450] {strides = array<i32>} : memref<32x1024xi32, #tpu.memory_space<vmem>>, vector<16xi32>,
      %shift_left3A_452 = arith.constant 31 : i32
      %shift_left3A_453 = vector.broadcast %shift_left3A_452 : i32 to vector<16xi32>
      %shift_left3A_454 = arith.shli %get3A_451, %shift_left3A_453 : vector<16xi32>
      %or3A_455 = arith.ori %or3A_445, %shift_left3A_454 : vector<16xi32>
      %mul3A_456 = arith.constant 16 : i32
      %mul3A_457 = arith.muli %scan3A_136, %mul3A_456 : i32
      %add3A_458 = arith.constant 1 : i32
      %add3A_459 = arith.addi %add3A_458, %mul3A_457 : i32
      %swap3A_460 = arith.index_cast %add3A_459 : i32 to index
      %swap3A_461 = tpu.vector_load %arg7[%swap3A_460] {strides = array<i32>} : memref<2064xi32, #tpu.memory_space<vmem>>, vector<16xi32>,
      tpu.vector_store %arg7[%swap3A_460], %or3A_455 {strides = array<i32>} : memref<2064xi32, #tpu.memory_space<vmem>>, vector<16xi32>,
      %not3A = arith.constant dense<-1> : vector<16xi32>
      %not3A_462 = arith.xori %or3A_455, %not3A : vector<16xi32>
      %mul3A_463 = arith.constant 16 : i32
      %mul3A_464 = arith.muli %scan3A_136, %mul3A_463 : i32
      %add3A_465 = arith.constant 1025 : i32
      %add3A_466 = arith.addi %add3A_465, %mul3A_464 : i32
      %swap3A_467 = arith.index_cast %add3A_466 : i32 to index
      %swap3A_468 = tpu.vector_load %arg7[%swap3A_467] {strides = array<i32>} : memref<2064xi32, #tpu.memory_space<vmem>>, vector<16xi32>,
      tpu.vector_store %arg7[%swap3A_467], %not3A_462 {strides = array<i32>} : memref<2064xi32, #tpu.memory_space<vmem>>, vector<16xi32>,
    }
    %scan3A_72 = arith.constant 16 : i32
    %dma_wait3A_73 = arith.constant 1 : i32
    %dma_wait3A_74 = arith.constant 0 : i32
    %dma_wait3A_75 = arith.constant 256 : i32
    %dma_wait3A_76 = tpu.memref_slice %arg5[%dma_wait3A_74, %dma_wait3A_75] : memref<32x1024xi32, #tpu.memory_space<vmem>> -> memref<32x256xi32, #tpu.memory_space<vmem>>
    %dma_wait3A_77 = arith.constant 256 : i32
    %dma_wait3A_78 = tpu.memref_slice %arg2[%mul3A_2, %dma_wait3A_77] : memref<1024x1024xi32, #tpu.memory_space<hbm>> -> memref<32x256xi32, #tpu.memory_space<hbm>>
    %dma_wait3A_79 = tpu.memref_slice %arg9[%dma_wait3A_73] : memref<4x!tpu.dma_semaphore, #tpu.memory_space<semaphore_mem>> -> memref<1x!tpu.dma_semaphore, #tpu.memory_space<semaphore_mem>>
    %dma_wait3A_80 = tpu.memref_squeeze %dma_wait3A_79 : memref<1x!tpu.dma_semaphore, #tpu.memory_space<semaphore_mem>> -> memref<!tpu.dma_semaphore, #tpu.memory_space<semaphore_mem>>
    %dma_wait3A_81 = arith.constant 0 : i32
    %dma_wait3A_82 = arith.constant 256 : i32
    %dma_wait3A_83 = tpu.memref_slice %arg5[%dma_wait3A_81, %dma_wait3A_82] : memref<32x1024xi32, #tpu.memory_space<vmem>> -> memref<32x256xi32, #tpu.memory_space<vmem>>
    %dma_wait3A_84 = arith.constant 256 : i32
    %dma_wait3A_85 = tpu.memref_slice %arg2[%mul3A_2, %dma_wait3A_84] : memref<1024x1024xi32, #tpu.memory_space<hbm>> -> memref<32x256xi32, #tpu.memory_space<hbm>>
    tpu.wait_dma2 semaphore(%dma_wait3A_80 : memref<!tpu.dma_semaphore, #tpu.memory_space<semaphore_mem>>) src(%dma_wait3A_85 : memref<32x256xi32, #tpu.memory_space<hbm>>) dst(%dma_wait3A_83 : memref<32x256xi32, #tpu.memory_space<vmem>>)
    %scan3A_86 = arith.constant 0 : i32
    %scan3A_87 = arith.constant 16 : i32
    %scan3A_88 = arith.constant 16 : i32
    %scan3A_89 = arith.addi %scan3A_87, %scan3A_88 : i32
    %scan3A_90 = arith.constant 1 : i32
    scf.for %scan3A_136 = %scan3A_87 to %scan3A_89 step %scan3A_90  : i32 {
      %broadcast_in_dim3A_137 = arith.constant 0 : i32
      %broadcast_in_dim3A_138 = vector.broadcast %broadcast_in_dim3A_137 : i32 to vector<16xi32>
      %mul3A_139 = arith.constant 16 : i32
      %mul3A_140 = arith.muli %scan3A_136, %mul3A_139 : i32
      %get3A = arith.constant 0 : i32
      %get3A_141 = arith.index_cast %get3A : i32 to index
      %get3A_142 = arith.index_cast %mul3A_140 : i32 to index
      %get3A_143 = tpu.vector_load %arg5[%get3A_141, %get3A_142] {strides = array<i32>} : memref<32x1024xi32, #tpu.memory_space<vmem>>, vector<16xi32>,
      %shift_left3A = arith.constant 0 : i32
      %shift_left3A_144 = vector.broadcast %shift_left3A : i32 to vector<16xi32>
      %shift_left3A_145 = arith.shli %get3A_143, %shift_left3A_144 : vector<16xi32>
      %or3A = arith.ori %broadcast_in_dim3A_138, %shift_left3A_145 : vector<16xi32>
      %mul3A_146 = arith.constant 16 : i32
      %mul3A_147 = arith.muli %scan3A_136, %mul3A_146 : i32
      %get3A_148 = arith.constant 1 : i32
      %get3A_149 = arith.index_cast %get3A_148 : i32 to index
      %get3A_150 = arith.index_cast %mul3A_147 : i32 to index
      %get3A_151 = tpu.vector_load %arg5[%get3A_149, %get3A_150] {strides = array<i32>} : memref<32x1024xi32, #tpu.memory_space<vmem>>, vector<16xi32>,
      %shift_left3A_152 = arith.constant 1 : i32
      %shift_left3A_153 = vector.broadcast %shift_left3A_152 : i32 to vector<16xi32>
      %shift_left3A_154 = arith.shli %get3A_151, %shift_left3A_153 : vector<16xi32>
      %or3A_155 = arith.ori %or3A, %shift_left3A_154 : vector<16xi32>
      %mul3A_156 = arith.constant 16 : i32
      %mul3A_157 = arith.muli %scan3A_136, %mul3A_156 : i32
      %get3A_158 = arith.constant 2 : i32
      %get3A_159 = arith.index_cast %get3A_158 : i32 to index
      %get3A_160 = arith.index_cast %mul3A_157 : i32 to index
      %get3A_161 = tpu.vector_load %arg5[%get3A_159, %get3A_160] {strides = array<i32>} : memref<32x1024xi32, #tpu.memory_space<vmem>>, vector<16xi32>,
      %shift_left3A_162 = arith.constant 2 : i32
      %shift_left3A_163 = vector.broadcast %shift_left3A_162 : i32 to vector<16xi32>
      %shift_left3A_164 = arith.shli %get3A_161, %shift_left3A_163 : vector<16xi32>
      %or3A_165 = arith.ori %or3A_155, %shift_left3A_164 : vector<16xi32>
      %mul3A_166 = arith.constant 16 : i32
      %mul3A_167 = arith.muli %scan3A_136, %mul3A_166 : i32
      %get3A_168 = arith.constant 3 : i32
      %get3A_169 = arith.index_cast %get3A_168 : i32 to index
      %get3A_170 = arith.index_cast %mul3A_167 : i32 to index
      %get3A_171 = tpu.vector_load %arg5[%get3A_169, %get3A_170] {strides = array<i32>} : memref<32x1024xi32, #tpu.memory_space<vmem>>, vector<16xi32>,
      %shift_left3A_172 = arith.constant 3 : i32
      %shift_left3A_173 = vector.broadcast %shift_left3A_172 : i32 to vector<16xi32>
      %shift_left3A_174 = arith.shli %get3A_171, %shift_left3A_173 : vector<16xi32>
      %or3A_175 = arith.ori %or3A_165, %shift_left3A_174 : vector<16xi32>
      %mul3A_176 = arith.constant 16 : i32
      %mul3A_177 = arith.muli %scan3A_136, %mul3A_176 : i32
      %get3A_178 = arith.constant 4 : i32
      %get3A_179 = arith.index_cast %get3A_178 : i32 to index
      %get3A_180 = arith.index_cast %mul3A_177 : i32 to index
      %get3A_181 = tpu.vector_load %arg5[%get3A_179, %get3A_180] {strides = array<i32>} : memref<32x1024xi32, #tpu.memory_space<vmem>>, vector<16xi32>,
      %shift_left3A_182 = arith.constant 4 : i32
      %shift_left3A_183 = vector.broadcast %shift_left3A_182 : i32 to vector<16xi32>
      %shift_left3A_184 = arith.shli %get3A_181, %shift_left3A_183 : vector<16xi32>
      %or3A_185 = arith.ori %or3A_175, %shift_left3A_184 : vector<16xi32>
      %mul3A_186 = arith.constant 16 : i32
      %mul3A_187 = arith.muli %scan3A_136, %mul3A_186 : i32
      %get3A_188 = arith.constant 5 : i32
      %get3A_189 = arith.index_cast %get3A_188 : i32 to index
      %get3A_190 = arith.index_cast %mul3A_187 : i32 to index
      %get3A_191 = tpu.vector_load %arg5[%get3A_189, %get3A_190] {strides = array<i32>} : memref<32x1024xi32, #tpu.memory_space<vmem>>, vector<16xi32>,
      %shift_left3A_192 = arith.constant 5 : i32
      %shift_left3A_193 = vector.broadcast %shift_left3A_192 : i32 to vector<16xi32>
      %shift_left3A_194 = arith.shli %get3A_191, %shift_left3A_193 : vector<16xi32>
      %or3A_195 = arith.ori %or3A_185, %shift_left3A_194 : vector<16xi32>
      %mul3A_196 = arith.constant 16 : i32
      %mul3A_197 = arith.muli %scan3A_136, %mul3A_196 : i32
      %get3A_198 = arith.constant 6 : i32
      %get3A_199 = arith.index_cast %get3A_198 : i32 to index
      %get3A_200 = arith.index_cast %mul3A_197 : i32 to index
      %get3A_201 = tpu.vector_load %arg5[%get3A_199, %get3A_200] {strides = array<i32>} : memref<32x1024xi32, #tpu.memory_space<vmem>>, vector<16xi32>,
      %shift_left3A_202 = arith.constant 6 : i32
      %shift_left3A_203 = vector.broadcast %shift_left3A_202 : i32 to vector<16xi32>
      %shift_left3A_204 = arith.shli %get3A_201, %shift_left3A_203 : vector<16xi32>
      %or3A_205 = arith.ori %or3A_195, %shift_left3A_204 : vector<16xi32>
      %mul3A_206 = arith.constant 16 : i32
      %mul3A_207 = arith.muli %scan3A_136, %mul3A_206 : i32
      %get3A_208 = arith.constant 7 : i32
      %get3A_209 = arith.index_cast %get3A_208 : i32 to index
      %get3A_210 = arith.index_cast %mul3A_207 : i32 to index
      %get3A_211 = tpu.vector_load %arg5[%get3A_209, %get3A_210] {strides = array<i32>} : memref<32x1024xi32, #tpu.memory_space<vmem>>, vector<16xi32>,
      %shift_left3A_212 = arith.constant 7 : i32
      %shift_left3A_213 = vector.broadcast %shift_left3A_212 : i32 to vector<16xi32>
      %shift_left3A_214 = arith.shli %get3A_211, %shift_left3A_213 : vector<16xi32>
      %or3A_215 = arith.ori %or3A_205, %shift_left3A_214 : vector<16xi32>
      %mul3A_216 = arith.constant 16 : i32
      %mul3A_217 = arith.muli %scan3A_136, %mul3A_216 : i32
      %get3A_218 = arith.constant 8 : i32
      %get3A_219 = arith.index_cast %get3A_218 : i32 to index
      %get3A_220 = arith.index_cast %mul3A_217 : i32 to index
      %get3A_221 = tpu.vector_load %arg5[%get3A_219, %get3A_220] {strides = array<i32>} : memref<32x1024xi32, #tpu.memory_space<vmem>>, vector<16xi32>,
      %shift_left3A_222 = arith.constant 8 : i32
      %shift_left3A_223 = vector.broadcast %shift_left3A_222 : i32 to vector<16xi32>
      %shift_left3A_224 = arith.shli %get3A_221, %shift_left3A_223 : vector<16xi32>
      %or3A_225 = arith.ori %or3A_215, %shift_left3A_224 : vector<16xi32>
      %mul3A_226 = arith.constant 16 : i32
      %mul3A_227 = arith.muli %scan3A_136, %mul3A_226 : i32
      %get3A_228 = arith.constant 9 : i32
      %get3A_229 = arith.index_cast %get3A_228 : i32 to index
      %get3A_230 = arith.index_cast %mul3A_227 : i32 to index
      %get3A_231 = tpu.vector_load %arg5[%get3A_229, %get3A_230] {strides = array<i32>} : memref<32x1024xi32, #tpu.memory_space<vmem>>, vector<16xi32>,
      %shift_left3A_232 = arith.constant 9 : i32
      %shift_left3A_233 = vector.broadcast %shift_left3A_232 : i32 to vector<16xi32>
      %shift_left3A_234 = arith.shli %get3A_231, %shift_left3A_233 : vector<16xi32>
      %or3A_235 = arith.ori %or3A_225, %shift_left3A_234 : vector<16xi32>
      %mul3A_236 = arith.constant 16 : i32
      %mul3A_237 = arith.muli %scan3A_136, %mul3A_236 : i32
      %get3A_238 = arith.constant 10 : i32
      %get3A_239 = arith.index_cast %get3A_238 : i32 to index
      %get3A_240 = arith.index_cast %mul3A_237 : i32 to index
      %get3A_241 = tpu.vector_load %arg5[%get3A_239, %get3A_240] {strides = array<i32>} : memref<32x1024xi32, #tpu.memory_space<vmem>>, vector<16xi32>,
      %shift_left3A_242 = arith.constant 10 : i32
      %shift_left3A_243 = vector.broadcast %shift_left3A_242 : i32 to vector<16xi32>
      %shift_left3A_244 = arith.shli %get3A_241, %shift_left3A_243 : vector<16xi32>
      %or3A_245 = arith.ori %or3A_235, %shift_left3A_244 : vector<16xi32>
      %mul3A_246 = arith.constant 16 : i32
      %mul3A_247 = arith.muli %scan3A_136, %mul3A_246 : i32
      %get3A_248 = arith.constant 11 : i32
      %get3A_249 = arith.index_cast %get3A_248 : i32 to index
      %get3A_250 = arith.index_cast %mul3A_247 : i32 to index
      %get3A_251 = tpu.vector_load %arg5[%get3A_249, %get3A_250] {strides = array<i32>} : memref<32x1024xi32, #tpu.memory_space<vmem>>, vector<16xi32>,
      %shift_left3A_252 = arith.constant 11 : i32
      %shift_left3A_253 = vector.broadcast %shift_left3A_252 : i32 to vector<16xi32>
      %shift_left3A_254 = arith.shli %get3A_251, %shift_left3A_253 : vector<16xi32>
      %or3A_255 = arith.ori %or3A_245, %shift_left3A_254 : vector<16xi32>
      %mul3A_256 = arith.constant 16 : i32
      %mul3A_257 = arith.muli %scan3A_136, %mul3A_256 : i32
      %get3A_258 = arith.constant 12 : i32
      %get3A_259 = arith.index_cast %get3A_258 : i32 to index
      %get3A_260 = arith.index_cast %mul3A_257 : i32 to index
      %get3A_261 = tpu.vector_load %arg5[%get3A_259, %get3A_260] {strides = array<i32>} : memref<32x1024xi32, #tpu.memory_space<vmem>>, vector<16xi32>,
      %shift_left3A_262 = arith.constant 12 : i32
      %shift_left3A_263 = vector.broadcast %shift_left3A_262 : i32 to vector<16xi32>
      %shift_left3A_264 = arith.shli %get3A_261, %shift_left3A_263 : vector<16xi32>
      %or3A_265 = arith.ori %or3A_255, %shift_left3A_264 : vector<16xi32>
      %mul3A_266 = arith.constant 16 : i32
      %mul3A_267 = arith.muli %scan3A_136, %mul3A_266 : i32
      %get3A_268 = arith.constant 13 : i32
      %get3A_269 = arith.index_cast %get3A_268 : i32 to index
      %get3A_270 = arith.index_cast %mul3A_267 : i32 to index
      %get3A_271 = tpu.vector_load %arg5[%get3A_269, %get3A_270] {strides = array<i32>} : memref<32x1024xi32, #tpu.memory_space<vmem>>, vector<16xi32>,
      %shift_left3A_272 = arith.constant 13 : i32
      %shift_left3A_273 = vector.broadcast %shift_left3A_272 : i32 to vector<16xi32>
      %shift_left3A_274 = arith.shli %get3A_271, %shift_left3A_273 : vector<16xi32>
      %or3A_275 = arith.ori %or3A_265, %shift_left3A_274 : vector<16xi32>
      %mul3A_276 = arith.constant 16 : i32
      %mul3A_277 = arith.muli %scan3A_136, %mul3A_276 : i32
      %get3A_278 = arith.constant 14 : i32
      %get3A_279 = arith.index_cast %get3A_278 : i32 to index
      %get3A_280 = arith.index_cast %mul3A_277 : i32 to index
      %get3A_281 = tpu.vector_load %arg5[%get3A_279, %get3A_280] {strides = array<i32>} : memref<32x1024xi32, #tpu.memory_space<vmem>>, vector<16xi32>,
      %shift_left3A_282 = arith.constant 14 : i32
      %shift_left3A_283 = vector.broadcast %shift_left3A_282 : i32 to vector<16xi32>
      %shift_left3A_284 = arith.shli %get3A_281, %shift_left3A_283 : vector<16xi32>
      %or3A_285 = arith.ori %or3A_275, %shift_left3A_284 : vector<16xi32>
      %mul3A_286 = arith.constant 16 : i32
      %mul3A_287 = arith.muli %scan3A_136, %mul3A_286 : i32
      %get3A_288 = arith.constant 15 : i32
      %get3A_289 = arith.index_cast %get3A_288 : i32 to index
      %get3A_290 = arith.index_cast %mul3A_287 : i32 to index
      %get3A_291 = tpu.vector_load %arg5[%get3A_289, %get3A_290] {strides = array<i32>} : memref<32x1024xi32, #tpu.memory_space<vmem>>, vector<16xi32>,
      %shift_left3A_292 = arith.constant 15 : i32
      %shift_left3A_293 = vector.broadcast %shift_left3A_292 : i32 to vector<16xi32>
      %shift_left3A_294 = arith.shli %get3A_291, %shift_left3A_293 : vector<16xi32>
      %or3A_295 = arith.ori %or3A_285, %shift_left3A_294 : vector<16xi32>
      %mul3A_296 = arith.constant 16 : i32
      %mul3A_297 = arith.muli %scan3A_136, %mul3A_296 : i32
      %get3A_298 = arith.constant 16 : i32
      %get3A_299 = arith.index_cast %get3A_298 : i32 to index
      %get3A_300 = arith.index_cast %mul3A_297 : i32 to index
      %get3A_301 = tpu.vector_load %arg5[%get3A_299, %get3A_300] {strides = array<i32>} : memref<32x1024xi32, #tpu.memory_space<vmem>>, vector<16xi32>,
      %shift_left3A_302 = arith.constant 16 : i32
      %shift_left3A_303 = vector.broadcast %shift_left3A_302 : i32 to vector<16xi32>
      %shift_left3A_304 = arith.shli %get3A_301, %shift_left3A_303 : vector<16xi32>
      %or3A_305 = arith.ori %or3A_295, %shift_left3A_304 : vector<16xi32>
      %mul3A_306 = arith.constant 16 : i32
      %mul3A_307 = arith.muli %scan3A_136, %mul3A_306 : i32
      %get3A_308 = arith.constant 17 : i32
      %get3A_309 = arith.index_cast %get3A_308 : i32 to index
      %get3A_310 = arith.index_cast %mul3A_307 : i32 to index
      %get3A_311 = tpu.vector_load %arg5[%get3A_309, %get3A_310] {strides = array<i32>} : memref<32x1024xi32, #tpu.memory_space<vmem>>, vector<16xi32>,
      %shift_left3A_312 = arith.constant 17 : i32
      %shift_left3A_313 = vector.broadcast %shift_left3A_312 : i32 to vector<16xi32>
      %shift_left3A_314 = arith.shli %get3A_311, %shift_left3A_313 : vector<16xi32>
      %or3A_315 = arith.ori %or3A_305, %shift_left3A_314 : vector<16xi32>
      %mul3A_316 = arith.constant 16 : i32
      %mul3A_317 = arith.muli %scan3A_136, %mul3A_316 : i32
      %get3A_318 = arith.constant 18 : i32
      %get3A_319 = arith.index_cast %get3A_318 : i32 to index
      %get3A_320 = arith.index_cast %mul3A_317 : i32 to index
      %get3A_321 = tpu.vector_load %arg5[%get3A_319, %get3A_320] {strides = array<i32>} : memref<32x1024xi32, #tpu.memory_space<vmem>>, vector<16xi32>,
      %shift_left3A_322 = arith.constant 18 : i32
      %shift_left3A_323 = vector.broadcast %shift_left3A_322 : i32 to vector<16xi32>
      %shift_left3A_324 = arith.shli %get3A_321, %shift_left3A_323 : vector<16xi32>
      %or3A_325 = arith.ori %or3A_315, %shift_left3A_324 : vector<16xi32>
      %mul3A_326 = arith.constant 16 : i32
      %mul3A_327 = arith.muli %scan3A_136, %mul3A_326 : i32
      %get3A_328 = arith.constant 19 : i32
      %get3A_329 = arith.index_cast %get3A_328 : i32 to index
      %get3A_330 = arith.index_cast %mul3A_327 : i32 to index
      %get3A_331 = tpu.vector_load %arg5[%get3A_329, %get3A_330] {strides = array<i32>} : memref<32x1024xi32, #tpu.memory_space<vmem>>, vector<16xi32>,
      %shift_left3A_332 = arith.constant 19 : i32
      %shift_left3A_333 = vector.broadcast %shift_left3A_332 : i32 to vector<16xi32>
      %shift_left3A_334 = arith.shli %get3A_331, %shift_left3A_333 : vector<16xi32>
      %or3A_335 = arith.ori %or3A_325, %shift_left3A_334 : vector<16xi32>
      %mul3A_336 = arith.constant 16 : i32
      %mul3A_337 = arith.muli %scan3A_136, %mul3A_336 : i32
      %get3A_338 = arith.constant 20 : i32
      %get3A_339 = arith.index_cast %get3A_338 : i32 to index
      %get3A_340 = arith.index_cast %mul3A_337 : i32 to index
      %get3A_341 = tpu.vector_load %arg5[%get3A_339, %get3A_340] {strides = array<i32>} : memref<32x1024xi32, #tpu.memory_space<vmem>>, vector<16xi32>,
      %shift_left3A_342 = arith.constant 20 : i32
      %shift_left3A_343 = vector.broadcast %shift_left3A_342 : i32 to vector<16xi32>
      %shift_left3A_344 = arith.shli %get3A_341, %shift_left3A_343 : vector<16xi32>
      %or3A_345 = arith.ori %or3A_335, %shift_left3A_344 : vector<16xi32>
      %mul3A_346 = arith.constant 16 : i32
      %mul3A_347 = arith.muli %scan3A_136, %mul3A_346 : i32
      %get3A_348 = arith.constant 21 : i32
      %get3A_349 = arith.index_cast %get3A_348 : i32 to index
      %get3A_350 = arith.index_cast %mul3A_347 : i32 to index
      %get3A_351 = tpu.vector_load %arg5[%get3A_349, %get3A_350] {strides = array<i32>} : memref<32x1024xi32, #tpu.memory_space<vmem>>, vector<16xi32>,
      %shift_left3A_352 = arith.constant 21 : i32
      %shift_left3A_353 = vector.broadcast %shift_left3A_352 : i32 to vector<16xi32>
      %shift_left3A_354 = arith.shli %get3A_351, %shift_left3A_353 : vector<16xi32>
      %or3A_355 = arith.ori %or3A_345, %shift_left3A_354 : vector<16xi32>
      %mul3A_356 = arith.constant 16 : i32
      %mul3A_357 = arith.muli %scan3A_136, %mul3A_356 : i32
      %get3A_358 = arith.constant 22 : i32
      %get3A_359 = arith.index_cast %get3A_358 : i32 to index
      %get3A_360 = arith.index_cast %mul3A_357 : i32 to index
      %get3A_361 = tpu.vector_load %arg5[%get3A_359, %get3A_360] {strides = array<i32>} : memref<32x1024xi32, #tpu.memory_space<vmem>>, vector<16xi32>,
      %shift_left3A_362 = arith.constant 22 : i32
      %shift_left3A_363 = vector.broadcast %shift_left3A_362 : i32 to vector<16xi32>
      %shift_left3A_364 = arith.shli %get3A_361, %shift_left3A_363 : vector<16xi32>
      %or3A_365 = arith.ori %or3A_355, %shift_left3A_364 : vector<16xi32>
      %mul3A_366 = arith.constant 16 : i32
      %mul3A_367 = arith.muli %scan3A_136, %mul3A_366 : i32
      %get3A_368 = arith.constant 23 : i32
      %get3A_369 = arith.index_cast %get3A_368 : i32 to index
      %get3A_370 = arith.index_cast %mul3A_367 : i32 to index
      %get3A_371 = tpu.vector_load %arg5[%get3A_369, %get3A_370] {strides = array<i32>} : memref<32x1024xi32, #tpu.memory_space<vmem>>, vector<16xi32>,
      %shift_left3A_372 = arith.constant 23 : i32
      %shift_left3A_373 = vector.broadcast %shift_left3A_372 : i32 to vector<16xi32>
      %shift_left3A_374 = arith.shli %get3A_371, %shift_left3A_373 : vector<16xi32>
      %or3A_375 = arith.ori %or3A_365, %shift_left3A_374 : vector<16xi32>
      %mul3A_376 = arith.constant 16 : i32
      %mul3A_377 = arith.muli %scan3A_136, %mul3A_376 : i32
      %get3A_378 = arith.constant 24 : i32
      %get3A_379 = arith.index_cast %get3A_378 : i32 to index
      %get3A_380 = arith.index_cast %mul3A_377 : i32 to index
      %get3A_381 = tpu.vector_load %arg5[%get3A_379, %get3A_380] {strides = array<i32>} : memref<32x1024xi32, #tpu.memory_space<vmem>>, vector<16xi32>,
      %shift_left3A_382 = arith.constant 24 : i32
      %shift_left3A_383 = vector.broadcast %shift_left3A_382 : i32 to vector<16xi32>
      %shift_left3A_384 = arith.shli %get3A_381, %shift_left3A_383 : vector<16xi32>
      %or3A_385 = arith.ori %or3A_375, %shift_left3A_384 : vector<16xi32>
      %mul3A_386 = arith.constant 16 : i32
      %mul3A_387 = arith.muli %scan3A_136, %mul3A_386 : i32
      %get3A_388 = arith.constant 25 : i32
      %get3A_389 = arith.index_cast %get3A_388 : i32 to index
      %get3A_390 = arith.index_cast %mul3A_387 : i32 to index
      %get3A_391 = tpu.vector_load %arg5[%get3A_389, %get3A_390] {strides = array<i32>} : memref<32x1024xi32, #tpu.memory_space<vmem>>, vector<16xi32>,
      %shift_left3A_392 = arith.constant 25 : i32
      %shift_left3A_393 = vector.broadcast %shift_left3A_392 : i32 to vector<16xi32>
      %shift_left3A_394 = arith.shli %get3A_391, %shift_left3A_393 : vector<16xi32>
      %or3A_395 = arith.ori %or3A_385, %shift_left3A_394 : vector<16xi32>
      %mul3A_396 = arith.constant 16 : i32
      %mul3A_397 = arith.muli %scan3A_136, %mul3A_396 : i32
      %get3A_398 = arith.constant 26 : i32
      %get3A_399 = arith.index_cast %get3A_398 : i32 to index
      %get3A_400 = arith.index_cast %mul3A_397 : i32 to index
      %get3A_401 = tpu.vector_load %arg5[%get3A_399, %get3A_400] {strides = array<i32>} : memref<32x1024xi32, #tpu.memory_space<vmem>>, vector<16xi32>,
      %shift_left3A_402 = arith.constant 26 : i32
      %shift_left3A_403 = vector.broadcast %shift_left3A_402 : i32 to vector<16xi32>
      %shift_left3A_404 = arith.shli %get3A_401, %shift_left3A_403 : vector<16xi32>
      %or3A_405 = arith.ori %or3A_395, %shift_left3A_404 : vector<16xi32>
      %mul3A_406 = arith.constant 16 : i32
      %mul3A_407 = arith.muli %scan3A_136, %mul3A_406 : i32
      %get3A_408 = arith.constant 27 : i32
      %get3A_409 = arith.index_cast %get3A_408 : i32 to index
      %get3A_410 = arith.index_cast %mul3A_407 : i32 to index
      %get3A_411 = tpu.vector_load %arg5[%get3A_409, %get3A_410] {strides = array<i32>} : memref<32x1024xi32, #tpu.memory_space<vmem>>, vector<16xi32>,
      %shift_left3A_412 = arith.constant 27 : i32
      %shift_left3A_413 = vector.broadcast %shift_left3A_412 : i32 to vector<16xi32>
      %shift_left3A_414 = arith.shli %get3A_411, %shift_left3A_413 : vector<16xi32>
      %or3A_415 = arith.ori %or3A_405, %shift_left3A_414 : vector<16xi32>
      %mul3A_416 = arith.constant 16 : i32
      %mul3A_417 = arith.muli %scan3A_136, %mul3A_416 : i32
      %get3A_418 = arith.constant 28 : i32
      %get3A_419 = arith.index_cast %get3A_418 : i32 to index
      %get3A_420 = arith.index_cast %mul3A_417 : i32 to index
      %get3A_421 = tpu.vector_load %arg5[%get3A_419, %get3A_420] {strides = array<i32>} : memref<32x1024xi32, #tpu.memory_space<vmem>>, vector<16xi32>,
      %shift_left3A_422 = arith.constant 28 : i32
      %shift_left3A_423 = vector.broadcast %shift_left3A_422 : i32 to vector<16xi32>
      %shift_left3A_424 = arith.shli %get3A_421, %shift_left3A_423 : vector<16xi32>
      %or3A_425 = arith.ori %or3A_415, %shift_left3A_424 : vector<16xi32>
      %mul3A_426 = arith.constant 16 : i32
      %mul3A_427 = arith.muli %scan3A_136, %mul3A_426 : i32
      %get3A_428 = arith.constant 29 : i32
      %get3A_429 = arith.index_cast %get3A_428 : i32 to index
      %get3A_430 = arith.index_cast %mul3A_427 : i32 to index
      %get3A_431 = tpu.vector_load %arg5[%get3A_429, %get3A_430] {strides = array<i32>} : memref<32x1024xi32, #tpu.memory_space<vmem>>, vector<16xi32>,
      %shift_left3A_432 = arith.constant 29 : i32
      %shift_left3A_433 = vector.broadcast %shift_left3A_432 : i32 to vector<16xi32>
      %shift_left3A_434 = arith.shli %get3A_431, %shift_left3A_433 : vector<16xi32>
      %or3A_435 = arith.ori %or3A_425, %shift_left3A_434 : vector<16xi32>
      %mul3A_436 = arith.constant 16 : i32
      %mul3A_437 = arith.muli %scan3A_136, %mul3A_436 : i32
      %get3A_438 = arith.constant 30 : i32
      %get3A_439 = arith.index_cast %get3A_438 : i32 to index
      %get3A_440 = arith.index_cast %mul3A_437 : i32 to index
      %get3A_441 = tpu.vector_load %arg5[%get3A_439, %get3A_440] {strides = array<i32>} : memref<32x1024xi32, #tpu.memory_space<vmem>>, vector<16xi32>,
      %shift_left3A_442 = arith.constant 30 : i32
      %shift_left3A_443 = vector.broadcast %shift_left3A_442 : i32 to vector<16xi32>
      %shift_left3A_444 = arith.shli %get3A_441, %shift_left3A_443 : vector<16xi32>
      %or3A_445 = arith.ori %or3A_435, %shift_left3A_444 : vector<16xi32>
      %mul3A_446 = arith.constant 16 : i32
      %mul3A_447 = arith.muli %scan3A_136, %mul3A_446 : i32
      %get3A_448 = arith.constant 31 : i32
      %get3A_449 = arith.index_cast %get3A_448 : i32 to index
      %get3A_450 = arith.index_cast %mul3A_447 : i32 to index
      %get3A_451 = tpu.vector_load %arg5[%get3A_449, %get3A_450] {strides = array<i32>} : memref<32x1024xi32, #tpu.memory_space<vmem>>, vector<16xi32>,
      %shift_left3A_452 = arith.constant 31 : i32
      %shift_left3A_453 = vector.broadcast %shift_left3A_452 : i32 to vector<16xi32>
      %shift_left3A_454 = arith.shli %get3A_451, %shift_left3A_453 : vector<16xi32>
      %or3A_455 = arith.ori %or3A_445, %shift_left3A_454 : vector<16xi32>
      %mul3A_456 = arith.constant 16 : i32
      %mul3A_457 = arith.muli %scan3A_136, %mul3A_456 : i32
      %add3A_458 = arith.constant 1 : i32
      %add3A_459 = arith.addi %add3A_458, %mul3A_457 : i32
      %swap3A_460 = arith.index_cast %add3A_459 : i32 to index
      %swap3A_461 = tpu.vector_load %arg7[%swap3A_460] {strides = array<i32>} : memref<2064xi32, #tpu.memory_space<vmem>>, vector<16xi32>,
      tpu.vector_store %arg7[%swap3A_460], %or3A_455 {strides = array<i32>} : memref<2064xi32, #tpu.memory_space<vmem>>, vector<16xi32>,
      %not3A = arith.constant dense<-1> : vector<16xi32>
      %not3A_462 = arith.xori %or3A_455, %not3A : vector<16xi32>
      %mul3A_463 = arith.constant 16 : i32
      %mul3A_464 = arith.muli %scan3A_136, %mul3A_463 : i32
      %add3A_465 = arith.constant 1025 : i32
      %add3A_466 = arith.addi %add3A_465, %mul3A_464 : i32
      %swap3A_467 = arith.index_cast %add3A_466 : i32 to index
      %swap3A_468 = tpu.vector_load %arg7[%swap3A_467] {strides = array<i32>} : memref<2064xi32, #tpu.memory_space<vmem>>, vector<16xi32>,
      tpu.vector_store %arg7[%swap3A_467], %not3A_462 {strides = array<i32>} : memref<2064xi32, #tpu.memory_space<vmem>>, vector<16xi32>,
    }
    %scan3A_91 = arith.constant 16 : i32
    %dma_wait3A_92 = arith.constant 2 : i32
    %dma_wait3A_93 = arith.constant 0 : i32
    %dma_wait3A_94 = arith.constant 512 : i32
    %dma_wait3A_95 = tpu.memref_slice %arg5[%dma_wait3A_93, %dma_wait3A_94] : memref<32x1024xi32, #tpu.memory_space<vmem>> -> memref<32x256xi32, #tpu.memory_space<vmem>>
    %dma_wait3A_96 = arith.constant 512 : i32
    %dma_wait3A_97 = tpu.memref_slice %arg2[%mul3A_2, %dma_wait3A_96] : memref<1024x1024xi32, #tpu.memory_space<hbm>> -> memref<32x256xi32, #tpu.memory_space<hbm>>
    %dma_wait3A_98 = tpu.memref_slice %arg9[%dma_wait3A_92] : memref<4x!tpu.dma_semaphore, #tpu.memory_space<semaphore_mem>> -> memref<1x!tpu.dma_semaphore, #tpu.memory_space<semaphore_mem>>
    %dma_wait3A_99 = tpu.memref_squeeze %dma_wait3A_98 : memref<1x!tpu.dma_semaphore, #tpu.memory_space<semaphore_mem>> -> memref<!tpu.dma_semaphore, #tpu.memory_space<semaphore_mem>>
    %dma_wait3A_100 = arith.constant 0 : i32
    %dma_wait3A_101 = arith.constant 512 : i32
    %dma_wait3A_102 = tpu.memref_slice %arg5[%dma_wait3A_100, %dma_wait3A_101] : memref<32x1024xi32, #tpu.memory_space<vmem>> -> memref<32x256xi32, #tpu.memory_space<vmem>>
    %dma_wait3A_103 = arith.constant 512 : i32
    %dma_wait3A_104 = tpu.memref_slice %arg2[%mul3A_2, %dma_wait3A_103] : memref<1024x1024xi32, #tpu.memory_space<hbm>> -> memref<32x256xi32, #tpu.memory_space<hbm>>
    tpu.wait_dma2 semaphore(%dma_wait3A_99 : memref<!tpu.dma_semaphore, #tpu.memory_space<semaphore_mem>>) src(%dma_wait3A_104 : memref<32x256xi32, #tpu.memory_space<hbm>>) dst(%dma_wait3A_102 : memref<32x256xi32, #tpu.memory_space<vmem>>)
    %scan3A_105 = arith.constant 0 : i32
    %scan3A_106 = arith.constant 32 : i32
    %scan3A_107 = arith.constant 16 : i32
    %scan3A_108 = arith.addi %scan3A_106, %scan3A_107 : i32
    %scan3A_109 = arith.constant 1 : i32
    scf.for %scan3A_136 = %scan3A_106 to %scan3A_108 step %scan3A_109  : i32 {
      %broadcast_in_dim3A_137 = arith.constant 0 : i32
      %broadcast_in_dim3A_138 = vector.broadcast %broadcast_in_dim3A_137 : i32 to vector<16xi32>
      %mul3A_139 = arith.constant 16 : i32
      %mul3A_140 = arith.muli %scan3A_136, %mul3A_139 : i32
      %get3A = arith.constant 0 : i32
      %get3A_141 = arith.index_cast %get3A : i32 to index
      %get3A_142 = arith.index_cast %mul3A_140 : i32 to index
      %get3A_143 = tpu.vector_load %arg5[%get3A_141, %get3A_142] {strides = array<i32>} : memref<32x1024xi32, #tpu.memory_space<vmem>>, vector<16xi32>,
      %shift_left3A = arith.constant 0 : i32
      %shift_left3A_144 = vector.broadcast %shift_left3A : i32 to vector<16xi32>
      %shift_left3A_145 = arith.shli %get3A_143, %shift_left3A_144 : vector<16xi32>
      %or3A = arith.ori %broadcast_in_dim3A_138, %shift_left3A_145 : vector<16xi32>
      %mul3A_146 = arith.constant 16 : i32
      %mul3A_147 = arith.muli %scan3A_136, %mul3A_146 : i32
      %get3A_148 = arith.constant 1 : i32
      %get3A_149 = arith.index_cast %get3A_148 : i32 to index
      %get3A_150 = arith.index_cast %mul3A_147 : i32 to index
      %get3A_151 = tpu.vector_load %arg5[%get3A_149, %get3A_150] {strides = array<i32>} : memref<32x1024xi32, #tpu.memory_space<vmem>>, vector<16xi32>,
      %shift_left3A_152 = arith.constant 1 : i32
      %shift_left3A_153 = vector.broadcast %shift_left3A_152 : i32 to vector<16xi32>
      %shift_left3A_154 = arith.shli %get3A_151, %shift_left3A_153 : vector<16xi32>
      %or3A_155 = arith.ori %or3A, %shift_left3A_154 : vector<16xi32>
      %mul3A_156 = arith.constant 16 : i32
      %mul3A_157 = arith.muli %scan3A_136, %mul3A_156 : i32
      %get3A_158 = arith.constant 2 : i32
      %get3A_159 = arith.index_cast %get3A_158 : i32 to index
      %get3A_160 = arith.index_cast %mul3A_157 : i32 to index
      %get3A_161 = tpu.vector_load %arg5[%get3A_159, %get3A_160] {strides = array<i32>} : memref<32x1024xi32, #tpu.memory_space<vmem>>, vector<16xi32>,
      %shift_left3A_162 = arith.constant 2 : i32
      %shift_left3A_163 = vector.broadcast %shift_left3A_162 : i32 to vector<16xi32>
      %shift_left3A_164 = arith.shli %get3A_161, %shift_left3A_163 : vector<16xi32>
      %or3A_165 = arith.ori %or3A_155, %shift_left3A_164 : vector<16xi32>
      %mul3A_166 = arith.constant 16 : i32
      %mul3A_167 = arith.muli %scan3A_136, %mul3A_166 : i32
      %get3A_168 = arith.constant 3 : i32
      %get3A_169 = arith.index_cast %get3A_168 : i32 to index
      %get3A_170 = arith.index_cast %mul3A_167 : i32 to index
      %get3A_171 = tpu.vector_load %arg5[%get3A_169, %get3A_170] {strides = array<i32>} : memref<32x1024xi32, #tpu.memory_space<vmem>>, vector<16xi32>,
      %shift_left3A_172 = arith.constant 3 : i32
      %shift_left3A_173 = vector.broadcast %shift_left3A_172 : i32 to vector<16xi32>
      %shift_left3A_174 = arith.shli %get3A_171, %shift_left3A_173 : vector<16xi32>
      %or3A_175 = arith.ori %or3A_165, %shift_left3A_174 : vector<16xi32>
      %mul3A_176 = arith.constant 16 : i32
      %mul3A_177 = arith.muli %scan3A_136, %mul3A_176 : i32
      %get3A_178 = arith.constant 4 : i32
      %get3A_179 = arith.index_cast %get3A_178 : i32 to index
      %get3A_180 = arith.index_cast %mul3A_177 : i32 to index
      %get3A_181 = tpu.vector_load %arg5[%get3A_179, %get3A_180] {strides = array<i32>} : memref<32x1024xi32, #tpu.memory_space<vmem>>, vector<16xi32>,
      %shift_left3A_182 = arith.constant 4 : i32
      %shift_left3A_183 = vector.broadcast %shift_left3A_182 : i32 to vector<16xi32>
      %shift_left3A_184 = arith.shli %get3A_181, %shift_left3A_183 : vector<16xi32>
      %or3A_185 = arith.ori %or3A_175, %shift_left3A_184 : vector<16xi32>
      %mul3A_186 = arith.constant 16 : i32
      %mul3A_187 = arith.muli %scan3A_136, %mul3A_186 : i32
      %get3A_188 = arith.constant 5 : i32
      %get3A_189 = arith.index_cast %get3A_188 : i32 to index
      %get3A_190 = arith.index_cast %mul3A_187 : i32 to index
      %get3A_191 = tpu.vector_load %arg5[%get3A_189, %get3A_190] {strides = array<i32>} : memref<32x1024xi32, #tpu.memory_space<vmem>>, vector<16xi32>,
      %shift_left3A_192 = arith.constant 5 : i32
      %shift_left3A_193 = vector.broadcast %shift_left3A_192 : i32 to vector<16xi32>
      %shift_left3A_194 = arith.shli %get3A_191, %shift_left3A_193 : vector<16xi32>
      %or3A_195 = arith.ori %or3A_185, %shift_left3A_194 : vector<16xi32>
      %mul3A_196 = arith.constant 16 : i32
      %mul3A_197 = arith.muli %scan3A_136, %mul3A_196 : i32
      %get3A_198 = arith.constant 6 : i32
      %get3A_199 = arith.index_cast %get3A_198 : i32 to index
      %get3A_200 = arith.index_cast %mul3A_197 : i32 to index
      %get3A_201 = tpu.vector_load %arg5[%get3A_199, %get3A_200] {strides = array<i32>} : memref<32x1024xi32, #tpu.memory_space<vmem>>, vector<16xi32>,
      %shift_left3A_202 = arith.constant 6 : i32
      %shift_left3A_203 = vector.broadcast %shift_left3A_202 : i32 to vector<16xi32>
      %shift_left3A_204 = arith.shli %get3A_201, %shift_left3A_203 : vector<16xi32>
      %or3A_205 = arith.ori %or3A_195, %shift_left3A_204 : vector<16xi32>
      %mul3A_206 = arith.constant 16 : i32
      %mul3A_207 = arith.muli %scan3A_136, %mul3A_206 : i32
      %get3A_208 = arith.constant 7 : i32
      %get3A_209 = arith.index_cast %get3A_208 : i32 to index
      %get3A_210 = arith.index_cast %mul3A_207 : i32 to index
      %get3A_211 = tpu.vector_load %arg5[%get3A_209, %get3A_210] {strides = array<i32>} : memref<32x1024xi32, #tpu.memory_space<vmem>>, vector<16xi32>,
      %shift_left3A_212 = arith.constant 7 : i32
      %shift_left3A_213 = vector.broadcast %shift_left3A_212 : i32 to vector<16xi32>
      %shift_left3A_214 = arith.shli %get3A_211, %shift_left3A_213 : vector<16xi32>
      %or3A_215 = arith.ori %or3A_205, %shift_left3A_214 : vector<16xi32>
      %mul3A_216 = arith.constant 16 : i32
      %mul3A_217 = arith.muli %scan3A_136, %mul3A_216 : i32
      %get3A_218 = arith.constant 8 : i32
      %get3A_219 = arith.index_cast %get3A_218 : i32 to index
      %get3A_220 = arith.index_cast %mul3A_217 : i32 to index
      %get3A_221 = tpu.vector_load %arg5[%get3A_219, %get3A_220] {strides = array<i32>} : memref<32x1024xi32, #tpu.memory_space<vmem>>, vector<16xi32>,
      %shift_left3A_222 = arith.constant 8 : i32
      %shift_left3A_223 = vector.broadcast %shift_left3A_222 : i32 to vector<16xi32>
      %shift_left3A_224 = arith.shli %get3A_221, %shift_left3A_223 : vector<16xi32>
      %or3A_225 = arith.ori %or3A_215, %shift_left3A_224 : vector<16xi32>
      %mul3A_226 = arith.constant 16 : i32
      %mul3A_227 = arith.muli %scan3A_136, %mul3A_226 : i32
      %get3A_228 = arith.constant 9 : i32
      %get3A_229 = arith.index_cast %get3A_228 : i32 to index
      %get3A_230 = arith.index_cast %mul3A_227 : i32 to index
      %get3A_231 = tpu.vector_load %arg5[%get3A_229, %get3A_230] {strides = array<i32>} : memref<32x1024xi32, #tpu.memory_space<vmem>>, vector<16xi32>,
      %shift_left3A_232 = arith.constant 9 : i32
      %shift_left3A_233 = vector.broadcast %shift_left3A_232 : i32 to vector<16xi32>
      %shift_left3A_234 = arith.shli %get3A_231, %shift_left3A_233 : vector<16xi32>
      %or3A_235 = arith.ori %or3A_225, %shift_left3A_234 : vector<16xi32>
      %mul3A_236 = arith.constant 16 : i32
      %mul3A_237 = arith.muli %scan3A_136, %mul3A_236 : i32
      %get3A_238 = arith.constant 10 : i32
      %get3A_239 = arith.index_cast %get3A_238 : i32 to index
      %get3A_240 = arith.index_cast %mul3A_237 : i32 to index
      %get3A_241 = tpu.vector_load %arg5[%get3A_239, %get3A_240] {strides = array<i32>} : memref<32x1024xi32, #tpu.memory_space<vmem>>, vector<16xi32>,
      %shift_left3A_242 = arith.constant 10 : i32
      %shift_left3A_243 = vector.broadcast %shift_left3A_242 : i32 to vector<16xi32>
      %shift_left3A_244 = arith.shli %get3A_241, %shift_left3A_243 : vector<16xi32>
      %or3A_245 = arith.ori %or3A_235, %shift_left3A_244 : vector<16xi32>
      %mul3A_246 = arith.constant 16 : i32
      %mul3A_247 = arith.muli %scan3A_136, %mul3A_246 : i32
      %get3A_248 = arith.constant 11 : i32
      %get3A_249 = arith.index_cast %get3A_248 : i32 to index
      %get3A_250 = arith.index_cast %mul3A_247 : i32 to index
      %get3A_251 = tpu.vector_load %arg5[%get3A_249, %get3A_250] {strides = array<i32>} : memref<32x1024xi32, #tpu.memory_space<vmem>>, vector<16xi32>,
      %shift_left3A_252 = arith.constant 11 : i32
      %shift_left3A_253 = vector.broadcast %shift_left3A_252 : i32 to vector<16xi32>
      %shift_left3A_254 = arith.shli %get3A_251, %shift_left3A_253 : vector<16xi32>
      %or3A_255 = arith.ori %or3A_245, %shift_left3A_254 : vector<16xi32>
      %mul3A_256 = arith.constant 16 : i32
      %mul3A_257 = arith.muli %scan3A_136, %mul3A_256 : i32
      %get3A_258 = arith.constant 12 : i32
      %get3A_259 = arith.index_cast %get3A_258 : i32 to index
      %get3A_260 = arith.index_cast %mul3A_257 : i32 to index
      %get3A_261 = tpu.vector_load %arg5[%get3A_259, %get3A_260] {strides = array<i32>} : memref<32x1024xi32, #tpu.memory_space<vmem>>, vector<16xi32>,
      %shift_left3A_262 = arith.constant 12 : i32
      %shift_left3A_263 = vector.broadcast %shift_left3A_262 : i32 to vector<16xi32>
      %shift_left3A_264 = arith.shli %get3A_261, %shift_left3A_263 : vector<16xi32>
      %or3A_265 = arith.ori %or3A_255, %shift_left3A_264 : vector<16xi32>
      %mul3A_266 = arith.constant 16 : i32
      %mul3A_267 = arith.muli %scan3A_136, %mul3A_266 : i32
      %get3A_268 = arith.constant 13 : i32
      %get3A_269 = arith.index_cast %get3A_268 : i32 to index
      %get3A_270 = arith.index_cast %mul3A_267 : i32 to index
      %get3A_271 = tpu.vector_load %arg5[%get3A_269, %get3A_270] {strides = array<i32>} : memref<32x1024xi32, #tpu.memory_space<vmem>>, vector<16xi32>,
      %shift_left3A_272 = arith.constant 13 : i32
      %shift_left3A_273 = vector.broadcast %shift_left3A_272 : i32 to vector<16xi32>
      %shift_left3A_274 = arith.shli %get3A_271, %shift_left3A_273 : vector<16xi32>
      %or3A_275 = arith.ori %or3A_265, %shift_left3A_274 : vector<16xi32>
      %mul3A_276 = arith.constant 16 : i32
      %mul3A_277 = arith.muli %scan3A_136, %mul3A_276 : i32
      %get3A_278 = arith.constant 14 : i32
      %get3A_279 = arith.index_cast %get3A_278 : i32 to index
      %get3A_280 = arith.index_cast %mul3A_277 : i32 to index
      %get3A_281 = tpu.vector_load %arg5[%get3A_279, %get3A_280] {strides = array<i32>} : memref<32x1024xi32, #tpu.memory_space<vmem>>, vector<16xi32>,
      %shift_left3A_282 = arith.constant 14 : i32
      %shift_left3A_283 = vector.broadcast %shift_left3A_282 : i32 to vector<16xi32>
      %shift_left3A_284 = arith.shli %get3A_281, %shift_left3A_283 : vector<16xi32>
      %or3A_285 = arith.ori %or3A_275, %shift_left3A_284 : vector<16xi32>
      %mul3A_286 = arith.constant 16 : i32
      %mul3A_287 = arith.muli %scan3A_136, %mul3A_286 : i32
      %get3A_288 = arith.constant 15 : i32
      %get3A_289 = arith.index_cast %get3A_288 : i32 to index
      %get3A_290 = arith.index_cast %mul3A_287 : i32 to index
      %get3A_291 = tpu.vector_load %arg5[%get3A_289, %get3A_290] {strides = array<i32>} : memref<32x1024xi32, #tpu.memory_space<vmem>>, vector<16xi32>,
      %shift_left3A_292 = arith.constant 15 : i32
      %shift_left3A_293 = vector.broadcast %shift_left3A_292 : i32 to vector<16xi32>
      %shift_left3A_294 = arith.shli %get3A_291, %shift_left3A_293 : vector<16xi32>
      %or3A_295 = arith.ori %or3A_285, %shift_left3A_294 : vector<16xi32>
      %mul3A_296 = arith.constant 16 : i32
      %mul3A_297 = arith.muli %scan3A_136, %mul3A_296 : i32
      %get3A_298 = arith.constant 16 : i32
      %get3A_299 = arith.index_cast %get3A_298 : i32 to index
      %get3A_300 = arith.index_cast %mul3A_297 : i32 to index
      %get3A_301 = tpu.vector_load %arg5[%get3A_299, %get3A_300] {strides = array<i32>} : memref<32x1024xi32, #tpu.memory_space<vmem>>, vector<16xi32>,
      %shift_left3A_302 = arith.constant 16 : i32
      %shift_left3A_303 = vector.broadcast %shift_left3A_302 : i32 to vector<16xi32>
      %shift_left3A_304 = arith.shli %get3A_301, %shift_left3A_303 : vector<16xi32>
      %or3A_305 = arith.ori %or3A_295, %shift_left3A_304 : vector<16xi32>
      %mul3A_306 = arith.constant 16 : i32
      %mul3A_307 = arith.muli %scan3A_136, %mul3A_306 : i32
      %get3A_308 = arith.constant 17 : i32
      %get3A_309 = arith.index_cast %get3A_308 : i32 to index
      %get3A_310 = arith.index_cast %mul3A_307 : i32 to index
      %get3A_311 = tpu.vector_load %arg5[%get3A_309, %get3A_310] {strides = array<i32>} : memref<32x1024xi32, #tpu.memory_space<vmem>>, vector<16xi32>,
      %shift_left3A_312 = arith.constant 17 : i32
      %shift_left3A_313 = vector.broadcast %shift_left3A_312 : i32 to vector<16xi32>
      %shift_left3A_314 = arith.shli %get3A_311, %shift_left3A_313 : vector<16xi32>
      %or3A_315 = arith.ori %or3A_305, %shift_left3A_314 : vector<16xi32>
      %mul3A_316 = arith.constant 16 : i32
      %mul3A_317 = arith.muli %scan3A_136, %mul3A_316 : i32
      %get3A_318 = arith.constant 18 : i32
      %get3A_319 = arith.index_cast %get3A_318 : i32 to index
      %get3A_320 = arith.index_cast %mul3A_317 : i32 to index
      %get3A_321 = tpu.vector_load %arg5[%get3A_319, %get3A_320] {strides = array<i32>} : memref<32x1024xi32, #tpu.memory_space<vmem>>, vector<16xi32>,
      %shift_left3A_322 = arith.constant 18 : i32
      %shift_left3A_323 = vector.broadcast %shift_left3A_322 : i32 to vector<16xi32>
      %shift_left3A_324 = arith.shli %get3A_321, %shift_left3A_323 : vector<16xi32>
      %or3A_325 = arith.ori %or3A_315, %shift_left3A_324 : vector<16xi32>
      %mul3A_326 = arith.constant 16 : i32
      %mul3A_327 = arith.muli %scan3A_136, %mul3A_326 : i32
      %get3A_328 = arith.constant 19 : i32
      %get3A_329 = arith.index_cast %get3A_328 : i32 to index
      %get3A_330 = arith.index_cast %mul3A_327 : i32 to index
      %get3A_331 = tpu.vector_load %arg5[%get3A_329, %get3A_330] {strides = array<i32>} : memref<32x1024xi32, #tpu.memory_space<vmem>>, vector<16xi32>,
      %shift_left3A_332 = arith.constant 19 : i32
      %shift_left3A_333 = vector.broadcast %shift_left3A_332 : i32 to vector<16xi32>
      %shift_left3A_334 = arith.shli %get3A_331, %shift_left3A_333 : vector<16xi32>
      %or3A_335 = arith.ori %or3A_325, %shift_left3A_334 : vector<16xi32>
      %mul3A_336 = arith.constant 16 : i32
      %mul3A_337 = arith.muli %scan3A_136, %mul3A_336 : i32
      %get3A_338 = arith.constant 20 : i32
      %get3A_339 = arith.index_cast %get3A_338 : i32 to index
      %get3A_340 = arith.index_cast %mul3A_337 : i32 to index
      %get3A_341 = tpu.vector_load %arg5[%get3A_339, %get3A_340] {strides = array<i32>} : memref<32x1024xi32, #tpu.memory_space<vmem>>, vector<16xi32>,
      %shift_left3A_342 = arith.constant 20 : i32
      %shift_left3A_343 = vector.broadcast %shift_left3A_342 : i32 to vector<16xi32>
      %shift_left3A_344 = arith.shli %get3A_341, %shift_left3A_343 : vector<16xi32>
      %or3A_345 = arith.ori %or3A_335, %shift_left3A_344 : vector<16xi32>
      %mul3A_346 = arith.constant 16 : i32
      %mul3A_347 = arith.muli %scan3A_136, %mul3A_346 : i32
      %get3A_348 = arith.constant 21 : i32
      %get3A_349 = arith.index_cast %get3A_348 : i32 to index
      %get3A_350 = arith.index_cast %mul3A_347 : i32 to index
      %get3A_351 = tpu.vector_load %arg5[%get3A_349, %get3A_350] {strides = array<i32>} : memref<32x1024xi32, #tpu.memory_space<vmem>>, vector<16xi32>,
      %shift_left3A_352 = arith.constant 21 : i32
      %shift_left3A_353 = vector.broadcast %shift_left3A_352 : i32 to vector<16xi32>
      %shift_left3A_354 = arith.shli %get3A_351, %shift_left3A_353 : vector<16xi32>
      %or3A_355 = arith.ori %or3A_345, %shift_left3A_354 : vector<16xi32>
      %mul3A_356 = arith.constant 16 : i32
      %mul3A_357 = arith.muli %scan3A_136, %mul3A_356 : i32
      %get3A_358 = arith.constant 22 : i32
      %get3A_359 = arith.index_cast %get3A_358 : i32 to index
      %get3A_360 = arith.index_cast %mul3A_357 : i32 to index
      %get3A_361 = tpu.vector_load %arg5[%get3A_359, %get3A_360] {strides = array<i32>} : memref<32x1024xi32, #tpu.memory_space<vmem>>, vector<16xi32>,
      %shift_left3A_362 = arith.constant 22 : i32
      %shift_left3A_363 = vector.broadcast %shift_left3A_362 : i32 to vector<16xi32>
      %shift_left3A_364 = arith.shli %get3A_361, %shift_left3A_363 : vector<16xi32>
      %or3A_365 = arith.ori %or3A_355, %shift_left3A_364 : vector<16xi32>
      %mul3A_366 = arith.constant 16 : i32
      %mul3A_367 = arith.muli %scan3A_136, %mul3A_366 : i32
      %get3A_368 = arith.constant 23 : i32
      %get3A_369 = arith.index_cast %get3A_368 : i32 to index
      %get3A_370 = arith.index_cast %mul3A_367 : i32 to index
      %get3A_371 = tpu.vector_load %arg5[%get3A_369, %get3A_370] {strides = array<i32>} : memref<32x1024xi32, #tpu.memory_space<vmem>>, vector<16xi32>,
      %shift_left3A_372 = arith.constant 23 : i32
      %shift_left3A_373 = vector.broadcast %shift_left3A_372 : i32 to vector<16xi32>
      %shift_left3A_374 = arith.shli %get3A_371, %shift_left3A_373 : vector<16xi32>
      %or3A_375 = arith.ori %or3A_365, %shift_left3A_374 : vector<16xi32>
      %mul3A_376 = arith.constant 16 : i32
      %mul3A_377 = arith.muli %scan3A_136, %mul3A_376 : i32
      %get3A_378 = arith.constant 24 : i32
      %get3A_379 = arith.index_cast %get3A_378 : i32 to index
      %get3A_380 = arith.index_cast %mul3A_377 : i32 to index
      %get3A_381 = tpu.vector_load %arg5[%get3A_379, %get3A_380] {strides = array<i32>} : memref<32x1024xi32, #tpu.memory_space<vmem>>, vector<16xi32>,
      %shift_left3A_382 = arith.constant 24 : i32
      %shift_left3A_383 = vector.broadcast %shift_left3A_382 : i32 to vector<16xi32>
      %shift_left3A_384 = arith.shli %get3A_381, %shift_left3A_383 : vector<16xi32>
      %or3A_385 = arith.ori %or3A_375, %shift_left3A_384 : vector<16xi32>
      %mul3A_386 = arith.constant 16 : i32
      %mul3A_387 = arith.muli %scan3A_136, %mul3A_386 : i32
      %get3A_388 = arith.constant 25 : i32
      %get3A_389 = arith.index_cast %get3A_388 : i32 to index
      %get3A_390 = arith.index_cast %mul3A_387 : i32 to index
      %get3A_391 = tpu.vector_load %arg5[%get3A_389, %get3A_390] {strides = array<i32>} : memref<32x1024xi32, #tpu.memory_space<vmem>>, vector<16xi32>,
      %shift_left3A_392 = arith.constant 25 : i32
      %shift_left3A_393 = vector.broadcast %shift_left3A_392 : i32 to vector<16xi32>
      %shift_left3A_394 = arith.shli %get3A_391, %shift_left3A_393 : vector<16xi32>
      %or3A_395 = arith.ori %or3A_385, %shift_left3A_394 : vector<16xi32>
      %mul3A_396 = arith.constant 16 : i32
      %mul3A_397 = arith.muli %scan3A_136, %mul3A_396 : i32
      %get3A_398 = arith.constant 26 : i32
      %get3A_399 = arith.index_cast %get3A_398 : i32 to index
      %get3A_400 = arith.index_cast %mul3A_397 : i32 to index
      %get3A_401 = tpu.vector_load %arg5[%get3A_399, %get3A_400] {strides = array<i32>} : memref<32x1024xi32, #tpu.memory_space<vmem>>, vector<16xi32>,
      %shift_left3A_402 = arith.constant 26 : i32
      %shift_left3A_403 = vector.broadcast %shift_left3A_402 : i32 to vector<16xi32>
      %shift_left3A_404 = arith.shli %get3A_401, %shift_left3A_403 : vector<16xi32>
      %or3A_405 = arith.ori %or3A_395, %shift_left3A_404 : vector<16xi32>
      %mul3A_406 = arith.constant 16 : i32
      %mul3A_407 = arith.muli %scan3A_136, %mul3A_406 : i32
      %get3A_408 = arith.constant 27 : i32
      %get3A_409 = arith.index_cast %get3A_408 : i32 to index
      %get3A_410 = arith.index_cast %mul3A_407 : i32 to index
      %get3A_411 = tpu.vector_load %arg5[%get3A_409, %get3A_410] {strides = array<i32>} : memref<32x1024xi32, #tpu.memory_space<vmem>>, vector<16xi32>,
      %shift_left3A_412 = arith.constant 27 : i32
      %shift_left3A_413 = vector.broadcast %shift_left3A_412 : i32 to vector<16xi32>
      %shift_left3A_414 = arith.shli %get3A_411, %shift_left3A_413 : vector<16xi32>
      %or3A_415 = arith.ori %or3A_405, %shift_left3A_414 : vector<16xi32>
      %mul3A_416 = arith.constant 16 : i32
      %mul3A_417 = arith.muli %scan3A_136, %mul3A_416 : i32
      %get3A_418 = arith.constant 28 : i32
      %get3A_419 = arith.index_cast %get3A_418 : i32 to index
      %get3A_420 = arith.index_cast %mul3A_417 : i32 to index
      %get3A_421 = tpu.vector_load %arg5[%get3A_419, %get3A_420] {strides = array<i32>} : memref<32x1024xi32, #tpu.memory_space<vmem>>, vector<16xi32>,
      %shift_left3A_422 = arith.constant 28 : i32
      %shift_left3A_423 = vector.broadcast %shift_left3A_422 : i32 to vector<16xi32>
      %shift_left3A_424 = arith.shli %get3A_421, %shift_left3A_423 : vector<16xi32>
      %or3A_425 = arith.ori %or3A_415, %shift_left3A_424 : vector<16xi32>
      %mul3A_426 = arith.constant 16 : i32
      %mul3A_427 = arith.muli %scan3A_136, %mul3A_426 : i32
      %get3A_428 = arith.constant 29 : i32
      %get3A_429 = arith.index_cast %get3A_428 : i32 to index
      %get3A_430 = arith.index_cast %mul3A_427 : i32 to index
      %get3A_431 = tpu.vector_load %arg5[%get3A_429, %get3A_430] {strides = array<i32>} : memref<32x1024xi32, #tpu.memory_space<vmem>>, vector<16xi32>,
      %shift_left3A_432 = arith.constant 29 : i32
      %shift_left3A_433 = vector.broadcast %shift_left3A_432 : i32 to vector<16xi32>
      %shift_left3A_434 = arith.shli %get3A_431, %shift_left3A_433 : vector<16xi32>
      %or3A_435 = arith.ori %or3A_425, %shift_left3A_434 : vector<16xi32>
      %mul3A_436 = arith.constant 16 : i32
      %mul3A_437 = arith.muli %scan3A_136, %mul3A_436 : i32
      %get3A_438 = arith.constant 30 : i32
      %get3A_439 = arith.index_cast %get3A_438 : i32 to index
      %get3A_440 = arith.index_cast %mul3A_437 : i32 to index
      %get3A_441 = tpu.vector_load %arg5[%get3A_439, %get3A_440] {strides = array<i32>} : memref<32x1024xi32, #tpu.memory_space<vmem>>, vector<16xi32>,
      %shift_left3A_442 = arith.constant 30 : i32
      %shift_left3A_443 = vector.broadcast %shift_left3A_442 : i32 to vector<16xi32>
      %shift_left3A_444 = arith.shli %get3A_441, %shift_left3A_443 : vector<16xi32>
      %or3A_445 = arith.ori %or3A_435, %shift_left3A_444 : vector<16xi32>
      %mul3A_446 = arith.constant 16 : i32
      %mul3A_447 = arith.muli %scan3A_136, %mul3A_446 : i32
      %get3A_448 = arith.constant 31 : i32
      %get3A_449 = arith.index_cast %get3A_448 : i32 to index
      %get3A_450 = arith.index_cast %mul3A_447 : i32 to index
      %get3A_451 = tpu.vector_load %arg5[%get3A_449, %get3A_450] {strides = array<i32>} : memref<32x1024xi32, #tpu.memory_space<vmem>>, vector<16xi32>,
      %shift_left3A_452 = arith.constant 31 : i32
      %shift_left3A_453 = vector.broadcast %shift_left3A_452 : i32 to vector<16xi32>
      %shift_left3A_454 = arith.shli %get3A_451, %shift_left3A_453 : vector<16xi32>
      %or3A_455 = arith.ori %or3A_445, %shift_left3A_454 : vector<16xi32>
      %mul3A_456 = arith.constant 16 : i32
      %mul3A_457 = arith.muli %scan3A_136, %mul3A_456 : i32
      %add3A_458 = arith.constant 1 : i32
      %add3A_459 = arith.addi %add3A_458, %mul3A_457 : i32
      %swap3A_460 = arith.index_cast %add3A_459 : i32 to index
      %swap3A_461 = tpu.vector_load %arg7[%swap3A_460] {strides = array<i32>} : memref<2064xi32, #tpu.memory_space<vmem>>, vector<16xi32>,
      tpu.vector_store %arg7[%swap3A_460], %or3A_455 {strides = array<i32>} : memref<2064xi32, #tpu.memory_space<vmem>>, vector<16xi32>,
      %not3A = arith.constant dense<-1> : vector<16xi32>
      %not3A_462 = arith.xori %or3A_455, %not3A : vector<16xi32>
      %mul3A_463 = arith.constant 16 : i32
      %mul3A_464 = arith.muli %scan3A_136, %mul3A_463 : i32
      %add3A_465 = arith.constant 1025 : i32
      %add3A_466 = arith.addi %add3A_465, %mul3A_464 : i32
      %swap3A_467 = arith.index_cast %add3A_466 : i32 to index
      %swap3A_468 = tpu.vector_load %arg7[%swap3A_467] {strides = array<i32>} : memref<2064xi32, #tpu.memory_space<vmem>>, vector<16xi32>,
      tpu.vector_store %arg7[%swap3A_467], %not3A_462 {strides = array<i32>} : memref<2064xi32, #tpu.memory_space<vmem>>, vector<16xi32>,
    }
    %scan3A_110 = arith.constant 16 : i32
    %dma_wait3A_111 = arith.constant 3 : i32
    %dma_wait3A_112 = arith.constant 0 : i32
    %dma_wait3A_113 = arith.constant 768 : i32
    %dma_wait3A_114 = tpu.memref_slice %arg5[%dma_wait3A_112, %dma_wait3A_113] : memref<32x1024xi32, #tpu.memory_space<vmem>> -> memref<32x256xi32, #tpu.memory_space<vmem>>
    %dma_wait3A_115 = arith.constant 768 : i32
    %dma_wait3A_116 = tpu.memref_slice %arg2[%mul3A_2, %dma_wait3A_115] : memref<1024x1024xi32, #tpu.memory_space<hbm>> -> memref<32x256xi32, #tpu.memory_space<hbm>>
    %dma_wait3A_117 = tpu.memref_slice %arg9[%dma_wait3A_111] : memref<4x!tpu.dma_semaphore, #tpu.memory_space<semaphore_mem>> -> memref<1x!tpu.dma_semaphore, #tpu.memory_space<semaphore_mem>>
    %dma_wait3A_118 = tpu.memref_squeeze %dma_wait3A_117 : memref<1x!tpu.dma_semaphore, #tpu.memory_space<semaphore_mem>> -> memref<!tpu.dma_semaphore, #tpu.memory_space<semaphore_mem>>
    %dma_wait3A_119 = arith.constant 0 : i32
    %dma_wait3A_120 = arith.constant 768 : i32
    %dma_wait3A_121 = tpu.memref_slice %arg5[%dma_wait3A_119, %dma_wait3A_120] : memref<32x1024xi32, #tpu.memory_space<vmem>> -> memref<32x256xi32, #tpu.memory_space<vmem>>
    %dma_wait3A_122 = arith.constant 768 : i32
    %dma_wait3A_123 = tpu.memref_slice %arg2[%mul3A_2, %dma_wait3A_122] : memref<1024x1024xi32, #tpu.memory_space<hbm>> -> memref<32x256xi32, #tpu.memory_space<hbm>>
    tpu.wait_dma2 semaphore(%dma_wait3A_118 : memref<!tpu.dma_semaphore, #tpu.memory_space<semaphore_mem>>) src(%dma_wait3A_123 : memref<32x256xi32, #tpu.memory_space<hbm>>) dst(%dma_wait3A_121 : memref<32x256xi32, #tpu.memory_space<vmem>>)
    %scan3A_124 = arith.constant 0 : i32
    %scan3A_125 = arith.constant 48 : i32
    %scan3A_126 = arith.constant 16 : i32
    %scan3A_127 = arith.addi %scan3A_125, %scan3A_126 : i32
    %scan3A_128 = arith.constant 1 : i32
    scf.for %scan3A_136 = %scan3A_125 to %scan3A_127 step %scan3A_128  : i32 {
      %broadcast_in_dim3A_137 = arith.constant 0 : i32
      %broadcast_in_dim3A_138 = vector.broadcast %broadcast_in_dim3A_137 : i32 to vector<16xi32>
      %mul3A_139 = arith.constant 16 : i32
      %mul3A_140 = arith.muli %scan3A_136, %mul3A_139 : i32
      %get3A = arith.constant 0 : i32
      %get3A_141 = arith.index_cast %get3A : i32 to index
      %get3A_142 = arith.index_cast %mul3A_140 : i32 to index
      %get3A_143 = tpu.vector_load %arg5[%get3A_141, %get3A_142] {strides = array<i32>} : memref<32x1024xi32, #tpu.memory_space<vmem>>, vector<16xi32>,
      %shift_left3A = arith.constant 0 : i32
      %shift_left3A_144 = vector.broadcast %shift_left3A : i32 to vector<16xi32>
      %shift_left3A_145 = arith.shli %get3A_143, %shift_left3A_144 : vector<16xi32>
      %or3A = arith.ori %broadcast_in_dim3A_138, %shift_left3A_145 : vector<16xi32>
      %mul3A_146 = arith.constant 16 : i32
      %mul3A_147 = arith.muli %scan3A_136, %mul3A_146 : i32
      %get3A_148 = arith.constant 1 : i32
      %get3A_149 = arith.index_cast %get3A_148 : i32 to index
      %get3A_150 = arith.index_cast %mul3A_147 : i32 to index
      %get3A_151 = tpu.vector_load %arg5[%get3A_149, %get3A_150] {strides = array<i32>} : memref<32x1024xi32, #tpu.memory_space<vmem>>, vector<16xi32>,
      %shift_left3A_152 = arith.constant 1 : i32
      %shift_left3A_153 = vector.broadcast %shift_left3A_152 : i32 to vector<16xi32>
      %shift_left3A_154 = arith.shli %get3A_151, %shift_left3A_153 : vector<16xi32>
      %or3A_155 = arith.ori %or3A, %shift_left3A_154 : vector<16xi32>
      %mul3A_156 = arith.constant 16 : i32
      %mul3A_157 = arith.muli %scan3A_136, %mul3A_156 : i32
      %get3A_158 = arith.constant 2 : i32
      %get3A_159 = arith.index_cast %get3A_158 : i32 to index
      %get3A_160 = arith.index_cast %mul3A_157 : i32 to index
      %get3A_161 = tpu.vector_load %arg5[%get3A_159, %get3A_160] {strides = array<i32>} : memref<32x1024xi32, #tpu.memory_space<vmem>>, vector<16xi32>,
      %shift_left3A_162 = arith.constant 2 : i32
      %shift_left3A_163 = vector.broadcast %shift_left3A_162 : i32 to vector<16xi32>
      %shift_left3A_164 = arith.shli %get3A_161, %shift_left3A_163 : vector<16xi32>
      %or3A_165 = arith.ori %or3A_155, %shift_left3A_164 : vector<16xi32>
      %mul3A_166 = arith.constant 16 : i32
      %mul3A_167 = arith.muli %scan3A_136, %mul3A_166 : i32
      %get3A_168 = arith.constant 3 : i32
      %get3A_169 = arith.index_cast %get3A_168 : i32 to index
      %get3A_170 = arith.index_cast %mul3A_167 : i32 to index
      %get3A_171 = tpu.vector_load %arg5[%get3A_169, %get3A_170] {strides = array<i32>} : memref<32x1024xi32, #tpu.memory_space<vmem>>, vector<16xi32>,
      %shift_left3A_172 = arith.constant 3 : i32
      %shift_left3A_173 = vector.broadcast %shift_left3A_172 : i32 to vector<16xi32>
      %shift_left3A_174 = arith.shli %get3A_171, %shift_left3A_173 : vector<16xi32>
      %or3A_175 = arith.ori %or3A_165, %shift_left3A_174 : vector<16xi32>
      %mul3A_176 = arith.constant 16 : i32
      %mul3A_177 = arith.muli %scan3A_136, %mul3A_176 : i32
      %get3A_178 = arith.constant 4 : i32
      %get3A_179 = arith.index_cast %get3A_178 : i32 to index
      %get3A_180 = arith.index_cast %mul3A_177 : i32 to index
      %get3A_181 = tpu.vector_load %arg5[%get3A_179, %get3A_180] {strides = array<i32>} : memref<32x1024xi32, #tpu.memory_space<vmem>>, vector<16xi32>,
      %shift_left3A_182 = arith.constant 4 : i32
      %shift_left3A_183 = vector.broadcast %shift_left3A_182 : i32 to vector<16xi32>
      %shift_left3A_184 = arith.shli %get3A_181, %shift_left3A_183 : vector<16xi32>
      %or3A_185 = arith.ori %or3A_175, %shift_left3A_184 : vector<16xi32>
      %mul3A_186 = arith.constant 16 : i32
      %mul3A_187 = arith.muli %scan3A_136, %mul3A_186 : i32
      %get3A_188 = arith.constant 5 : i32
      %get3A_189 = arith.index_cast %get3A_188 : i32 to index
      %get3A_190 = arith.index_cast %mul3A_187 : i32 to index
      %get3A_191 = tpu.vector_load %arg5[%get3A_189, %get3A_190] {strides = array<i32>} : memref<32x1024xi32, #tpu.memory_space<vmem>>, vector<16xi32>,
      %shift_left3A_192 = arith.constant 5 : i32
      %shift_left3A_193 = vector.broadcast %shift_left3A_192 : i32 to vector<16xi32>
      %shift_left3A_194 = arith.shli %get3A_191, %shift_left3A_193 : vector<16xi32>
      %or3A_195 = arith.ori %or3A_185, %shift_left3A_194 : vector<16xi32>
      %mul3A_196 = arith.constant 16 : i32
      %mul3A_197 = arith.muli %scan3A_136, %mul3A_196 : i32
      %get3A_198 = arith.constant 6 : i32
      %get3A_199 = arith.index_cast %get3A_198 : i32 to index
      %get3A_200 = arith.index_cast %mul3A_197 : i32 to index
      %get3A_201 = tpu.vector_load %arg5[%get3A_199, %get3A_200] {strides = array<i32>} : memref<32x1024xi32, #tpu.memory_space<vmem>>, vector<16xi32>,
      %shift_left3A_202 = arith.constant 6 : i32
      %shift_left3A_203 = vector.broadcast %shift_left3A_202 : i32 to vector<16xi32>
      %shift_left3A_204 = arith.shli %get3A_201, %shift_left3A_203 : vector<16xi32>
      %or3A_205 = arith.ori %or3A_195, %shift_left3A_204 : vector<16xi32>
      %mul3A_206 = arith.constant 16 : i32
      %mul3A_207 = arith.muli %scan3A_136, %mul3A_206 : i32
      %get3A_208 = arith.constant 7 : i32
      %get3A_209 = arith.index_cast %get3A_208 : i32 to index
      %get3A_210 = arith.index_cast %mul3A_207 : i32 to index
      %get3A_211 = tpu.vector_load %arg5[%get3A_209, %get3A_210] {strides = array<i32>} : memref<32x1024xi32, #tpu.memory_space<vmem>>, vector<16xi32>,
      %shift_left3A_212 = arith.constant 7 : i32
      %shift_left3A_213 = vector.broadcast %shift_left3A_212 : i32 to vector<16xi32>
      %shift_left3A_214 = arith.shli %get3A_211, %shift_left3A_213 : vector<16xi32>
      %or3A_215 = arith.ori %or3A_205, %shift_left3A_214 : vector<16xi32>
      %mul3A_216 = arith.constant 16 : i32
      %mul3A_217 = arith.muli %scan3A_136, %mul3A_216 : i32
      %get3A_218 = arith.constant 8 : i32
      %get3A_219 = arith.index_cast %get3A_218 : i32 to index
      %get3A_220 = arith.index_cast %mul3A_217 : i32 to index
      %get3A_221 = tpu.vector_load %arg5[%get3A_219, %get3A_220] {strides = array<i32>} : memref<32x1024xi32, #tpu.memory_space<vmem>>, vector<16xi32>,
      %shift_left3A_222 = arith.constant 8 : i32
      %shift_left3A_223 = vector.broadcast %shift_left3A_222 : i32 to vector<16xi32>
      %shift_left3A_224 = arith.shli %get3A_221, %shift_left3A_223 : vector<16xi32>
      %or3A_225 = arith.ori %or3A_215, %shift_left3A_224 : vector<16xi32>
      %mul3A_226 = arith.constant 16 : i32
      %mul3A_227 = arith.muli %scan3A_136, %mul3A_226 : i32
      %get3A_228 = arith.constant 9 : i32
      %get3A_229 = arith.index_cast %get3A_228 : i32 to index
      %get3A_230 = arith.index_cast %mul3A_227 : i32 to index
      %get3A_231 = tpu.vector_load %arg5[%get3A_229, %get3A_230] {strides = array<i32>} : memref<32x1024xi32, #tpu.memory_space<vmem>>, vector<16xi32>,
      %shift_left3A_232 = arith.constant 9 : i32
      %shift_left3A_233 = vector.broadcast %shift_left3A_232 : i32 to vector<16xi32>
      %shift_left3A_234 = arith.shli %get3A_231, %shift_left3A_233 : vector<16xi32>
      %or3A_235 = arith.ori %or3A_225, %shift_left3A_234 : vector<16xi32>
      %mul3A_236 = arith.constant 16 : i32
      %mul3A_237 = arith.muli %scan3A_136, %mul3A_236 : i32
      %get3A_238 = arith.constant 10 : i32
      %get3A_239 = arith.index_cast %get3A_238 : i32 to index
      %get3A_240 = arith.index_cast %mul3A_237 : i32 to index
      %get3A_241 = tpu.vector_load %arg5[%get3A_239, %get3A_240] {strides = array<i32>} : memref<32x1024xi32, #tpu.memory_space<vmem>>, vector<16xi32>,
      %shift_left3A_242 = arith.constant 10 : i32
      %shift_left3A_243 = vector.broadcast %shift_left3A_242 : i32 to vector<16xi32>
      %shift_left3A_244 = arith.shli %get3A_241, %shift_left3A_243 : vector<16xi32>
      %or3A_245 = arith.ori %or3A_235, %shift_left3A_244 : vector<16xi32>
      %mul3A_246 = arith.constant 16 : i32
      %mul3A_247 = arith.muli %scan3A_136, %mul3A_246 : i32
      %get3A_248 = arith.constant 11 : i32
      %get3A_249 = arith.index_cast %get3A_248 : i32 to index
      %get3A_250 = arith.index_cast %mul3A_247 : i32 to index
      %get3A_251 = tpu.vector_load %arg5[%get3A_249, %get3A_250] {strides = array<i32>} : memref<32x1024xi32, #tpu.memory_space<vmem>>, vector<16xi32>,
      %shift_left3A_252 = arith.constant 11 : i32
      %shift_left3A_253 = vector.broadcast %shift_left3A_252 : i32 to vector<16xi32>
      %shift_left3A_254 = arith.shli %get3A_251, %shift_left3A_253 : vector<16xi32>
      %or3A_255 = arith.ori %or3A_245, %shift_left3A_254 : vector<16xi32>
      %mul3A_256 = arith.constant 16 : i32
      %mul3A_257 = arith.muli %scan3A_136, %mul3A_256 : i32
      %get3A_258 = arith.constant 12 : i32
      %get3A_259 = arith.index_cast %get3A_258 : i32 to index
      %get3A_260 = arith.index_cast %mul3A_257 : i32 to index
      %get3A_261 = tpu.vector_load %arg5[%get3A_259, %get3A_260] {strides = array<i32>} : memref<32x1024xi32, #tpu.memory_space<vmem>>, vector<16xi32>,
      %shift_left3A_262 = arith.constant 12 : i32
      %shift_left3A_263 = vector.broadcast %shift_left3A_262 : i32 to vector<16xi32>
      %shift_left3A_264 = arith.shli %get3A_261, %shift_left3A_263 : vector<16xi32>
      %or3A_265 = arith.ori %or3A_255, %shift_left3A_264 : vector<16xi32>
      %mul3A_266 = arith.constant 16 : i32
      %mul3A_267 = arith.muli %scan3A_136, %mul3A_266 : i32
      %get3A_268 = arith.constant 13 : i32
      %get3A_269 = arith.index_cast %get3A_268 : i32 to index
      %get3A_270 = arith.index_cast %mul3A_267 : i32 to index
      %get3A_271 = tpu.vector_load %arg5[%get3A_269, %get3A_270] {strides = array<i32>} : memref<32x1024xi32, #tpu.memory_space<vmem>>, vector<16xi32>,
      %shift_left3A_272 = arith.constant 13 : i32
      %shift_left3A_273 = vector.broadcast %shift_left3A_272 : i32 to vector<16xi32>
      %shift_left3A_274 = arith.shli %get3A_271, %shift_left3A_273 : vector<16xi32>
      %or3A_275 = arith.ori %or3A_265, %shift_left3A_274 : vector<16xi32>
      %mul3A_276 = arith.constant 16 : i32
      %mul3A_277 = arith.muli %scan3A_136, %mul3A_276 : i32
      %get3A_278 = arith.constant 14 : i32
      %get3A_279 = arith.index_cast %get3A_278 : i32 to index
      %get3A_280 = arith.index_cast %mul3A_277 : i32 to index
      %get3A_281 = tpu.vector_load %arg5[%get3A_279, %get3A_280] {strides = array<i32>} : memref<32x1024xi32, #tpu.memory_space<vmem>>, vector<16xi32>,
      %shift_left3A_282 = arith.constant 14 : i32
      %shift_left3A_283 = vector.broadcast %shift_left3A_282 : i32 to vector<16xi32>
      %shift_left3A_284 = arith.shli %get3A_281, %shift_left3A_283 : vector<16xi32>
      %or3A_285 = arith.ori %or3A_275, %shift_left3A_284 : vector<16xi32>
      %mul3A_286 = arith.constant 16 : i32
      %mul3A_287 = arith.muli %scan3A_136, %mul3A_286 : i32
      %get3A_288 = arith.constant 15 : i32
      %get3A_289 = arith.index_cast %get3A_288 : i32 to index
      %get3A_290 = arith.index_cast %mul3A_287 : i32 to index
      %get3A_291 = tpu.vector_load %arg5[%get3A_289, %get3A_290] {strides = array<i32>} : memref<32x1024xi32, #tpu.memory_space<vmem>>, vector<16xi32>,
      %shift_left3A_292 = arith.constant 15 : i32
      %shift_left3A_293 = vector.broadcast %shift_left3A_292 : i32 to vector<16xi32>
      %shift_left3A_294 = arith.shli %get3A_291, %shift_left3A_293 : vector<16xi32>
      %or3A_295 = arith.ori %or3A_285, %shift_left3A_294 : vector<16xi32>
      %mul3A_296 = arith.constant 16 : i32
      %mul3A_297 = arith.muli %scan3A_136, %mul3A_296 : i32
      %get3A_298 = arith.constant 16 : i32
      %get3A_299 = arith.index_cast %get3A_298 : i32 to index
      %get3A_300 = arith.index_cast %mul3A_297 : i32 to index
      %get3A_301 = tpu.vector_load %arg5[%get3A_299, %get3A_300] {strides = array<i32>} : memref<32x1024xi32, #tpu.memory_space<vmem>>, vector<16xi32>,
      %shift_left3A_302 = arith.constant 16 : i32
      %shift_left3A_303 = vector.broadcast %shift_left3A_302 : i32 to vector<16xi32>
      %shift_left3A_304 = arith.shli %get3A_301, %shift_left3A_303 : vector<16xi32>
      %or3A_305 = arith.ori %or3A_295, %shift_left3A_304 : vector<16xi32>
      %mul3A_306 = arith.constant 16 : i32
      %mul3A_307 = arith.muli %scan3A_136, %mul3A_306 : i32
      %get3A_308 = arith.constant 17 : i32
      %get3A_309 = arith.index_cast %get3A_308 : i32 to index
      %get3A_310 = arith.index_cast %mul3A_307 : i32 to index
      %get3A_311 = tpu.vector_load %arg5[%get3A_309, %get3A_310] {strides = array<i32>} : memref<32x1024xi32, #tpu.memory_space<vmem>>, vector<16xi32>,
      %shift_left3A_312 = arith.constant 17 : i32
      %shift_left3A_313 = vector.broadcast %shift_left3A_312 : i32 to vector<16xi32>
      %shift_left3A_314 = arith.shli %get3A_311, %shift_left3A_313 : vector<16xi32>
      %or3A_315 = arith.ori %or3A_305, %shift_left3A_314 : vector<16xi32>
      %mul3A_316 = arith.constant 16 : i32
      %mul3A_317 = arith.muli %scan3A_136, %mul3A_316 : i32
      %get3A_318 = arith.constant 18 : i32
      %get3A_319 = arith.index_cast %get3A_318 : i32 to index
      %get3A_320 = arith.index_cast %mul3A_317 : i32 to index
      %get3A_321 = tpu.vector_load %arg5[%get3A_319, %get3A_320] {strides = array<i32>} : memref<32x1024xi32, #tpu.memory_space<vmem>>, vector<16xi32>,
      %shift_left3A_322 = arith.constant 18 : i32
      %shift_left3A_323 = vector.broadcast %shift_left3A_322 : i32 to vector<16xi32>
      %shift_left3A_324 = arith.shli %get3A_321, %shift_left3A_323 : vector<16xi32>
      %or3A_325 = arith.ori %or3A_315, %shift_left3A_324 : vector<16xi32>
      %mul3A_326 = arith.constant 16 : i32
      %mul3A_327 = arith.muli %scan3A_136, %mul3A_326 : i32
      %get3A_328 = arith.constant 19 : i32
      %get3A_329 = arith.index_cast %get3A_328 : i32 to index
      %get3A_330 = arith.index_cast %mul3A_327 : i32 to index
      %get3A_331 = tpu.vector_load %arg5[%get3A_329, %get3A_330] {strides = array<i32>} : memref<32x1024xi32, #tpu.memory_space<vmem>>, vector<16xi32>,
      %shift_left3A_332 = arith.constant 19 : i32
      %shift_left3A_333 = vector.broadcast %shift_left3A_332 : i32 to vector<16xi32>
      %shift_left3A_334 = arith.shli %get3A_331, %shift_left3A_333 : vector<16xi32>
      %or3A_335 = arith.ori %or3A_325, %shift_left3A_334 : vector<16xi32>
      %mul3A_336 = arith.constant 16 : i32
      %mul3A_337 = arith.muli %scan3A_136, %mul3A_336 : i32
      %get3A_338 = arith.constant 20 : i32
      %get3A_339 = arith.index_cast %get3A_338 : i32 to index
      %get3A_340 = arith.index_cast %mul3A_337 : i32 to index
      %get3A_341 = tpu.vector_load %arg5[%get3A_339, %get3A_340] {strides = array<i32>} : memref<32x1024xi32, #tpu.memory_space<vmem>>, vector<16xi32>,
      %shift_left3A_342 = arith.constant 20 : i32
      %shift_left3A_343 = vector.broadcast %shift_left3A_342 : i32 to vector<16xi32>
      %shift_left3A_344 = arith.shli %get3A_341, %shift_left3A_343 : vector<16xi32>
      %or3A_345 = arith.ori %or3A_335, %shift_left3A_344 : vector<16xi32>
      %mul3A_346 = arith.constant 16 : i32
      %mul3A_347 = arith.muli %scan3A_136, %mul3A_346 : i32
      %get3A_348 = arith.constant 21 : i32
      %get3A_349 = arith.index_cast %get3A_348 : i32 to index
      %get3A_350 = arith.index_cast %mul3A_347 : i32 to index
      %get3A_351 = tpu.vector_load %arg5[%get3A_349, %get3A_350] {strides = array<i32>} : memref<32x1024xi32, #tpu.memory_space<vmem>>, vector<16xi32>,
      %shift_left3A_352 = arith.constant 21 : i32
      %shift_left3A_353 = vector.broadcast %shift_left3A_352 : i32 to vector<16xi32>
      %shift_left3A_354 = arith.shli %get3A_351, %shift_left3A_353 : vector<16xi32>
      %or3A_355 = arith.ori %or3A_345, %shift_left3A_354 : vector<16xi32>
      %mul3A_356 = arith.constant 16 : i32
      %mul3A_357 = arith.muli %scan3A_136, %mul3A_356 : i32
      %get3A_358 = arith.constant 22 : i32
      %get3A_359 = arith.index_cast %get3A_358 : i32 to index
      %get3A_360 = arith.index_cast %mul3A_357 : i32 to index
      %get3A_361 = tpu.vector_load %arg5[%get3A_359, %get3A_360] {strides = array<i32>} : memref<32x1024xi32, #tpu.memory_space<vmem>>, vector<16xi32>,
      %shift_left3A_362 = arith.constant 22 : i32
      %shift_left3A_363 = vector.broadcast %shift_left3A_362 : i32 to vector<16xi32>
      %shift_left3A_364 = arith.shli %get3A_361, %shift_left3A_363 : vector<16xi32>
      %or3A_365 = arith.ori %or3A_355, %shift_left3A_364 : vector<16xi32>
      %mul3A_366 = arith.constant 16 : i32
      %mul3A_367 = arith.muli %scan3A_136, %mul3A_366 : i32
      %get3A_368 = arith.constant 23 : i32
      %get3A_369 = arith.index_cast %get3A_368 : i32 to index
      %get3A_370 = arith.index_cast %mul3A_367 : i32 to index
      %get3A_371 = tpu.vector_load %arg5[%get3A_369, %get3A_370] {strides = array<i32>} : memref<32x1024xi32, #tpu.memory_space<vmem>>, vector<16xi32>,
      %shift_left3A_372 = arith.constant 23 : i32
      %shift_left3A_373 = vector.broadcast %shift_left3A_372 : i32 to vector<16xi32>
      %shift_left3A_374 = arith.shli %get3A_371, %shift_left3A_373 : vector<16xi32>
      %or3A_375 = arith.ori %or3A_365, %shift_left3A_374 : vector<16xi32>
      %mul3A_376 = arith.constant 16 : i32
      %mul3A_377 = arith.muli %scan3A_136, %mul3A_376 : i32
      %get3A_378 = arith.constant 24 : i32
      %get3A_379 = arith.index_cast %get3A_378 : i32 to index
      %get3A_380 = arith.index_cast %mul3A_377 : i32 to index
      %get3A_381 = tpu.vector_load %arg5[%get3A_379, %get3A_380] {strides = array<i32>} : memref<32x1024xi32, #tpu.memory_space<vmem>>, vector<16xi32>,
      %shift_left3A_382 = arith.constant 24 : i32
      %shift_left3A_383 = vector.broadcast %shift_left3A_382 : i32 to vector<16xi32>
      %shift_left3A_384 = arith.shli %get3A_381, %shift_left3A_383 : vector<16xi32>
      %or3A_385 = arith.ori %or3A_375, %shift_left3A_384 : vector<16xi32>
      %mul3A_386 = arith.constant 16 : i32
      %mul3A_387 = arith.muli %scan3A_136, %mul3A_386 : i32
      %get3A_388 = arith.constant 25 : i32
      %get3A_389 = arith.index_cast %get3A_388 : i32 to index
      %get3A_390 = arith.index_cast %mul3A_387 : i32 to index
      %get3A_391 = tpu.vector_load %arg5[%get3A_389, %get3A_390] {strides = array<i32>} : memref<32x1024xi32, #tpu.memory_space<vmem>>, vector<16xi32>,
      %shift_left3A_392 = arith.constant 25 : i32
      %shift_left3A_393 = vector.broadcast %shift_left3A_392 : i32 to vector<16xi32>
      %shift_left3A_394 = arith.shli %get3A_391, %shift_left3A_393 : vector<16xi32>
      %or3A_395 = arith.ori %or3A_385, %shift_left3A_394 : vector<16xi32>
      %mul3A_396 = arith.constant 16 : i32
      %mul3A_397 = arith.muli %scan3A_136, %mul3A_396 : i32
      %get3A_398 = arith.constant 26 : i32
      %get3A_399 = arith.index_cast %get3A_398 : i32 to index
      %get3A_400 = arith.index_cast %mul3A_397 : i32 to index
      %get3A_401 = tpu.vector_load %arg5[%get3A_399, %get3A_400] {strides = array<i32>} : memref<32x1024xi32, #tpu.memory_space<vmem>>, vector<16xi32>,
      %shift_left3A_402 = arith.constant 26 : i32
      %shift_left3A_403 = vector.broadcast %shift_left3A_402 : i32 to vector<16xi32>
      %shift_left3A_404 = arith.shli %get3A_401, %shift_left3A_403 : vector<16xi32>
      %or3A_405 = arith.ori %or3A_395, %shift_left3A_404 : vector<16xi32>
      %mul3A_406 = arith.constant 16 : i32
      %mul3A_407 = arith.muli %scan3A_136, %mul3A_406 : i32
      %get3A_408 = arith.constant 27 : i32
      %get3A_409 = arith.index_cast %get3A_408 : i32 to index
      %get3A_410 = arith.index_cast %mul3A_407 : i32 to index
      %get3A_411 = tpu.vector_load %arg5[%get3A_409, %get3A_410] {strides = array<i32>} : memref<32x1024xi32, #tpu.memory_space<vmem>>, vector<16xi32>,
      %shift_left3A_412 = arith.constant 27 : i32
      %shift_left3A_413 = vector.broadcast %shift_left3A_412 : i32 to vector<16xi32>
      %shift_left3A_414 = arith.shli %get3A_411, %shift_left3A_413 : vector<16xi32>
      %or3A_415 = arith.ori %or3A_405, %shift_left3A_414 : vector<16xi32>
      %mul3A_416 = arith.constant 16 : i32
      %mul3A_417 = arith.muli %scan3A_136, %mul3A_416 : i32
      %get3A_418 = arith.constant 28 : i32
      %get3A_419 = arith.index_cast %get3A_418 : i32 to index
      %get3A_420 = arith.index_cast %mul3A_417 : i32 to index
      %get3A_421 = tpu.vector_load %arg5[%get3A_419, %get3A_420] {strides = array<i32>} : memref<32x1024xi32, #tpu.memory_space<vmem>>, vector<16xi32>,
      %shift_left3A_422 = arith.constant 28 : i32
      %shift_left3A_423 = vector.broadcast %shift_left3A_422 : i32 to vector<16xi32>
      %shift_left3A_424 = arith.shli %get3A_421, %shift_left3A_423 : vector<16xi32>
      %or3A_425 = arith.ori %or3A_415, %shift_left3A_424 : vector<16xi32>
      %mul3A_426 = arith.constant 16 : i32
      %mul3A_427 = arith.muli %scan3A_136, %mul3A_426 : i32
      %get3A_428 = arith.constant 29 : i32
      %get3A_429 = arith.index_cast %get3A_428 : i32 to index
      %get3A_430 = arith.index_cast %mul3A_427 : i32 to index
      %get3A_431 = tpu.vector_load %arg5[%get3A_429, %get3A_430] {strides = array<i32>} : memref<32x1024xi32, #tpu.memory_space<vmem>>, vector<16xi32>,
      %shift_left3A_432 = arith.constant 29 : i32
      %shift_left3A_433 = vector.broadcast %shift_left3A_432 : i32 to vector<16xi32>
      %shift_left3A_434 = arith.shli %get3A_431, %shift_left3A_433 : vector<16xi32>
      %or3A_435 = arith.ori %or3A_425, %shift_left3A_434 : vector<16xi32>
      %mul3A_436 = arith.constant 16 : i32
      %mul3A_437 = arith.muli %scan3A_136, %mul3A_436 : i32
      %get3A_438 = arith.constant 30 : i32
      %get3A_439 = arith.index_cast %get3A_438 : i32 to index
      %get3A_440 = arith.index_cast %mul3A_437 : i32 to index
      %get3A_441 = tpu.vector_load %arg5[%get3A_439, %get3A_440] {strides = array<i32>} : memref<32x1024xi32, #tpu.memory_space<vmem>>, vector<16xi32>,
      %shift_left3A_442 = arith.constant 30 : i32
      %shift_left3A_443 = vector.broadcast %shift_left3A_442 : i32 to vector<16xi32>
      %shift_left3A_444 = arith.shli %get3A_441, %shift_left3A_443 : vector<16xi32>
      %or3A_445 = arith.ori %or3A_435, %shift_left3A_444 : vector<16xi32>
      %mul3A_446 = arith.constant 16 : i32
      %mul3A_447 = arith.muli %scan3A_136, %mul3A_446 : i32
      %get3A_448 = arith.constant 31 : i32
      %get3A_449 = arith.index_cast %get3A_448 : i32 to index
      %get3A_450 = arith.index_cast %mul3A_447 : i32 to index
      %get3A_451 = tpu.vector_load %arg5[%get3A_449, %get3A_450] {strides = array<i32>} : memref<32x1024xi32, #tpu.memory_space<vmem>>, vector<16xi32>,
      %shift_left3A_452 = arith.constant 31 : i32
      %shift_left3A_453 = vector.broadcast %shift_left3A_452 : i32 to vector<16xi32>
      %shift_left3A_454 = arith.shli %get3A_451, %shift_left3A_453 : vector<16xi32>
      %or3A_455 = arith.ori %or3A_445, %shift_left3A_454 : vector<16xi32>
      %mul3A_456 = arith.constant 16 : i32
      %mul3A_457 = arith.muli %scan3A_136, %mul3A_456 : i32
      %add3A_458 = arith.constant 1 : i32
      %add3A_459 = arith.addi %add3A_458, %mul3A_457 : i32
      %swap3A_460 = arith.index_cast %add3A_459 : i32 to index
      %swap3A_461 = tpu.vector_load %arg7[%swap3A_460] {strides = array<i32>} : memref<2064xi32, #tpu.memory_space<vmem>>, vector<16xi32>,
      tpu.vector_store %arg7[%swap3A_460], %or3A_455 {strides = array<i32>} : memref<2064xi32, #tpu.memory_space<vmem>>, vector<16xi32>,
      %not3A = arith.constant dense<-1> : vector<16xi32>
      %not3A_462 = arith.xori %or3A_455, %not3A : vector<16xi32>
      %mul3A_463 = arith.constant 16 : i32
      %mul3A_464 = arith.muli %scan3A_136, %mul3A_463 : i32
      %add3A_465 = arith.constant 1025 : i32
      %add3A_466 = arith.addi %add3A_465, %mul3A_464 : i32
      %swap3A_467 = arith.index_cast %add3A_466 : i32 to index
      %swap3A_468 = tpu.vector_load %arg7[%swap3A_467] {strides = array<i32>} : memref<2064xi32, #tpu.memory_space<vmem>>, vector<16xi32>,
      tpu.vector_store %arg7[%swap3A_467], %not3A_462 {strides = array<i32>} : memref<2064xi32, #tpu.memory_space<vmem>>, vector<16xi32>,
    }
    %scan3A_129 = arith.constant 16 : i32
    tpu.wait_dma2 semaphore(%arg10 : memref<!tpu.dma_semaphore, #tpu.memory_space<semaphore_mem>>) src(%arg3 : memref<16384xi32, #tpu.memory_space<hbm>>) dst(%arg6 : memref<16384xi32, #tpu.memory_space<vmem>>)
    %scan3A_130 = arith.constant 0 : i32
    %scan3A_131 = arith.constant 0 : i32
    %scan3A_132 = arith.constant 16 : i32
    %scan3A_133 = arith.addi %scan3A_131, %scan3A_132 : i32
    %scan3A_134 = arith.constant 1 : i32
    scf.for %scan3A_136 = %scan3A_131 to %scan3A_133 step %scan3A_134  : i32 {
      %mul3A_137 = arith.constant 16 : i32
      %mul3A_138 = arith.muli %scan3A_136, %mul3A_137 : i32
      %broadcast_in_dim3A_139 = arith.constant 0 : i32
      %broadcast_in_dim3A_140 = vector.broadcast %broadcast_in_dim3A_139 : i32 to vector<16xi32>
      %scan3A_141 = arith.constant 0 : i32
      %scan3A_142 = arith.constant 16 : i32
      %scan3A_143 = arith.addi %scan3A_141, %scan3A_142 : i32
      %scan3A_144 = arith.constant 2 : i32
      %scan3A_145 = scf.for %scan3A_465 = %scan3A_141 to %scan3A_143 step %scan3A_144 iter_args(%scan3A_466 = %broadcast_in_dim3A_140) -> (vector<16xi32>)  : i32 {
        %broadcast_in_dim3A_467 = arith.constant -1 : i32
        %broadcast_in_dim3A_468 = vector.broadcast %broadcast_in_dim3A_467 : i32 to vector<16xi32>
        %broadcast_in_dim3A_469 = arith.constant 0 : i32
        %broadcast_in_dim3A_470 = vector.broadcast %broadcast_in_dim3A_469 : i32 to vector<16xi32>
        %mul3A_471 = arith.constant 4 : i32
        %mul3A_472 = arith.muli %scan3A_465, %mul3A_471 : i32
        %mul3A_473 = arith.constant 256 : i32
        %mul3A_474 = arith.muli %mul3A_472, %mul3A_473 : i32
        %add3A_475 = arith.constant 0 : i32
        %add3A_476 = arith.addi %mul3A_474, %add3A_475 : i32
        %add3A_477 = arith.addi %add3A_476, %mul3A_138 : i32
        %get3A = arith.index_cast %add3A_477 : i32 to index
        %get3A_478 = tpu.vector_load %arg6[%get3A] {strides = array<i32>} : memref<16384xi32, #tpu.memory_space<vmem>>, vector<16xi32>,
        %bitcast3A = vector.bitcast %get3A_478 : vector<16xi32> to vector<32xi16>
        %unpack3A = tpu.unpack_subelements %bitcast3A, 0 {pack_format = #tpu.pack_format<interleaved>} : vector<32xi16> -> vector<16xi32>
        %unpack3A_479 = tpu.unpack_subelements %bitcast3A, 1 {pack_format = #tpu.pack_format<interleaved>} : vector<32xi16> -> vector<16xi32>
        %gather3A = tpu.vector_load_idx %arg7[%unpack3A] : memref<2064xi32, #tpu.memory_space<vmem>>[vector<16xi32>], vector<16xi32>,
        %and3A_480 = arith.andi %broadcast_in_dim3A_468, %gather3A : vector<16xi32>
        %gather3A_481 = tpu.vector_load_idx %arg7[%unpack3A_479] : memref<2064xi32, #tpu.memory_space<vmem>>[vector<16xi32>], vector<16xi32>,
        %and3A_482 = arith.andi %and3A_480, %gather3A_481 : vector<16xi32>
        %or3A = arith.ori %broadcast_in_dim3A_470, %unpack3A : vector<16xi32>
        %or3A_483 = arith.ori %or3A, %unpack3A_479 : vector<16xi32>
        %mul3A_484 = arith.constant 4 : i32
        %mul3A_485 = arith.muli %scan3A_465, %mul3A_484 : i32
        %mul3A_486 = arith.constant 256 : i32
        %mul3A_487 = arith.muli %mul3A_485, %mul3A_486 : i32
        %add3A_488 = arith.constant 256 : i32
        %add3A_489 = arith.addi %mul3A_487, %add3A_488 : i32
        %add3A_490 = arith.addi %add3A_489, %mul3A_138 : i32
        %get3A_491 = arith.index_cast %add3A_490 : i32 to index
        %get3A_492 = tpu.vector_load %arg6[%get3A_491] {strides = array<i32>} : memref<16384xi32, #tpu.memory_space<vmem>>, vector<16xi32>,
        %bitcast3A_493 = vector.bitcast %get3A_492 : vector<16xi32> to vector<32xi16>
        %unpack3A_494 = tpu.unpack_subelements %bitcast3A_493, 0 {pack_format = #tpu.pack_format<interleaved>} : vector<32xi16> -> vector<16xi32>
        %unpack3A_495 = tpu.unpack_subelements %bitcast3A_493, 1 {pack_format = #tpu.pack_format<interleaved>} : vector<32xi16> -> vector<16xi32>
        %gather3A_496 = tpu.vector_load_idx %arg7[%unpack3A_494] : memref<2064xi32, #tpu.memory_space<vmem>>[vector<16xi32>], vector<16xi32>,
        %and3A_497 = arith.andi %and3A_482, %gather3A_496 : vector<16xi32>
        %gather3A_498 = tpu.vector_load_idx %arg7[%unpack3A_495] : memref<2064xi32, #tpu.memory_space<vmem>>[vector<16xi32>], vector<16xi32>,
        %and3A_499 = arith.andi %and3A_497, %gather3A_498 : vector<16xi32>
        %or3A_500 = arith.ori %or3A_483, %unpack3A_494 : vector<16xi32>
        %or3A_501 = arith.ori %or3A_500, %unpack3A_495 : vector<16xi32>
        %mul3A_502 = arith.constant 4 : i32
        %mul3A_503 = arith.muli %scan3A_465, %mul3A_502 : i32
        %mul3A_504 = arith.constant 256 : i32
        %mul3A_505 = arith.muli %mul3A_503, %mul3A_504 : i32
        %add3A_506 = arith.constant 512 : i32
        %add3A_507 = arith.addi %mul3A_505, %add3A_506 : i32
        %add3A_508 = arith.addi %add3A_507, %mul3A_138 : i32
        %get3A_509 = arith.index_cast %add3A_508 : i32 to index
        %get3A_510 = tpu.vector_load %arg6[%get3A_509] {strides = array<i32>} : memref<16384xi32, #tpu.memory_space<vmem>>, vector<16xi32>,
        %bitcast3A_511 = vector.bitcast %get3A_510 : vector<16xi32> to vector<32xi16>
        %unpack3A_512 = tpu.unpack_subelements %bitcast3A_511, 0 {pack_format = #tpu.pack_format<interleaved>} : vector<32xi16> -> vector<16xi32>
        %unpack3A_513 = tpu.unpack_subelements %bitcast3A_511, 1 {pack_format = #tpu.pack_format<interleaved>} : vector<32xi16> -> vector<16xi32>
        %gather3A_514 = tpu.vector_load_idx %arg7[%unpack3A_512] : memref<2064xi32, #tpu.memory_space<vmem>>[vector<16xi32>], vector<16xi32>,
        %and3A_515 = arith.andi %and3A_499, %gather3A_514 : vector<16xi32>
        %gather3A_516 = tpu.vector_load_idx %arg7[%unpack3A_513] : memref<2064xi32, #tpu.memory_space<vmem>>[vector<16xi32>], vector<16xi32>,
        %and3A_517 = arith.andi %and3A_515, %gather3A_516 : vector<16xi32>
        %or3A_518 = arith.ori %or3A_501, %unpack3A_512 : vector<16xi32>
        %or3A_519 = arith.ori %or3A_518, %unpack3A_513 : vector<16xi32>
        %mul3A_520 = arith.constant 4 : i32
        %mul3A_521 = arith.muli %scan3A_465, %mul3A_520 : i32
        %mul3A_522 = arith.constant 256 : i32
        %mul3A_523 = arith.muli %mul3A_521, %mul3A_522 : i32
        %add3A_524 = arith.constant 768 : i32
        %add3A_525 = arith.addi %mul3A_523, %add3A_524 : i32
        %add3A_526 = arith.addi %add3A_525, %mul3A_138 : i32
        %get3A_527 = arith.index_cast %add3A_526 : i32 to index
        %get3A_528 = tpu.vector_load %arg6[%get3A_527] {strides = array<i32>} : memref<16384xi32, #tpu.memory_space<vmem>>, vector<16xi32>,
        %bitcast3A_529 = vector.bitcast %get3A_528 : vector<16xi32> to vector<32xi16>
        %unpack3A_530 = tpu.unpack_subelements %bitcast3A_529, 0 {pack_format = #tpu.pack_format<interleaved>} : vector<32xi16> -> vector<16xi32>
        %unpack3A_531 = tpu.unpack_subelements %bitcast3A_529, 1 {pack_format = #tpu.pack_format<interleaved>} : vector<32xi16> -> vector<16xi32>
        %gather3A_532 = tpu.vector_load_idx %arg7[%unpack3A_530] : memref<2064xi32, #tpu.memory_space<vmem>>[vector<16xi32>], vector<16xi32>,
        %and3A_533 = arith.andi %and3A_517, %gather3A_532 : vector<16xi32>
        %gather3A_534 = tpu.vector_load_idx %arg7[%unpack3A_531] : memref<2064xi32, #tpu.memory_space<vmem>>[vector<16xi32>], vector<16xi32>,
        %and3A_535 = arith.andi %and3A_533, %gather3A_534 : vector<16xi32>
        %or3A_536 = arith.ori %or3A_519, %unpack3A_530 : vector<16xi32>
        %or3A_537 = arith.ori %or3A_536, %unpack3A_531 : vector<16xi32>
        %ne3A = arith.constant 0 : i32
        %ne3A_538 = vector.broadcast %ne3A : i32 to vector<16xi32>
        %ne3A_539 = arith.cmpi ne, %or3A_537, %ne3A_538 : vector<16xi32>
        %jit3A = arith.constant 0 : i32
        %broadcast_in_dim3A_540 = vector.broadcast %jit3A : i32 to vector<16xi32>
        %select_n3A = arith.select %ne3A_539, %and3A_535, %broadcast_in_dim3A_540 : vector<16xi1>, vector<16xi32>
        %or3A_541 = arith.ori %scan3A_466, %select_n3A : vector<16xi32>
        %scan3A_542 = arith.constant 1 : i32
        %scan3A_543 = arith.addi %scan3A_465, %scan3A_542 : i32
        %broadcast_in_dim3A_544 = arith.constant -1 : i32
        %broadcast_in_dim3A_545 = vector.broadcast %broadcast_in_dim3A_544 : i32 to vector<16xi32>
        %broadcast_in_dim3A_546 = arith.constant 0 : i32
        %broadcast_in_dim3A_547 = vector.broadcast %broadcast_in_dim3A_546 : i32 to vector<16xi32>
        %mul3A_548 = arith.constant 4 : i32
        %mul3A_549 = arith.muli %scan3A_543, %mul3A_548 : i32
        %mul3A_550 = arith.constant 256 : i32
        %mul3A_551 = arith.muli %mul3A_549, %mul3A_550 : i32
        %add3A_552 = arith.constant 0 : i32
        %add3A_553 = arith.addi %mul3A_551, %add3A_552 : i32
        %add3A_554 = arith.addi %add3A_553, %mul3A_138 : i32
        %get3A_555 = arith.index_cast %add3A_554 : i32 to index
        %get3A_556 = tpu.vector_load %arg6[%get3A_555] {strides = array<i32>} : memref<16384xi32, #tpu.memory_space<vmem>>, vector<16xi32>,
        %bitcast3A_557 = vector.bitcast %get3A_556 : vector<16xi32> to vector<32xi16>
        %unpack3A_558 = tpu.unpack_subelements %bitcast3A_557, 0 {pack_format = #tpu.pack_format<interleaved>} : vector<32xi16> -> vector<16xi32>
        %unpack3A_559 = tpu.unpack_subelements %bitcast3A_557, 1 {pack_format = #tpu.pack_format<interleaved>} : vector<32xi16> -> vector<16xi32>
        %gather3A_560 = tpu.vector_load_idx %arg7[%unpack3A_558] : memref<2064xi32, #tpu.memory_space<vmem>>[vector<16xi32>], vector<16xi32>,
        %and3A_561 = arith.andi %broadcast_in_dim3A_545, %gather3A_560 : vector<16xi32>
        %gather3A_562 = tpu.vector_load_idx %arg7[%unpack3A_559] : memref<2064xi32, #tpu.memory_space<vmem>>[vector<16xi32>], vector<16xi32>,
        %and3A_563 = arith.andi %and3A_561, %gather3A_562 : vector<16xi32>
        %or3A_564 = arith.ori %broadcast_in_dim3A_547, %unpack3A_558 : vector<16xi32>
        %or3A_565 = arith.ori %or3A_564, %unpack3A_559 : vector<16xi32>
        %mul3A_566 = arith.constant 4 : i32
        %mul3A_567 = arith.muli %scan3A_543, %mul3A_566 : i32
        %mul3A_568 = arith.constant 256 : i32
        %mul3A_569 = arith.muli %mul3A_567, %mul3A_568 : i32
        %add3A_570 = arith.constant 256 : i32
        %add3A_571 = arith.addi %mul3A_569, %add3A_570 : i32
        %add3A_572 = arith.addi %add3A_571, %mul3A_138 : i32
        %get3A_573 = arith.index_cast %add3A_572 : i32 to index
        %get3A_574 = tpu.vector_load %arg6[%get3A_573] {strides = array<i32>} : memref<16384xi32, #tpu.memory_space<vmem>>, vector<16xi32>,
        %bitcast3A_575 = vector.bitcast %get3A_574 : vector<16xi32> to vector<32xi16>
        %unpack3A_576 = tpu.unpack_subelements %bitcast3A_575, 0 {pack_format = #tpu.pack_format<interleaved>} : vector<32xi16> -> vector<16xi32>
        %unpack3A_577 = tpu.unpack_subelements %bitcast3A_575, 1 {pack_format = #tpu.pack_format<interleaved>} : vector<32xi16> -> vector<16xi32>
        %gather3A_578 = tpu.vector_load_idx %arg7[%unpack3A_576] : memref<2064xi32, #tpu.memory_space<vmem>>[vector<16xi32>], vector<16xi32>,
        %and3A_579 = arith.andi %and3A_563, %gather3A_578 : vector<16xi32>
        %gather3A_580 = tpu.vector_load_idx %arg7[%unpack3A_577] : memref<2064xi32, #tpu.memory_space<vmem>>[vector<16xi32>], vector<16xi32>,
        %and3A_581 = arith.andi %and3A_579, %gather3A_580 : vector<16xi32>
        %or3A_582 = arith.ori %or3A_565, %unpack3A_576 : vector<16xi32>
        %or3A_583 = arith.ori %or3A_582, %unpack3A_577 : vector<16xi32>
        %mul3A_584 = arith.constant 4 : i32
        %mul3A_585 = arith.muli %scan3A_543, %mul3A_584 : i32
        %mul3A_586 = arith.constant 256 : i32
        %mul3A_587 = arith.muli %mul3A_585, %mul3A_586 : i32
        %add3A_588 = arith.constant 512 : i32
        %add3A_589 = arith.addi %mul3A_587, %add3A_588 : i32
        %add3A_590 = arith.addi %add3A_589, %mul3A_138 : i32
        %get3A_591 = arith.index_cast %add3A_590 : i32 to index
        %get3A_592 = tpu.vector_load %arg6[%get3A_591] {strides = array<i32>} : memref<16384xi32, #tpu.memory_space<vmem>>, vector<16xi32>,
        %bitcast3A_593 = vector.bitcast %get3A_592 : vector<16xi32> to vector<32xi16>
        %unpack3A_594 = tpu.unpack_subelements %bitcast3A_593, 0 {pack_format = #tpu.pack_format<interleaved>} : vector<32xi16> -> vector<16xi32>
        %unpack3A_595 = tpu.unpack_subelements %bitcast3A_593, 1 {pack_format = #tpu.pack_format<interleaved>} : vector<32xi16> -> vector<16xi32>
        %gather3A_596 = tpu.vector_load_idx %arg7[%unpack3A_594] : memref<2064xi32, #tpu.memory_space<vmem>>[vector<16xi32>], vector<16xi32>,
        %and3A_597 = arith.andi %and3A_581, %gather3A_596 : vector<16xi32>
        %gather3A_598 = tpu.vector_load_idx %arg7[%unpack3A_595] : memref<2064xi32, #tpu.memory_space<vmem>>[vector<16xi32>], vector<16xi32>,
        %and3A_599 = arith.andi %and3A_597, %gather3A_598 : vector<16xi32>
        %or3A_600 = arith.ori %or3A_583, %unpack3A_594 : vector<16xi32>
        %or3A_601 = arith.ori %or3A_600, %unpack3A_595 : vector<16xi32>
        %mul3A_602 = arith.constant 4 : i32
        %mul3A_603 = arith.muli %scan3A_543, %mul3A_602 : i32
        %mul3A_604 = arith.constant 256 : i32
        %mul3A_605 = arith.muli %mul3A_603, %mul3A_604 : i32
        %add3A_606 = arith.constant 768 : i32
        %add3A_607 = arith.addi %mul3A_605, %add3A_606 : i32
        %add3A_608 = arith.addi %add3A_607, %mul3A_138 : i32
        %get3A_609 = arith.index_cast %add3A_608 : i32 to index
        %get3A_610 = tpu.vector_load %arg6[%get3A_609] {strides = array<i32>} : memref<16384xi32, #tpu.memory_space<vmem>>, vector<16xi32>,
        %bitcast3A_611 = vector.bitcast %get3A_610 : vector<16xi32> to vector<32xi16>
        %unpack3A_612 = tpu.unpack_subelements %bitcast3A_611, 0 {pack_format = #tpu.pack_format<interleaved>} : vector<32xi16> -> vector<16xi32>
        %unpack3A_613 = tpu.unpack_subelements %bitcast3A_611, 1 {pack_format = #tpu.pack_format<interleaved>} : vector<32xi16> -> vector<16xi32>
        %gather3A_614 = tpu.vector_load_idx %arg7[%unpack3A_612] : memref<2064xi32, #tpu.memory_space<vmem>>[vector<16xi32>], vector<16xi32>,
        %and3A_615 = arith.andi %and3A_599, %gather3A_614 : vector<16xi32>
        %gather3A_616 = tpu.vector_load_idx %arg7[%unpack3A_613] : memref<2064xi32, #tpu.memory_space<vmem>>[vector<16xi32>], vector<16xi32>,
        %and3A_617 = arith.andi %and3A_615, %gather3A_616 : vector<16xi32>
        %or3A_618 = arith.ori %or3A_601, %unpack3A_612 : vector<16xi32>
        %or3A_619 = arith.ori %or3A_618, %unpack3A_613 : vector<16xi32>
        %ne3A_620 = arith.constant 0 : i32
        %ne3A_621 = vector.broadcast %ne3A_620 : i32 to vector<16xi32>
        %ne3A_622 = arith.cmpi ne, %or3A_619, %ne3A_621 : vector<16xi32>
        %jit3A_623 = arith.constant 0 : i32
        %broadcast_in_dim3A_624 = vector.broadcast %jit3A_623 : i32 to vector<16xi32>
        %select_n3A_625 = arith.select %ne3A_622, %and3A_617, %broadcast_in_dim3A_624 : vector<16xi1>, vector<16xi32>
        %or3A_626 = arith.ori %or3A_541, %select_n3A_625 : vector<16xi32>
        scf.yield %or3A_626 : vector<16xi32>
      }
      %scan3A_146 = arith.constant 16 : i32
      %shift_right_arithmetic3A = arith.constant 0 : i32
      %shift_right_arithmetic3A_147 = vector.broadcast %shift_right_arithmetic3A : i32 to vector<16xi32>
      %shift_right_arithmetic3A_148 = arith.shrsi %scan3A_145, %shift_right_arithmetic3A_147 : vector<16xi32>
      %and3A = arith.constant 1 : i32
      %and3A_149 = vector.broadcast %and3A : i32 to vector<16xi32>
      %and3A_150 = arith.andi %shift_right_arithmetic3A_148, %and3A_149 : vector<16xi32>
      %swap3A_151 = arith.constant 0 : i32
      %swap3A_152 = arith.index_cast %swap3A_151 : i32 to index
      %swap3A_153 = arith.index_cast %mul3A_138 : i32 to index
      %swap3A_154 = tpu.vector_load %arg8[%swap3A_152, %swap3A_153] {strides = array<i32>} : memref<32x256xi32, #tpu.memory_space<vmem>>, vector<16xi32>,
      tpu.vector_store %arg8[%swap3A_152, %swap3A_153], %and3A_150 {strides = array<i32>} : memref<32x256xi32, #tpu.memory_space<vmem>>, vector<16xi32>,
      %shift_right_arithmetic3A_155 = arith.constant 1 : i32
      %shift_right_arithmetic3A_156 = vector.broadcast %shift_right_arithmetic3A_155 : i32 to vector<16xi32>
      %shift_right_arithmetic3A_157 = arith.shrsi %scan3A_145, %shift_right_arithmetic3A_156 : vector<16xi32>
      %and3A_158 = arith.constant 1 : i32
      %and3A_159 = vector.broadcast %and3A_158 : i32 to vector<16xi32>
      %and3A_160 = arith.andi %shift_right_arithmetic3A_157, %and3A_159 : vector<16xi32>
      %swap3A_161 = arith.constant 1 : i32
      %swap3A_162 = arith.index_cast %swap3A_161 : i32 to index
      %swap3A_163 = arith.index_cast %mul3A_138 : i32 to index
      %swap3A_164 = tpu.vector_load %arg8[%swap3A_162, %swap3A_163] {strides = array<i32>} : memref<32x256xi32, #tpu.memory_space<vmem>>, vector<16xi32>,
      tpu.vector_store %arg8[%swap3A_162, %swap3A_163], %and3A_160 {strides = array<i32>} : memref<32x256xi32, #tpu.memory_space<vmem>>, vector<16xi32>,
      %shift_right_arithmetic3A_165 = arith.constant 2 : i32
      %shift_right_arithmetic3A_166 = vector.broadcast %shift_right_arithmetic3A_165 : i32 to vector<16xi32>
      %shift_right_arithmetic3A_167 = arith.shrsi %scan3A_145, %shift_right_arithmetic3A_166 : vector<16xi32>
      %and3A_168 = arith.constant 1 : i32
      %and3A_169 = vector.broadcast %and3A_168 : i32 to vector<16xi32>
      %and3A_170 = arith.andi %shift_right_arithmetic3A_167, %and3A_169 : vector<16xi32>
      %swap3A_171 = arith.constant 2 : i32
      %swap3A_172 = arith.index_cast %swap3A_171 : i32 to index
      %swap3A_173 = arith.index_cast %mul3A_138 : i32 to index
      %swap3A_174 = tpu.vector_load %arg8[%swap3A_172, %swap3A_173] {strides = array<i32>} : memref<32x256xi32, #tpu.memory_space<vmem>>, vector<16xi32>,
      tpu.vector_store %arg8[%swap3A_172, %swap3A_173], %and3A_170 {strides = array<i32>} : memref<32x256xi32, #tpu.memory_space<vmem>>, vector<16xi32>,
      %shift_right_arithmetic3A_175 = arith.constant 3 : i32
      %shift_right_arithmetic3A_176 = vector.broadcast %shift_right_arithmetic3A_175 : i32 to vector<16xi32>
      %shift_right_arithmetic3A_177 = arith.shrsi %scan3A_145, %shift_right_arithmetic3A_176 : vector<16xi32>
      %and3A_178 = arith.constant 1 : i32
      %and3A_179 = vector.broadcast %and3A_178 : i32 to vector<16xi32>
      %and3A_180 = arith.andi %shift_right_arithmetic3A_177, %and3A_179 : vector<16xi32>
      %swap3A_181 = arith.constant 3 : i32
      %swap3A_182 = arith.index_cast %swap3A_181 : i32 to index
      %swap3A_183 = arith.index_cast %mul3A_138 : i32 to index
      %swap3A_184 = tpu.vector_load %arg8[%swap3A_182, %swap3A_183] {strides = array<i32>} : memref<32x256xi32, #tpu.memory_space<vmem>>, vector<16xi32>,
      tpu.vector_store %arg8[%swap3A_182, %swap3A_183], %and3A_180 {strides = array<i32>} : memref<32x256xi32, #tpu.memory_space<vmem>>, vector<16xi32>,
      %shift_right_arithmetic3A_185 = arith.constant 4 : i32
      %shift_right_arithmetic3A_186 = vector.broadcast %shift_right_arithmetic3A_185 : i32 to vector<16xi32>
      %shift_right_arithmetic3A_187 = arith.shrsi %scan3A_145, %shift_right_arithmetic3A_186 : vector<16xi32>
      %and3A_188 = arith.constant 1 : i32
      %and3A_189 = vector.broadcast %and3A_188 : i32 to vector<16xi32>
      %and3A_190 = arith.andi %shift_right_arithmetic3A_187, %and3A_189 : vector<16xi32>
      %swap3A_191 = arith.constant 4 : i32
      %swap3A_192 = arith.index_cast %swap3A_191 : i32 to index
      %swap3A_193 = arith.index_cast %mul3A_138 : i32 to index
      %swap3A_194 = tpu.vector_load %arg8[%swap3A_192, %swap3A_193] {strides = array<i32>} : memref<32x256xi32, #tpu.memory_space<vmem>>, vector<16xi32>,
      tpu.vector_store %arg8[%swap3A_192, %swap3A_193], %and3A_190 {strides = array<i32>} : memref<32x256xi32, #tpu.memory_space<vmem>>, vector<16xi32>,
      %shift_right_arithmetic3A_195 = arith.constant 5 : i32
      %shift_right_arithmetic3A_196 = vector.broadcast %shift_right_arithmetic3A_195 : i32 to vector<16xi32>
      %shift_right_arithmetic3A_197 = arith.shrsi %scan3A_145, %shift_right_arithmetic3A_196 : vector<16xi32>
      %and3A_198 = arith.constant 1 : i32
      %and3A_199 = vector.broadcast %and3A_198 : i32 to vector<16xi32>
      %and3A_200 = arith.andi %shift_right_arithmetic3A_197, %and3A_199 : vector<16xi32>
      %swap3A_201 = arith.constant 5 : i32
      %swap3A_202 = arith.index_cast %swap3A_201 : i32 to index
      %swap3A_203 = arith.index_cast %mul3A_138 : i32 to index
      %swap3A_204 = tpu.vector_load %arg8[%swap3A_202, %swap3A_203] {strides = array<i32>} : memref<32x256xi32, #tpu.memory_space<vmem>>, vector<16xi32>,
      tpu.vector_store %arg8[%swap3A_202, %swap3A_203], %and3A_200 {strides = array<i32>} : memref<32x256xi32, #tpu.memory_space<vmem>>, vector<16xi32>,
      %shift_right_arithmetic3A_205 = arith.constant 6 : i32
      %shift_right_arithmetic3A_206 = vector.broadcast %shift_right_arithmetic3A_205 : i32 to vector<16xi32>
      %shift_right_arithmetic3A_207 = arith.shrsi %scan3A_145, %shift_right_arithmetic3A_206 : vector<16xi32>
      %and3A_208 = arith.constant 1 : i32
      %and3A_209 = vector.broadcast %and3A_208 : i32 to vector<16xi32>
      %and3A_210 = arith.andi %shift_right_arithmetic3A_207, %and3A_209 : vector<16xi32>
      %swap3A_211 = arith.constant 6 : i32
      %swap3A_212 = arith.index_cast %swap3A_211 : i32 to index
      %swap3A_213 = arith.index_cast %mul3A_138 : i32 to index
      %swap3A_214 = tpu.vector_load %arg8[%swap3A_212, %swap3A_213] {strides = array<i32>} : memref<32x256xi32, #tpu.memory_space<vmem>>, vector<16xi32>,
      tpu.vector_store %arg8[%swap3A_212, %swap3A_213], %and3A_210 {strides = array<i32>} : memref<32x256xi32, #tpu.memory_space<vmem>>, vector<16xi32>,
      %shift_right_arithmetic3A_215 = arith.constant 7 : i32
      %shift_right_arithmetic3A_216 = vector.broadcast %shift_right_arithmetic3A_215 : i32 to vector<16xi32>
      %shift_right_arithmetic3A_217 = arith.shrsi %scan3A_145, %shift_right_arithmetic3A_216 : vector<16xi32>
      %and3A_218 = arith.constant 1 : i32
      %and3A_219 = vector.broadcast %and3A_218 : i32 to vector<16xi32>
      %and3A_220 = arith.andi %shift_right_arithmetic3A_217, %and3A_219 : vector<16xi32>
      %swap3A_221 = arith.constant 7 : i32
      %swap3A_222 = arith.index_cast %swap3A_221 : i32 to index
      %swap3A_223 = arith.index_cast %mul3A_138 : i32 to index
      %swap3A_224 = tpu.vector_load %arg8[%swap3A_222, %swap3A_223] {strides = array<i32>} : memref<32x256xi32, #tpu.memory_space<vmem>>, vector<16xi32>,
      tpu.vector_store %arg8[%swap3A_222, %swap3A_223], %and3A_220 {strides = array<i32>} : memref<32x256xi32, #tpu.memory_space<vmem>>, vector<16xi32>,
      %shift_right_arithmetic3A_225 = arith.constant 8 : i32
      %shift_right_arithmetic3A_226 = vector.broadcast %shift_right_arithmetic3A_225 : i32 to vector<16xi32>
      %shift_right_arithmetic3A_227 = arith.shrsi %scan3A_145, %shift_right_arithmetic3A_226 : vector<16xi32>
      %and3A_228 = arith.constant 1 : i32
      %and3A_229 = vector.broadcast %and3A_228 : i32 to vector<16xi32>
      %and3A_230 = arith.andi %shift_right_arithmetic3A_227, %and3A_229 : vector<16xi32>
      %swap3A_231 = arith.constant 8 : i32
      %swap3A_232 = arith.index_cast %swap3A_231 : i32 to index
      %swap3A_233 = arith.index_cast %mul3A_138 : i32 to index
      %swap3A_234 = tpu.vector_load %arg8[%swap3A_232, %swap3A_233] {strides = array<i32>} : memref<32x256xi32, #tpu.memory_space<vmem>>, vector<16xi32>,
      tpu.vector_store %arg8[%swap3A_232, %swap3A_233], %and3A_230 {strides = array<i32>} : memref<32x256xi32, #tpu.memory_space<vmem>>, vector<16xi32>,
      %shift_right_arithmetic3A_235 = arith.constant 9 : i32
      %shift_right_arithmetic3A_236 = vector.broadcast %shift_right_arithmetic3A_235 : i32 to vector<16xi32>
      %shift_right_arithmetic3A_237 = arith.shrsi %scan3A_145, %shift_right_arithmetic3A_236 : vector<16xi32>
      %and3A_238 = arith.constant 1 : i32
      %and3A_239 = vector.broadcast %and3A_238 : i32 to vector<16xi32>
      %and3A_240 = arith.andi %shift_right_arithmetic3A_237, %and3A_239 : vector<16xi32>
      %swap3A_241 = arith.constant 9 : i32
      %swap3A_242 = arith.index_cast %swap3A_241 : i32 to index
      %swap3A_243 = arith.index_cast %mul3A_138 : i32 to index
      %swap3A_244 = tpu.vector_load %arg8[%swap3A_242, %swap3A_243] {strides = array<i32>} : memref<32x256xi32, #tpu.memory_space<vmem>>, vector<16xi32>,
      tpu.vector_store %arg8[%swap3A_242, %swap3A_243], %and3A_240 {strides = array<i32>} : memref<32x256xi32, #tpu.memory_space<vmem>>, vector<16xi32>,
      %shift_right_arithmetic3A_245 = arith.constant 10 : i32
      %shift_right_arithmetic3A_246 = vector.broadcast %shift_right_arithmetic3A_245 : i32 to vector<16xi32>
      %shift_right_arithmetic3A_247 = arith.shrsi %scan3A_145, %shift_right_arithmetic3A_246 : vector<16xi32>
      %and3A_248 = arith.constant 1 : i32
      %and3A_249 = vector.broadcast %and3A_248 : i32 to vector<16xi32>
      %and3A_250 = arith.andi %shift_right_arithmetic3A_247, %and3A_249 : vector<16xi32>
      %swap3A_251 = arith.constant 10 : i32
      %swap3A_252 = arith.index_cast %swap3A_251 : i32 to index
      %swap3A_253 = arith.index_cast %mul3A_138 : i32 to index
      %swap3A_254 = tpu.vector_load %arg8[%swap3A_252, %swap3A_253] {strides = array<i32>} : memref<32x256xi32, #tpu.memory_space<vmem>>, vector<16xi32>,
      tpu.vector_store %arg8[%swap3A_252, %swap3A_253], %and3A_250 {strides = array<i32>} : memref<32x256xi32, #tpu.memory_space<vmem>>, vector<16xi32>,
      %shift_right_arithmetic3A_255 = arith.constant 11 : i32
      %shift_right_arithmetic3A_256 = vector.broadcast %shift_right_arithmetic3A_255 : i32 to vector<16xi32>
      %shift_right_arithmetic3A_257 = arith.shrsi %scan3A_145, %shift_right_arithmetic3A_256 : vector<16xi32>
      %and3A_258 = arith.constant 1 : i32
      %and3A_259 = vector.broadcast %and3A_258 : i32 to vector<16xi32>
      %and3A_260 = arith.andi %shift_right_arithmetic3A_257, %and3A_259 : vector<16xi32>
      %swap3A_261 = arith.constant 11 : i32
      %swap3A_262 = arith.index_cast %swap3A_261 : i32 to index
      %swap3A_263 = arith.index_cast %mul3A_138 : i32 to index
      %swap3A_264 = tpu.vector_load %arg8[%swap3A_262, %swap3A_263] {strides = array<i32>} : memref<32x256xi32, #tpu.memory_space<vmem>>, vector<16xi32>,
      tpu.vector_store %arg8[%swap3A_262, %swap3A_263], %and3A_260 {strides = array<i32>} : memref<32x256xi32, #tpu.memory_space<vmem>>, vector<16xi32>,
      %shift_right_arithmetic3A_265 = arith.constant 12 : i32
      %shift_right_arithmetic3A_266 = vector.broadcast %shift_right_arithmetic3A_265 : i32 to vector<16xi32>
      %shift_right_arithmetic3A_267 = arith.shrsi %scan3A_145, %shift_right_arithmetic3A_266 : vector<16xi32>
      %and3A_268 = arith.constant 1 : i32
      %and3A_269 = vector.broadcast %and3A_268 : i32 to vector<16xi32>
      %and3A_270 = arith.andi %shift_right_arithmetic3A_267, %and3A_269 : vector<16xi32>
      %swap3A_271 = arith.constant 12 : i32
      %swap3A_272 = arith.index_cast %swap3A_271 : i32 to index
      %swap3A_273 = arith.index_cast %mul3A_138 : i32 to index
      %swap3A_274 = tpu.vector_load %arg8[%swap3A_272, %swap3A_273] {strides = array<i32>} : memref<32x256xi32, #tpu.memory_space<vmem>>, vector<16xi32>,
      tpu.vector_store %arg8[%swap3A_272, %swap3A_273], %and3A_270 {strides = array<i32>} : memref<32x256xi32, #tpu.memory_space<vmem>>, vector<16xi32>,
      %shift_right_arithmetic3A_275 = arith.constant 13 : i32
      %shift_right_arithmetic3A_276 = vector.broadcast %shift_right_arithmetic3A_275 : i32 to vector<16xi32>
      %shift_right_arithmetic3A_277 = arith.shrsi %scan3A_145, %shift_right_arithmetic3A_276 : vector<16xi32>
      %and3A_278 = arith.constant 1 : i32
      %and3A_279 = vector.broadcast %and3A_278 : i32 to vector<16xi32>
      %and3A_280 = arith.andi %shift_right_arithmetic3A_277, %and3A_279 : vector<16xi32>
      %swap3A_281 = arith.constant 13 : i32
      %swap3A_282 = arith.index_cast %swap3A_281 : i32 to index
      %swap3A_283 = arith.index_cast %mul3A_138 : i32 to index
      %swap3A_284 = tpu.vector_load %arg8[%swap3A_282, %swap3A_283] {strides = array<i32>} : memref<32x256xi32, #tpu.memory_space<vmem>>, vector<16xi32>,
      tpu.vector_store %arg8[%swap3A_282, %swap3A_283], %and3A_280 {strides = array<i32>} : memref<32x256xi32, #tpu.memory_space<vmem>>, vector<16xi32>,
      %shift_right_arithmetic3A_285 = arith.constant 14 : i32
      %shift_right_arithmetic3A_286 = vector.broadcast %shift_right_arithmetic3A_285 : i32 to vector<16xi32>
      %shift_right_arithmetic3A_287 = arith.shrsi %scan3A_145, %shift_right_arithmetic3A_286 : vector<16xi32>
      %and3A_288 = arith.constant 1 : i32
      %and3A_289 = vector.broadcast %and3A_288 : i32 to vector<16xi32>
      %and3A_290 = arith.andi %shift_right_arithmetic3A_287, %and3A_289 : vector<16xi32>
      %swap3A_291 = arith.constant 14 : i32
      %swap3A_292 = arith.index_cast %swap3A_291 : i32 to index
      %swap3A_293 = arith.index_cast %mul3A_138 : i32 to index
      %swap3A_294 = tpu.vector_load %arg8[%swap3A_292, %swap3A_293] {strides = array<i32>} : memref<32x256xi32, #tpu.memory_space<vmem>>, vector<16xi32>,
      tpu.vector_store %arg8[%swap3A_292, %swap3A_293], %and3A_290 {strides = array<i32>} : memref<32x256xi32, #tpu.memory_space<vmem>>, vector<16xi32>,
      %shift_right_arithmetic3A_295 = arith.constant 15 : i32
      %shift_right_arithmetic3A_296 = vector.broadcast %shift_right_arithmetic3A_295 : i32 to vector<16xi32>
      %shift_right_arithmetic3A_297 = arith.shrsi %scan3A_145, %shift_right_arithmetic3A_296 : vector<16xi32>
      %and3A_298 = arith.constant 1 : i32
      %and3A_299 = vector.broadcast %and3A_298 : i32 to vector<16xi32>
      %and3A_300 = arith.andi %shift_right_arithmetic3A_297, %and3A_299 : vector<16xi32>
      %swap3A_301 = arith.constant 15 : i32
      %swap3A_302 = arith.index_cast %swap3A_301 : i32 to index
      %swap3A_303 = arith.index_cast %mul3A_138 : i32 to index
      %swap3A_304 = tpu.vector_load %arg8[%swap3A_302, %swap3A_303] {strides = array<i32>} : memref<32x256xi32, #tpu.memory_space<vmem>>, vector<16xi32>,
      tpu.vector_store %arg8[%swap3A_302, %swap3A_303], %and3A_300 {strides = array<i32>} : memref<32x256xi32, #tpu.memory_space<vmem>>, vector<16xi32>,
      %shift_right_arithmetic3A_305 = arith.constant 16 : i32
      %shift_right_arithmetic3A_306 = vector.broadcast %shift_right_arithmetic3A_305 : i32 to vector<16xi32>
      %shift_right_arithmetic3A_307 = arith.shrsi %scan3A_145, %shift_right_arithmetic3A_306 : vector<16xi32>
      %and3A_308 = arith.constant 1 : i32
      %and3A_309 = vector.broadcast %and3A_308 : i32 to vector<16xi32>
      %and3A_310 = arith.andi %shift_right_arithmetic3A_307, %and3A_309 : vector<16xi32>
      %swap3A_311 = arith.constant 16 : i32
      %swap3A_312 = arith.index_cast %swap3A_311 : i32 to index
      %swap3A_313 = arith.index_cast %mul3A_138 : i32 to index
      %swap3A_314 = tpu.vector_load %arg8[%swap3A_312, %swap3A_313] {strides = array<i32>} : memref<32x256xi32, #tpu.memory_space<vmem>>, vector<16xi32>,
      tpu.vector_store %arg8[%swap3A_312, %swap3A_313], %and3A_310 {strides = array<i32>} : memref<32x256xi32, #tpu.memory_space<vmem>>, vector<16xi32>,
      %shift_right_arithmetic3A_315 = arith.constant 17 : i32
      %shift_right_arithmetic3A_316 = vector.broadcast %shift_right_arithmetic3A_315 : i32 to vector<16xi32>
      %shift_right_arithmetic3A_317 = arith.shrsi %scan3A_145, %shift_right_arithmetic3A_316 : vector<16xi32>
      %and3A_318 = arith.constant 1 : i32
      %and3A_319 = vector.broadcast %and3A_318 : i32 to vector<16xi32>
      %and3A_320 = arith.andi %shift_right_arithmetic3A_317, %and3A_319 : vector<16xi32>
      %swap3A_321 = arith.constant 17 : i32
      %swap3A_322 = arith.index_cast %swap3A_321 : i32 to index
      %swap3A_323 = arith.index_cast %mul3A_138 : i32 to index
      %swap3A_324 = tpu.vector_load %arg8[%swap3A_322, %swap3A_323] {strides = array<i32>} : memref<32x256xi32, #tpu.memory_space<vmem>>, vector<16xi32>,
      tpu.vector_store %arg8[%swap3A_322, %swap3A_323], %and3A_320 {strides = array<i32>} : memref<32x256xi32, #tpu.memory_space<vmem>>, vector<16xi32>,
      %shift_right_arithmetic3A_325 = arith.constant 18 : i32
      %shift_right_arithmetic3A_326 = vector.broadcast %shift_right_arithmetic3A_325 : i32 to vector<16xi32>
      %shift_right_arithmetic3A_327 = arith.shrsi %scan3A_145, %shift_right_arithmetic3A_326 : vector<16xi32>
      %and3A_328 = arith.constant 1 : i32
      %and3A_329 = vector.broadcast %and3A_328 : i32 to vector<16xi32>
      %and3A_330 = arith.andi %shift_right_arithmetic3A_327, %and3A_329 : vector<16xi32>
      %swap3A_331 = arith.constant 18 : i32
      %swap3A_332 = arith.index_cast %swap3A_331 : i32 to index
      %swap3A_333 = arith.index_cast %mul3A_138 : i32 to index
      %swap3A_334 = tpu.vector_load %arg8[%swap3A_332, %swap3A_333] {strides = array<i32>} : memref<32x256xi32, #tpu.memory_space<vmem>>, vector<16xi32>,
      tpu.vector_store %arg8[%swap3A_332, %swap3A_333], %and3A_330 {strides = array<i32>} : memref<32x256xi32, #tpu.memory_space<vmem>>, vector<16xi32>,
      %shift_right_arithmetic3A_335 = arith.constant 19 : i32
      %shift_right_arithmetic3A_336 = vector.broadcast %shift_right_arithmetic3A_335 : i32 to vector<16xi32>
      %shift_right_arithmetic3A_337 = arith.shrsi %scan3A_145, %shift_right_arithmetic3A_336 : vector<16xi32>
      %and3A_338 = arith.constant 1 : i32
      %and3A_339 = vector.broadcast %and3A_338 : i32 to vector<16xi32>
      %and3A_340 = arith.andi %shift_right_arithmetic3A_337, %and3A_339 : vector<16xi32>
      %swap3A_341 = arith.constant 19 : i32
      %swap3A_342 = arith.index_cast %swap3A_341 : i32 to index
      %swap3A_343 = arith.index_cast %mul3A_138 : i32 to index
      %swap3A_344 = tpu.vector_load %arg8[%swap3A_342, %swap3A_343] {strides = array<i32>} : memref<32x256xi32, #tpu.memory_space<vmem>>, vector<16xi32>,
      tpu.vector_store %arg8[%swap3A_342, %swap3A_343], %and3A_340 {strides = array<i32>} : memref<32x256xi32, #tpu.memory_space<vmem>>, vector<16xi32>,
      %shift_right_arithmetic3A_345 = arith.constant 20 : i32
      %shift_right_arithmetic3A_346 = vector.broadcast %shift_right_arithmetic3A_345 : i32 to vector<16xi32>
      %shift_right_arithmetic3A_347 = arith.shrsi %scan3A_145, %shift_right_arithmetic3A_346 : vector<16xi32>
      %and3A_348 = arith.constant 1 : i32
      %and3A_349 = vector.broadcast %and3A_348 : i32 to vector<16xi32>
      %and3A_350 = arith.andi %shift_right_arithmetic3A_347, %and3A_349 : vector<16xi32>
      %swap3A_351 = arith.constant 20 : i32
      %swap3A_352 = arith.index_cast %swap3A_351 : i32 to index
      %swap3A_353 = arith.index_cast %mul3A_138 : i32 to index
      %swap3A_354 = tpu.vector_load %arg8[%swap3A_352, %swap3A_353] {strides = array<i32>} : memref<32x256xi32, #tpu.memory_space<vmem>>, vector<16xi32>,
      tpu.vector_store %arg8[%swap3A_352, %swap3A_353], %and3A_350 {strides = array<i32>} : memref<32x256xi32, #tpu.memory_space<vmem>>, vector<16xi32>,
      %shift_right_arithmetic3A_355 = arith.constant 21 : i32
      %shift_right_arithmetic3A_356 = vector.broadcast %shift_right_arithmetic3A_355 : i32 to vector<16xi32>
      %shift_right_arithmetic3A_357 = arith.shrsi %scan3A_145, %shift_right_arithmetic3A_356 : vector<16xi32>
      %and3A_358 = arith.constant 1 : i32
      %and3A_359 = vector.broadcast %and3A_358 : i32 to vector<16xi32>
      %and3A_360 = arith.andi %shift_right_arithmetic3A_357, %and3A_359 : vector<16xi32>
      %swap3A_361 = arith.constant 21 : i32
      %swap3A_362 = arith.index_cast %swap3A_361 : i32 to index
      %swap3A_363 = arith.index_cast %mul3A_138 : i32 to index
      %swap3A_364 = tpu.vector_load %arg8[%swap3A_362, %swap3A_363] {strides = array<i32>} : memref<32x256xi32, #tpu.memory_space<vmem>>, vector<16xi32>,
      tpu.vector_store %arg8[%swap3A_362, %swap3A_363], %and3A_360 {strides = array<i32>} : memref<32x256xi32, #tpu.memory_space<vmem>>, vector<16xi32>,
      %shift_right_arithmetic3A_365 = arith.constant 22 : i32
      %shift_right_arithmetic3A_366 = vector.broadcast %shift_right_arithmetic3A_365 : i32 to vector<16xi32>
      %shift_right_arithmetic3A_367 = arith.shrsi %scan3A_145, %shift_right_arithmetic3A_366 : vector<16xi32>
      %and3A_368 = arith.constant 1 : i32
      %and3A_369 = vector.broadcast %and3A_368 : i32 to vector<16xi32>
      %and3A_370 = arith.andi %shift_right_arithmetic3A_367, %and3A_369 : vector<16xi32>
      %swap3A_371 = arith.constant 22 : i32
      %swap3A_372 = arith.index_cast %swap3A_371 : i32 to index
      %swap3A_373 = arith.index_cast %mul3A_138 : i32 to index
      %swap3A_374 = tpu.vector_load %arg8[%swap3A_372, %swap3A_373] {strides = array<i32>} : memref<32x256xi32, #tpu.memory_space<vmem>>, vector<16xi32>,
      tpu.vector_store %arg8[%swap3A_372, %swap3A_373], %and3A_370 {strides = array<i32>} : memref<32x256xi32, #tpu.memory_space<vmem>>, vector<16xi32>,
      %shift_right_arithmetic3A_375 = arith.constant 23 : i32
      %shift_right_arithmetic3A_376 = vector.broadcast %shift_right_arithmetic3A_375 : i32 to vector<16xi32>
      %shift_right_arithmetic3A_377 = arith.shrsi %scan3A_145, %shift_right_arithmetic3A_376 : vector<16xi32>
      %and3A_378 = arith.constant 1 : i32
      %and3A_379 = vector.broadcast %and3A_378 : i32 to vector<16xi32>
      %and3A_380 = arith.andi %shift_right_arithmetic3A_377, %and3A_379 : vector<16xi32>
      %swap3A_381 = arith.constant 23 : i32
      %swap3A_382 = arith.index_cast %swap3A_381 : i32 to index
      %swap3A_383 = arith.index_cast %mul3A_138 : i32 to index
      %swap3A_384 = tpu.vector_load %arg8[%swap3A_382, %swap3A_383] {strides = array<i32>} : memref<32x256xi32, #tpu.memory_space<vmem>>, vector<16xi32>,
      tpu.vector_store %arg8[%swap3A_382, %swap3A_383], %and3A_380 {strides = array<i32>} : memref<32x256xi32, #tpu.memory_space<vmem>>, vector<16xi32>,
      %shift_right_arithmetic3A_385 = arith.constant 24 : i32
      %shift_right_arithmetic3A_386 = vector.broadcast %shift_right_arithmetic3A_385 : i32 to vector<16xi32>
      %shift_right_arithmetic3A_387 = arith.shrsi %scan3A_145, %shift_right_arithmetic3A_386 : vector<16xi32>
      %and3A_388 = arith.constant 1 : i32
      %and3A_389 = vector.broadcast %and3A_388 : i32 to vector<16xi32>
      %and3A_390 = arith.andi %shift_right_arithmetic3A_387, %and3A_389 : vector<16xi32>
      %swap3A_391 = arith.constant 24 : i32
      %swap3A_392 = arith.index_cast %swap3A_391 : i32 to index
      %swap3A_393 = arith.index_cast %mul3A_138 : i32 to index
      %swap3A_394 = tpu.vector_load %arg8[%swap3A_392, %swap3A_393] {strides = array<i32>} : memref<32x256xi32, #tpu.memory_space<vmem>>, vector<16xi32>,
      tpu.vector_store %arg8[%swap3A_392, %swap3A_393], %and3A_390 {strides = array<i32>} : memref<32x256xi32, #tpu.memory_space<vmem>>, vector<16xi32>,
      %shift_right_arithmetic3A_395 = arith.constant 25 : i32
      %shift_right_arithmetic3A_396 = vector.broadcast %shift_right_arithmetic3A_395 : i32 to vector<16xi32>
      %shift_right_arithmetic3A_397 = arith.shrsi %scan3A_145, %shift_right_arithmetic3A_396 : vector<16xi32>
      %and3A_398 = arith.constant 1 : i32
      %and3A_399 = vector.broadcast %and3A_398 : i32 to vector<16xi32>
      %and3A_400 = arith.andi %shift_right_arithmetic3A_397, %and3A_399 : vector<16xi32>
      %swap3A_401 = arith.constant 25 : i32
      %swap3A_402 = arith.index_cast %swap3A_401 : i32 to index
      %swap3A_403 = arith.index_cast %mul3A_138 : i32 to index
      %swap3A_404 = tpu.vector_load %arg8[%swap3A_402, %swap3A_403] {strides = array<i32>} : memref<32x256xi32, #tpu.memory_space<vmem>>, vector<16xi32>,
      tpu.vector_store %arg8[%swap3A_402, %swap3A_403], %and3A_400 {strides = array<i32>} : memref<32x256xi32, #tpu.memory_space<vmem>>, vector<16xi32>,
      %shift_right_arithmetic3A_405 = arith.constant 26 : i32
      %shift_right_arithmetic3A_406 = vector.broadcast %shift_right_arithmetic3A_405 : i32 to vector<16xi32>
      %shift_right_arithmetic3A_407 = arith.shrsi %scan3A_145, %shift_right_arithmetic3A_406 : vector<16xi32>
      %and3A_408 = arith.constant 1 : i32
      %and3A_409 = vector.broadcast %and3A_408 : i32 to vector<16xi32>
      %and3A_410 = arith.andi %shift_right_arithmetic3A_407, %and3A_409 : vector<16xi32>
      %swap3A_411 = arith.constant 26 : i32
      %swap3A_412 = arith.index_cast %swap3A_411 : i32 to index
      %swap3A_413 = arith.index_cast %mul3A_138 : i32 to index
      %swap3A_414 = tpu.vector_load %arg8[%swap3A_412, %swap3A_413] {strides = array<i32>} : memref<32x256xi32, #tpu.memory_space<vmem>>, vector<16xi32>,
      tpu.vector_store %arg8[%swap3A_412, %swap3A_413], %and3A_410 {strides = array<i32>} : memref<32x256xi32, #tpu.memory_space<vmem>>, vector<16xi32>,
      %shift_right_arithmetic3A_415 = arith.constant 27 : i32
      %shift_right_arithmetic3A_416 = vector.broadcast %shift_right_arithmetic3A_415 : i32 to vector<16xi32>
      %shift_right_arithmetic3A_417 = arith.shrsi %scan3A_145, %shift_right_arithmetic3A_416 : vector<16xi32>
      %and3A_418 = arith.constant 1 : i32
      %and3A_419 = vector.broadcast %and3A_418 : i32 to vector<16xi32>
      %and3A_420 = arith.andi %shift_right_arithmetic3A_417, %and3A_419 : vector<16xi32>
      %swap3A_421 = arith.constant 27 : i32
      %swap3A_422 = arith.index_cast %swap3A_421 : i32 to index
      %swap3A_423 = arith.index_cast %mul3A_138 : i32 to index
      %swap3A_424 = tpu.vector_load %arg8[%swap3A_422, %swap3A_423] {strides = array<i32>} : memref<32x256xi32, #tpu.memory_space<vmem>>, vector<16xi32>,
      tpu.vector_store %arg8[%swap3A_422, %swap3A_423], %and3A_420 {strides = array<i32>} : memref<32x256xi32, #tpu.memory_space<vmem>>, vector<16xi32>,
      %shift_right_arithmetic3A_425 = arith.constant 28 : i32
      %shift_right_arithmetic3A_426 = vector.broadcast %shift_right_arithmetic3A_425 : i32 to vector<16xi32>
      %shift_right_arithmetic3A_427 = arith.shrsi %scan3A_145, %shift_right_arithmetic3A_426 : vector<16xi32>
      %and3A_428 = arith.constant 1 : i32
      %and3A_429 = vector.broadcast %and3A_428 : i32 to vector<16xi32>
      %and3A_430 = arith.andi %shift_right_arithmetic3A_427, %and3A_429 : vector<16xi32>
      %swap3A_431 = arith.constant 28 : i32
      %swap3A_432 = arith.index_cast %swap3A_431 : i32 to index
      %swap3A_433 = arith.index_cast %mul3A_138 : i32 to index
      %swap3A_434 = tpu.vector_load %arg8[%swap3A_432, %swap3A_433] {strides = array<i32>} : memref<32x256xi32, #tpu.memory_space<vmem>>, vector<16xi32>,
      tpu.vector_store %arg8[%swap3A_432, %swap3A_433], %and3A_430 {strides = array<i32>} : memref<32x256xi32, #tpu.memory_space<vmem>>, vector<16xi32>,
      %shift_right_arithmetic3A_435 = arith.constant 29 : i32
      %shift_right_arithmetic3A_436 = vector.broadcast %shift_right_arithmetic3A_435 : i32 to vector<16xi32>
      %shift_right_arithmetic3A_437 = arith.shrsi %scan3A_145, %shift_right_arithmetic3A_436 : vector<16xi32>
      %and3A_438 = arith.constant 1 : i32
      %and3A_439 = vector.broadcast %and3A_438 : i32 to vector<16xi32>
      %and3A_440 = arith.andi %shift_right_arithmetic3A_437, %and3A_439 : vector<16xi32>
      %swap3A_441 = arith.constant 29 : i32
      %swap3A_442 = arith.index_cast %swap3A_441 : i32 to index
      %swap3A_443 = arith.index_cast %mul3A_138 : i32 to index
      %swap3A_444 = tpu.vector_load %arg8[%swap3A_442, %swap3A_443] {strides = array<i32>} : memref<32x256xi32, #tpu.memory_space<vmem>>, vector<16xi32>,
      tpu.vector_store %arg8[%swap3A_442, %swap3A_443], %and3A_440 {strides = array<i32>} : memref<32x256xi32, #tpu.memory_space<vmem>>, vector<16xi32>,
      %shift_right_arithmetic3A_445 = arith.constant 30 : i32
      %shift_right_arithmetic3A_446 = vector.broadcast %shift_right_arithmetic3A_445 : i32 to vector<16xi32>
      %shift_right_arithmetic3A_447 = arith.shrsi %scan3A_145, %shift_right_arithmetic3A_446 : vector<16xi32>
      %and3A_448 = arith.constant 1 : i32
      %and3A_449 = vector.broadcast %and3A_448 : i32 to vector<16xi32>
      %and3A_450 = arith.andi %shift_right_arithmetic3A_447, %and3A_449 : vector<16xi32>
      %swap3A_451 = arith.constant 30 : i32
      %swap3A_452 = arith.index_cast %swap3A_451 : i32 to index
      %swap3A_453 = arith.index_cast %mul3A_138 : i32 to index
      %swap3A_454 = tpu.vector_load %arg8[%swap3A_452, %swap3A_453] {strides = array<i32>} : memref<32x256xi32, #tpu.memory_space<vmem>>, vector<16xi32>,
      tpu.vector_store %arg8[%swap3A_452, %swap3A_453], %and3A_450 {strides = array<i32>} : memref<32x256xi32, #tpu.memory_space<vmem>>, vector<16xi32>,
      %shift_right_arithmetic3A_455 = arith.constant 31 : i32
      %shift_right_arithmetic3A_456 = vector.broadcast %shift_right_arithmetic3A_455 : i32 to vector<16xi32>
      %shift_right_arithmetic3A_457 = arith.shrsi %scan3A_145, %shift_right_arithmetic3A_456 : vector<16xi32>
      %and3A_458 = arith.constant 1 : i32
      %and3A_459 = vector.broadcast %and3A_458 : i32 to vector<16xi32>
      %and3A_460 = arith.andi %shift_right_arithmetic3A_457, %and3A_459 : vector<16xi32>
      %swap3A_461 = arith.constant 31 : i32
      %swap3A_462 = arith.index_cast %swap3A_461 : i32 to index
      %swap3A_463 = arith.index_cast %mul3A_138 : i32 to index
      %swap3A_464 = tpu.vector_load %arg8[%swap3A_462, %swap3A_463] {strides = array<i32>} : memref<32x256xi32, #tpu.memory_space<vmem>>, vector<16xi32>,
      tpu.vector_store %arg8[%swap3A_462, %swap3A_463], %and3A_460 {strides = array<i32>} : memref<32x256xi32, #tpu.memory_space<vmem>>, vector<16xi32>,
    }
    %scan3A_135 = arith.constant 16 : i32
    "tpu.region"() ({
      %run_scoped3A = tpu.sem_alloc : memref<!tpu.dma_semaphore, #tpu.memory_space<semaphore_mem>>
      %dma_start3A_136 = arith.constant 0 : i32
      %dma_start3A_137 = tpu.memref_slice %arg4[%mul3A_2, %dma_start3A_136] : memref<1024x256xi32, #tpu.memory_space<hbm>> -> memref<32x256xi32, #tpu.memory_space<hbm>>
      %dma_start3A_138 = arith.constant 0 : i32
      %dma_start3A_139 = tpu.memref_slice %arg4[%mul3A_2, %dma_start3A_138] : memref<1024x256xi32, #tpu.memory_space<hbm>> -> memref<32x256xi32, #tpu.memory_space<hbm>>
      tpu.enqueue_dma source(%arg8 : memref<32x256xi32, #tpu.memory_space<vmem>>) target(%dma_start3A_139 : memref<32x256xi32, #tpu.memory_space<hbm>>) target_semaphore(%run_scoped3A : memref<!tpu.dma_semaphore, #tpu.memory_space<semaphore_mem>>)
      %dma_wait3A_140 = arith.constant 0 : i32
      %dma_wait3A_141 = tpu.memref_slice %arg4[%mul3A_2, %dma_wait3A_140] : memref<1024x256xi32, #tpu.memory_space<hbm>> -> memref<32x256xi32, #tpu.memory_space<hbm>>
      %dma_wait3A_142 = arith.constant 0 : i32
      %dma_wait3A_143 = tpu.memref_slice %arg4[%mul3A_2, %dma_wait3A_142] : memref<1024x256xi32, #tpu.memory_space<hbm>> -> memref<32x256xi32, #tpu.memory_space<hbm>>
      tpu.wait_dma2 semaphore(%run_scoped3A : memref<!tpu.dma_semaphore, #tpu.memory_space<semaphore_mem>>) src(%arg8 : memref<32x256xi32, #tpu.memory_space<vmem>>) dst(%dma_wait3A_143 : memref<32x256xi32, #tpu.memory_space<hbm>>)
      tpu.yield
    }) : () -> ()
    return
  }
}

</mosaic_0001>

<sc_bundles>
// kernel: kernel.3.cloned.1.call-start
scs
__scs_entry_jumppad:
0x0: {  	(pc) =	sbr.rel $0x88, $3  }
0x1: {  	(tag) =	ssettag $0x0;
	lr =	simm.s32 $0x1  }
0x2: {  	[smem:$0x3F9F] =	sst lr;
	_ =	strace $0xD0000000  }
0x3: {  	_ = 	snop  }
0x4: {  	_ = 	snop  }
0x5: {  	_ = 	snop  }
0x6: {  	_ = 	snop  }
0x7: {  	_ = 	snop  }
__scs_overlays_trampoline_lowered:
0x8: {  	[smem:$0x3FAE] =	sst s0  }
0x9: {  	[smem:$0x3FAF] =	sst s1  }
0xa: {  	[smem:$0x3FB0] =	sst s2  }
0xb: {  	[smem:$0x3FB1] =	sst s3  }
0xc: {  	[smem:$0x3FB2] =	sst s4  }
0xd: {  	[smem:$0x3FB3] =	sst s5  }
0xe: {  	[smem:$0x3FB4] =	sst s6  }
0xf: {  	[smem:$0x3FB5] =	sst s7  }
0x10: {  	[smem:$0x3FB6] =	sst s8  }
0x11: {  	[smem:$0x3FB7] =	sst s9;
	s0 =	simm.s32 @!p0 $0x0  }
0x12: {  	s1 =	sld [smem:$0x3F9D];
	s0 =	simm.s32 @p0 $0x1  }
0x13: {  	[smem:$0x3FB8] =	sst s0;
	s0 =	simm.s32 @!p1 $0x0  }
0x14: {  	s2 =	sld [smem:$0x3F9C];
	s0 =	simm.s32 @p1 $0x1  }
0x15: {  	[smem:$0x3FB9] =	sst s0;
	s0 =	simm.s32 @!p2 $0x0  }
0x16: {  	s3 =	sld [smem:$0x3FDB];
	s0 =	simm.s32 @p2 $0x1  }
0x17: {  	s4 =	simm.s32 $0x1BF5;
	[smem:$0x3FBB] =	sst s0  }
0x18: {  	s0 =	sld [smem:$0x3F9E];
	_ =	swait.ge [sflag:s4], $0x0  }
0x19: {  	s7 =	sld [smem:$0x3F9F]  }
0x1a: {  	s8 =	sadd.s32 $0xFFFFE003, lr  }
0x1b: {  	s9 =	sadd.s32 $0xFFFFFEF7, lr;
	s5 =	simm.s32 $0xFFFFFFFF;
	p2 =	slt.u32 s8, $0xFFFFF086  }
0x1c: {  	p1 =	slt.u32 s9, $0xF7A;
	s5 =	simm.s32 @!p2 $0x0  }
0x1d: {  	s5 =	simm.s32 @p1 $0x1;
	p0 =	seq.s32 s7, s2  }
0x1e: {  	s7 =	smul.u32 @!p0 $0xF7A, s2;
	p2 =	seq.s32 @!p0 s5, $0x0  }
0x1f: {  	s9 =	smul.u32 $0xF7A, s1;
	s8 =	simm.s32 @!p0 $0x1BF5;
	p2 =	por !p2, p0  }
0x20: {  	[sflag:s8] =	ssyncset.s32 @!p0 $0xFFFFF086;
	s6 =	sadd.s32 @!p0 s3, s7;
	s7 =	simm.s32 @!p0 $0x108  }
0x21: {  	s3 =	sadd.s32 s3, s9;
	s6 =	sadd.s32 @!p0 $0x88, s6;
	s7 =	simm.s32 @p2 $0x1082  }
0x22: {  	[simem:s7], [sflag:s8] =	dma.local @!p0 [hbm:s6], $0xF7A  }
0x23: {  	s9 =	sor.u32 $0xD0000000, s2;
	s6 =	simm.s32 $0x108;
	_ =	swait.ge @!p0 [sflag:s8], $0x0  }
0x24: {  	s3 =	sadd.s32 $0x88, s3;
	s6 =	simm.s32 @!p1 $0x1082;
	[sflag:s4] =	ssyncset.s32 $0xFFFFF086  }
0x25: {  	[simem:s6], [sflag:s4] =	dma.local [hbm:s3], $0xF7A  }
0x26: {  	[smem:$0x3F9F] =	sst s1;
	(tag) =	ssettag s2;
	_ =	strace s9  }
0x27: {  	s1 =	sld [smem:$0x3FAF]  }
0x28: {  	s2 =	sld [smem:$0x3FB0]  }
0x29: {  	s4 =	sld [smem:$0x3FB2]  }
0x2a: {  	p0 =	seq.s32 s5, $0x0;
	s5 =	sld [smem:$0x3FB3]  }
0x2b: {  	s6 =	sld [smem:$0x3FB4]  }
0x2c: {  	s7 =	sld [smem:$0x3FB5]  }
0x2d: {  	s3 =	simm.s32 $0x108;
	s8 =	sld [smem:$0x3FB6]  }
0x2e: {  	s3 =	simm.s32 @!p0 $0x1082;
	s9 =	sld [smem:$0x3FB7]  }
0x2f: {  	lr =	sadd.s32 s0, s3;
	s0 =	sld [smem:$0x3FAE]  }
0x30: {  	s3 =	sld [smem:$0x3FB1]  }
0x31: {  	[smem:$0x3FBA] =	sst s10  }
0x32: {  	s10 =	sld [smem:$0x3FB8];
	_ =	sdelay $0x3  }
0x33: {  	p0 =	seq.s32 s10, $0x1;
	s10 =	sld [smem:$0x3FBA];
	_ =	sdelay $0x3  }
0x34: {  	[smem:$0x3FBA] =	sst s10  }
0x35: {  	s10 =	sld [smem:$0x3FB9];
	_ =	sdelay $0x3  }
0x36: {  	p1 =	seq.s32 s10, $0x1;
	s10 =	sld [smem:$0x3FBA];
	_ =	sdelay $0x3  }
0x37: {  	[smem:$0x3FBA] =	sst s10  }
0x38: {  	s10 =	sld [smem:$0x3FBB]  }
0x39: {  	_ = 	snop;
	(pc) =	sbr.ind lr, $3  }
0x3a: {  	_ = 	snop  }
0x3b: {  	_ = 	snop  }
0x3c: {  	p2 =	seq.s32 s10, $0x1;
	s10 =	sld [smem:$0x3FBA]  }
0x3d: {  	_ =	shalt  }
0x3e: {  	_ =	shalt  }
0x3f: {  	_ =	shalt  }
0x40: {  	_ =	shalt  }
0x41: {  	_ =	shalt  }
0x42: {  	_ =	shalt  }
0x43: {  	_ =	shalt  }
0x44: {  	_ =	shalt  }
0x45: {  	_ =	shalt  }
0x46: {  	_ =	shalt  }
0x47: {  	_ =	shalt  }
0x48: {  	_ =	shalt  }
0x49: {  	_ =	shalt  }
0x4a: {  	_ =	shalt  }
0x4b: {  	_ =	shalt  }
0x4c: {  	_ =	shalt  }
0x4d: {  	_ =	shalt  }
0x4e: {  	_ =	shalt  }
0x4f: {  	_ =	shalt  }
0x50: {  	_ =	shalt  }
0x51: {  	_ =	shalt  }
0x52: {  	_ =	shalt  }
0x53: {  	_ =	shalt  }
0x54: {  	_ =	shalt  }
0x55: {  	_ =	shalt  }
0x56: {  	_ =	shalt  }
0x57: {  	_ =	shalt  }
0x58: {  	_ =	shalt  }
0x59: {  	_ =	shalt  }
0x5a: {  	_ =	shalt  }
0x5b: {  	_ =	shalt  }
0x5c: {  	_ =	shalt  }
0x5d: {  	_ =	shalt  }
0x5e: {  	_ =	shalt  }
0x5f: {  	_ =	shalt  }
0x60: {  	_ =	shalt  }
0x61: {  	_ =	shalt  }
0x62: {  	_ =	shalt  }
0x63: {  	_ =	shalt  }
0x64: {  	_ =	shalt  }
0x65: {  	_ =	shalt  }
0x66: {  	_ =	shalt  }
0x67: {  	_ =	shalt  }
0x68: {  	_ =	shalt  }
0x69: {  	_ =	shalt  }
0x6a: {  	_ =	shalt  }
0x6b: {  	_ =	shalt  }
0x6c: {  	_ =	shalt  }
0x6d: {  	_ =	shalt  }
0x6e: {  	_ =	shalt  }
0x6f: {  	_ =	shalt  }
0x70: {  	_ =	shalt  }
0x71: {  	_ =	shalt  }
0x72: {  	_ =	shalt  }
0x73: {  	_ =	shalt  }
0x74: {  	_ =	shalt  }
0x75: {  	_ =	shalt  }
0x76: {  	_ =	shalt  }
0x77: {  	_ =	shalt  }
0x78: {  	_ =	shalt  }
0x79: {  	_ =	shalt  }
0x7a: {  	_ =	shalt  }
0x7b: {  	_ =	shalt  }
0x7c: {  	_ =	shalt  }
0x7d: {  	_ =	shalt  }
0x7e: {  	_ =	shalt  }
0x7f: {  	_ =	shalt  }
0x80: {  	_ =	shalt  }
0x81: {  	_ =	shalt  }
0x82: {  	_ =	shalt  }
0x83: {  	_ =	shalt  }
0x84: {  	_ =	shalt  }
0x85: {  	_ =	shalt  }
0x86: {  	_ =	shalt  }
0x87: {  	_ =	shalt  }
.Lfunc_end0:
.L_simem_size_0:
called_computation_lowered:
.L_overlay_start_0:
0x88: {  	s2 =	sld [smem:$0x3FD9]  }
0x89: {  	s3 =	sld [smem:$0x3FFE];
	_ =	sdelay $0x1  }
0x8a: {  	s1 =	srdreg.scid  }
0x8b: {  	s0 =	sand.u32 $0x1, s1  }
0x8c: {  	s17 =	sshll.u32 s0, $0xA;
	s2 =	sadd.s32 s3, s2  }
0x8d: {  	s2 =	sadd.s32 s2, s17  }
0x8e: {  	[smem:$0x3FC6] =	sst s2  }
0x8f: {  	_ = 	snop  }
0x90: {  	s2 =	sld [smem:$0x3FC9]  }
0x91: {  	s18 =	sld [smem:$0x3FD0];
	(tm) =	ssettm $0x1  }
0x92: {  	s4 =	sld [smem:$0x3FFB];
	_ =	sdelay $0x3  }
0x93: {  	_ =	strace s4  }
0x94: {  	s4 =	sld [smem:$0x3FFC];
	_ =	sdelay $0x3  }
0x95: {  	_ =	strace s4  }
0x96: {  	s4 =	sld [smem:$0x3FFD];
	_ =	sdelay $0x3  }
0x97: {  	_ =	strace s4  }
0x98: {  	_ =	strace $0x8FFFFFFF  }
0x99: {  	s19 =	sld [smem:$0x3FDB];
	_ =	sdelay $0x1  }
0x9a: {  	s5 =	simm.s32 $_scs_section_size  }
0x9b: {  	s6 =	simm.s32 $_size__tile_overlayer_lowered;
	s7 =	simm.s32 $_tile_overlayer_lowered  }
0x9c: {  	s22 =	simm.s32 $0x1BFF;
	s21 =	sshll.u32 s7, $0x1;
	s4 =	sadd.s32 s5, s19  }
0x9d: {  	s8 =	simm.s32 $0x0;
	s20 =	sshll.u32 s6, $0x1;
	s6 =	sadd.s32 s21, s4  }
0x9e: {  	[timem:s8], [sflag:s22] =	dma.local [hbm:s6], s20  }
0x9f: {  	_ =	swait.ge [sflag:s22], s20  }
0xa0: {  	s5 =	ssub.s32 $0x0, s20;
	[sflag:s22] =	ssyncset.done $0x0  }
0xa1: {  	[sflag:s22] =	ssyncadd.s32 s5;
	_ =	sdelay $0x1  }
0xa2: {  	s23 =	simm.s32 $0x1B8B  }
0xa3: {  	_ =	swait.ge [sflag:s23], $0x1  }
0xa4: {  	[sflag:s23] =	ssyncset.done $0x0  }
0xa5: {  	s25 =	simm.s32 $0x1B8E;
	s24 =	sld [smem:$0x3FFE];
	[sflag:s23] =	ssyncadd.s32 $0xFFFFFFFF  }
0xa6: {  	s26 =	simm.s32 $execute0_lowered;
	[smem:$0x3FD2] =	sst s25  }
0xa7: {  	s6 =	sshll.u32 s26, $0x1;
	_ =	strace $0x80000046;
	[dreg:$0x1] =	wrdreg $0xFFFFFFFF  }
0xa8: {  	s28 =	simm.s32 $_size_execute0_lowered;
	s4 =	sadd.s32 s4, s6;
	[dreg:$0x0] =	wrdreg $0x0  }
0xa9: {  	s6 =	sshll.u32 s28, $0x1;
	[dreg:$0x2] =	wrdreg s4  }
0xaa: {  	[dreg:$0x3] =	wrdreg s6  }
0xab: {  	[dreg:$0x4] =	wrdreg $0xC0  }
0xac: {  	_ =	task [dreg:s8], $0x5FFFF  }
0xad: {  	[dreg:$0x1] =	wrdreg $0xFFFFFFFF  }
0xae: {  	[dreg:$0x0] =	wrdreg $0x60  }
0xaf: {  	[dreg:$0x2] =	wrdreg s2  }
0xb0: {  	[dreg:$0x3] =	wrdreg s18  }
0xb1: {  	[dreg:$0x4] =	wrdreg s24  }
0xb2: {  	[dreg:$0x5] =	wrdreg $0x9  }
0xb3: {  	_ =	task.clear_ibuf [dreg:s8], $0x6FFFF;
	_ =	strace $0x90000046  }
0xb4: {  	s29 =	simm.s32 $0x9;
	_ =	strace $0x80000048  }
0xb5: {  	_ =	swait.ge [sflag:s29], $0x1  }
0xb6: {  	[sflag:s29] =	ssyncadd.s32 $0xFFFFFFFF  }
0xb7: {  	_ =	strace $0x90000048  }
0xb8: {  	_ =	sfence  }
0xb9: {  	s30 =	sld [smem:$0x0];
	_ =	sdelay $0x2  }
0xba: {  	s31 =	sshll.u32 s1, $0xD;
	s1 =	sshrl.u32 s1, $0x2  }
0xbb: {  	s3 =	sand.u32 $0x4000, s31;
	s1 =	sadd.s32 s1, s30  }
0xbc: {  	s0 =	sor.u32 s3, s0;
	s1 =	sshll.u32 s1, $0x11  }
0xbd: {  	s0 =	sor.u32 s1, s0  }
0xbe: {  	s0 =	sadd.s32 $0x8F2B, s0  }
0xbf: {  	[sflag:s0] =	ssyncadd.remote.s32 $0x1  }
0xc0: {  	_ =	sfence.sel $0xFFFF  }
0xc1: {  	[dreg:$0x0] =	wrdreg $0xFFFFFFFF;
	(pc) =	sbr.abs _section_cstart, $3  }
0xc2: {  	[dreg:$0x1] =	wrdreg $0xFFFFFFFF  }
0xc3: {  	_ =	task.clear_ibuf [dreg:s8], $0x2FFFF;
	_ =	strace $0x9FFFFFFF  }
0xc4: {  	(tm) =	ssettm $0x7FFFFFFF  }
0xc5: {  	_ =	shalt  }
tec
execute0_lowered:
.L_overlay_start_1:
0x0: {  	(tag) =	ssettag $0x1  }
0x1: {  	s0 =	rddreg [dreg:$0x0]  }
0x2: {  	s1 =	rddreg [dreg:$0x2];
	s2 =	srdreg.scid;
	s3 =	simm.s32 $0x0  }
0x3: {  	s4 =	stileid.u32;
	s28 =	simm.s32 $0x2;
	s29 =	simm.s32 $0x3  }
0x4: {  	s30 =	simm.s32 $0x4;
	s31 =	simm.s32 $0x5;
	s2 =	sand.u32 $0x1, s2  }
0x5: {  	s22 =	simm.s32 $0x0;
	s4 =	sshll.u32 s4, $0x6;
	s5 =	sshll.u32 s2, $0x5  }
0x6: {  	[smem:$0x7FF] =	sst s3;
	s2 =	ssub.s32 $0x2, s2;
	s4 =	sor.u32 s5, s4  }
0x7: {  	s6 =	sshrl.u32 s2, $0x1;
	s5 =	sshll.u32 s4, $0x5;
	s4 =	sshll.u32 s4, $0x7  }
0x8: {  	_ =	strace $0x80000047;
	s2 =	ssub.s32 s2, s6;
	s4 =	sadd.s32 s0, s4  }
0x9: {  	s1 =	sadd.s32 s5, s1;
	s9 =	smax.u32 s2, $0x1;
	s0 =	sadd.s32 $0x100, s4  }
0xa: {  	s25 =	sadd.s32 $0x200, s4;
	s26 =	sadd.s32 $0x300, s4;
	s8 =	sadd.s32 $0x400, s1  }
0xb: {  	s10 =	sadd.s32 $0x400, s4;
	s11 =	sadd.s32 $0x800, s4;
	s12 =	sadd.s32 $0xC00, s4  }
0xc: {  	s13 =	sadd.s32 $0x500, s4;
	s14 =	sadd.s32 $0x900, s4;
	s15 =	sadd.s32 $0xD00, s4  }
0xd: {  	s16 =	sadd.s32 $0x600, s4;
	s17 =	sadd.s32 $0xA00, s4;
	s18 =	sadd.s32 $0xE00, s4  }
0xe: {  	s19 =	sadd.s32 $0x700, s4;
	s20 =	sadd.s32 $0xB00, s4;
	[dreg:$0x4] =	wrdreg s0  }
0xf: {  	s21 =	sadd.s32 $0xF00, s4;
	s1 =	simm.s32 $0x6;
	[dreg:$0x5] =	wrdreg s25  }
0x10: {  	v0 =	vimm.s32 $0xFFFFFFFF;
	[dreg:$0x6] =	wrdreg s26;
	s26 =	simm.s32 $0x1;
	s0 =	simm.s32 $0xC000  }
.LBB2_1:
0x11: {  	[tilespmem:s3], [sflag:$0x1] =	stream.linear.gather [hbm4b:s4+s3], $0x800, $0x38;
	[tilespmem:$0xE880] =	vst v63  }
0x12: {  	s2 =	simm.s32 $0x2000  }
0x13: {  	[tilespmem:s2], [sflag:$0x1] =	stream.linear.gather [hbm4b:s10+s3], $0x800, $0x38;
	[tilespmem:$0xE880] =	vst v63  }
0x14: {  	s7 =	simm.s32 $0x4000  }
0x15: {  	[tilespmem:s7], [sflag:$0x1] =	stream.linear.gather [hbm4b:s11+s3], $0x800, $0x38;
	[tilespmem:$0xE880] =	vst v63  }
0x16: {  	s23 =	simm.s32 $0x6000  }
0x17: {  	[tilespmem:s23], [sflag:$0x1] =	stream.linear.gather [hbm4b:s12+s3], $0x800, $0x38;
	[tilespmem:$0xE880] =	vst v63  }
0x18: {  	s24 =	rddreg [dreg:$0x4];
	s5 =	simm.s32 $0x800  }
0x19: {  	[tilespmem:s5], [sflag:$0x2] =	stream.linear.gather [hbm4b:s24+s3], $0x800, $0x38;
	[tilespmem:$0xE880] =	vst v63  }
0x1a: {  	s25 =	simm.s32 $0x2800  }
0x1b: {  	[tilespmem:s25], [sflag:$0x2] =	stream.linear.gather [hbm4b:s13+s3], $0x800, $0x38;
	[tilespmem:$0xE880] =	vst v63  }
0x1c: {  	s5 =	simm.s32 $0x4800  }
0x1d: {  	[tilespmem:s5], [sflag:$0x2] =	stream.linear.gather [hbm4b:s14+s3], $0x800, $0x38;
	[tilespmem:$0xE880] =	vst v63  }
0x1e: {  	s6 =	simm.s32 $0x6800  }
0x1f: {  	[tilespmem:s6], [sflag:$0x2] =	stream.linear.gather [hbm4b:s15+s3], $0x800, $0x38;
	[tilespmem:$0xE880] =	vst v63  }
0x20: {  	s7 =	rddreg [dreg:$0x5];
	s23 =	simm.s32 $0x1000  }
0x21: {  	[tilespmem:s23], [sflag:$0x3] =	stream.linear.gather [hbm4b:s7+s3], $0x800, $0x38;
	[tilespmem:$0xE880] =	vst v63  }
0x22: {  	s24 =	simm.s32 $0x3000  }
0x23: {  	[tilespmem:s24], [sflag:$0x3] =	stream.linear.gather [hbm4b:s16+s3], $0x800, $0x38;
	[tilespmem:$0xE880] =	vst v63  }
0x24: {  	s25 =	simm.s32 $0x5000  }
0x25: {  	[tilespmem:s25], [sflag:$0x3] =	stream.linear.gather [hbm4b:s17+s3], $0x800, $0x38;
	[tilespmem:$0xE880] =	vst v63  }
0x26: {  	s5 =	simm.s32 $0x7000  }
0x27: {  	[tilespmem:s5], [sflag:$0x3] =	stream.linear.gather [hbm4b:s18+s3], $0x800, $0x38;
	[tilespmem:$0xE880] =	vst v63  }
0x28: {  	s6 =	rddreg [dreg:$0x6];
	s7 =	simm.s32 $0x1800  }
0x29: {  	[tilespmem:s7], [sflag:$0x4] =	stream.linear.gather [hbm4b:s6+s3], $0x800, $0x38;
	[tilespmem:$0xE880] =	vst v63  }
0x2a: {  	s23 =	simm.s32 $0x3800  }
0x2b: {  	[tilespmem:s23], [sflag:$0x4] =	stream.linear.gather [hbm4b:s19+s3], $0x800, $0x38;
	[tilespmem:$0xE880] =	vst v63  }
0x2c: {  	s24 =	simm.s32 $0x5800  }
0x2d: {  	[tilespmem:s24], [sflag:$0x4] =	stream.linear.gather [hbm4b:s20+s3], $0x800, $0x38;
	[tilespmem:$0xE880] =	vst v63  }
0x2e: {  	s25 =	simm.s32 $0x7800  }
0x2f: {  	[tilespmem:s25], [sflag:$0x4] =	stream.linear.gather [hbm4b:s21+s3], $0x800, $0x38;
	[tilespmem:$0xE880] =	vst v63  }
0x30: {  	s5 =	rddreg [dreg:$0x1];
	s6 =	simm.s32 $0x8000  }
0x31: {  	[tilespmem:s6], [sflag:$0x5] =	stream.linear.gather [hbm4b:s5+s3], $0x4000, $0x38;
	[tilespmem:$0xE880] =	vst v63  }
0x32: {  	[tilespmem:$0xC000] =	vst v0  }
0x33: {  	_ =	swait.ge [sflag:s26], $0x2000  }
0x34: {  	s7 =	sand.u32 $0x70, s3;
	s23 =	sand.u32 $0x400, s3;
	[sflag:s26] =	ssyncset.done $0x0  }
0x35: {  	s2 =	sor.u32 s7, s23;
	[sflag:s26] =	ssyncadd.s32 $0xFFFFE000  }
0x36: {  	v1 =	vld [tilespmem:s2+$0x0]  }
0x37: {  	v2 =	vld [tilespmem:s2+$0x80]  }
0x38: {  	v3 =	vld [tilespmem:s2+$0x100]  }
0x39: {  	v4 =	vld [tilespmem:s2+$0x180]  }
0x3a: {  	v5 =	vld [tilespmem:s2+$0x200]  }
0x3b: {  	s24 =	sor.u32 s3, s3;
	v6 =	vld [tilespmem:s2+$0x280]  }
0x3c: {  	s5 =	sor.u32 $0x380, s24;
	v7 =	vld [tilespmem:s2+$0x300];
	v2 =	vshll.u32 v2, $0x1  }
0x3d: {  	v1 =	vor.u32 v1, v2;
	v2 =	vshll.u32 v3, $0x2;
	v3 =	vld [tilespmem:s5+$0x0]  }
0x3e: {  	v44 =	vld [tilespmem:s2+$0x2000];
	v1 =	vor.u32 v2, v1;
	v2 =	vshll.u32 v4, $0x3  }
0x3f: {  	v45 =	vld [tilespmem:s2+$0x2080];
	v1 =	vor.u32 v2, v1;
	v2 =	vshll.u32 v5, $0x4  }
0x40: {  	v46 =	vld [tilespmem:s2+$0x2100];
	v1 =	vor.u32 v2, v1;
	v2 =	vshll.u32 v6, $0x5  }
0x41: {  	v47 =	vld [tilespmem:s2+$0x2180];
	v1 =	vor.u32 v2, v1;
	v2 =	vshll.u32 v7, $0x6  }
0x42: {  	v1 =	vor.u32 v2, v1;
	v2 =	vshll.u32 v3, $0x7;
	v3 =	vld [tilespmem:s2+$0x2200]  }
0x43: {  	v48 =	vld [tilespmem:s2+$0x2280];
	v1 =	vor.u32 v2, v1;
	v2 =	vshll.u32 v44, $0x8  }
0x44: {  	v49 =	vld [tilespmem:s2+$0x2300];
	v1 =	vor.u32 v2, v1;
	v2 =	vshll.u32 v45, $0x9  }
0x45: {  	v50 =	vld [tilespmem:s2+$0x2380];
	v1 =	vor.u32 v2, v1;
	v2 =	vshll.u32 v46, $0xA  }
0x46: {  	v51 =	vld [tilespmem:s2+$0x4000];
	v1 =	vor.u32 v2, v1;
	v2 =	vshll.u32 v47, $0xB  }
0x47: {  	v1 =	vor.u32 v2, v1;
	v2 =	vshll.u32 v3, $0xC;
	v3 =	vld [tilespmem:s2+$0x4080]  }
0x48: {  	v52 =	vld [tilespmem:s2+$0x4100];
	v1 =	vor.u32 v2, v1;
	v2 =	vshll.u32 v48, $0xD  }
0x49: {  	v53 =	vld [tilespmem:s2+$0x4180];
	v1 =	vor.u32 v2, v1;
	v2 =	vshll.u32 v49, $0xE  }
0x4a: {  	v54 =	vld [tilespmem:s2+$0x4200];
	v1 =	vor.u32 v2, v1;
	v2 =	vshll.u32 v50, $0xF  }
0x4b: {  	v55 =	vld [tilespmem:s2+$0x4280];
	v1 =	vor.u32 v2, v1;
	v2 =	vshll.u32 v51, $0x10  }
0x4c: {  	v1 =	vor.u32 v2, v1;
	v2 =	vshll.u32 v3, $0x11;
	v3 =	vld [tilespmem:s2+$0x4300]  }
0x4d: {  	v56 =	vld [tilespmem:s2+$0x4380];
	v1 =	vor.u32 v2, v1;
	v2 =	vshll.u32 v52, $0x12  }
0x4e: {  	v57 =	vld [tilespmem:s2+$0x6000];
	v1 =	vor.u32 v2, v1;
	v2 =	vshll.u32 v53, $0x13  }
0x4f: {  	v58 =	vld [tilespmem:s2+$0x6080];
	v1 =	vor.u32 v2, v1;
	v2 =	vshll.u32 v54, $0x14  }
0x50: {  	v59 =	vld [tilespmem:s2+$0x6100];
	v1 =	vor.u32 v2, v1;
	v2 =	vshll.u32 v55, $0x15  }
0x51: {  	v1 =	vor.u32 v2, v1;
	v2 =	vshll.u32 v3, $0x16;
	v3 =	vld [tilespmem:s2+$0x6180]  }
0x52: {  	v60 =	vld [tilespmem:s2+$0x6200];
	v1 =	vor.u32 v2, v1;
	v2 =	vshll.u32 v56, $0x17  }
0x53: {  	v61 =	vld [tilespmem:s2+$0x6280];
	v1 =	vor.u32 v2, v1;
	v2 =	vshll.u32 v57, $0x18  }
0x54: {  	v62 =	vld [tilespmem:s2+$0x6300];
	v1 =	vor.u32 v2, v1;
	v2 =	vshll.u32 v58, $0x19  }
0x55: {  	v63 =	vld [tilespmem:s2+$0x6380];
	v1 =	vor.u32 v2, v1;
	v2 =	vshll.u32 v59, $0x1A  }
0x56: {  	v1 =	vor.u32 v2, v1;
	v2 =	vshll.u32 v3, $0x1B  }
0x57: {  	v1 =	vor.u32 v2, v1;
	v2 =	vshll.u32 v60, $0x1C  }
0x58: {  	v1 =	vor.u32 v2, v1;
	v2 =	vshll.u32 v61, $0x1D  }
0x59: {  	v1 =	vor.u32 v2, v1;
	v2 =	vshll.u32 v62, $0x1E  }
0x5a: {  	v1 =	vor.u32 v2, v1;
	v2 =	vshll.u32 v63, $0x1F  }
0x5b: {  	s23 =	simm.s32 $0xC401;
	s24 =	simm.s32 $0x80;
	s5 =	simm.s32 $0x10;
	v1 =	vor.u32 v2, v1  }
0x5c: {  	s6 =	sand.u32 $0x400, s24;
	s25 =	sand.u32 $0x70, s5;
	[tilespmem:s23+$0xFFFFFC00] =	vst v1;
	v1 =	vxor.u32 $0xFFFFFFFF, v1  }
0x5d: {  	s2 =	sor.u32 s25, s6;
	s25 =	simm.s32 $0x20;
	[tilespmem:s23+$0x0] =	vst v1  }
.LBB2_2:
0x5e: {  	p0 =	sne.s32 s25, $0xF0;
	v1 =	vld [tilespmem:s2+$0x0]  }
0x5f: {  	v2 =	vld [tilespmem:s2+$0x80]  }
0x60: {  	v3 =	vld [tilespmem:s2+$0x100]  }
0x61: {  	v4 =	vld [tilespmem:s2+$0x180]  }
0x62: {  	v5 =	vld [tilespmem:s2+$0x200]  }
0x63: {  	s6 =	sor.u32 s24, s5;
	s5 =	smov.u32 s25;
	v6 =	vld [tilespmem:s2+$0x280]  }
0x64: {  	s6 =	sor.u32 $0x380, s6;
	v2 =	vshll.u32 v2, $0x1;
	v7 =	vld [tilespmem:s2+$0x300]  }
0x65: {  	v1 =	vor.u32 v1, v2;
	v2 =	vshll.u32 v3, $0x2;
	v3 =	vld [tilespmem:s6+$0x0]  }
0x66: {  	v1 =	vor.u32 v2, v1;
	v2 =	vshll.u32 v4, $0x3;
	v4 =	vld [tilespmem:s2+$0x2000]  }
0x67: {  	v1 =	vor.u32 v2, v1;
	v2 =	vshll.u32 v5, $0x4;
	v5 =	vld [tilespmem:s2+$0x2080]  }
0x68: {  	v1 =	vor.u32 v2, v1;
	v2 =	vshll.u32 v6, $0x5;
	v6 =	vld [tilespmem:s2+$0x2100]  }
0x69: {  	v1 =	vor.u32 v2, v1;
	v2 =	vshll.u32 v7, $0x6;
	v7 =	vld [tilespmem:s2+$0x2180]  }
0x6a: {  	v1 =	vor.u32 v2, v1;
	v2 =	vshll.u32 v3, $0x7;
	v3 =	vld [tilespmem:s2+$0x2200]  }
0x6b: {  	v1 =	vor.u32 v2, v1;
	v2 =	vshll.u32 v4, $0x8;
	v4 =	vld [tilespmem:s2+$0x2280]  }
0x6c: {  	v1 =	vor.u32 v2, v1;
	v2 =	vshll.u32 v5, $0x9;
	v5 =	vld [tilespmem:s2+$0x2300]  }
0x6d: {  	v1 =	vor.u32 v2, v1;
	v2 =	vshll.u32 v6, $0xA;
	v6 =	vld [tilespmem:s2+$0x2380]  }
0x6e: {  	v1 =	vor.u32 v2, v1;
	v2 =	vshll.u32 v7, $0xB;
	v7 =	vld [tilespmem:s2+$0x4000]  }
0x6f: {  	v1 =	vor.u32 v2, v1;
	v2 =	vshll.u32 v3, $0xC;
	v3 =	vld [tilespmem:s2+$0x4080]  }
0x70: {  	v1 =	vor.u32 v2, v1;
	v2 =	vshll.u32 v4, $0xD;
	v4 =	vld [tilespmem:s2+$0x4100]  }
0x71: {  	v1 =	vor.u32 v2, v1;
	v2 =	vshll.u32 v5, $0xE;
	v5 =	vld [tilespmem:s2+$0x4180]  }
0x72: {  	v1 =	vor.u32 v2, v1;
	v2 =	vshll.u32 v6, $0xF;
	v6 =	vld [tilespmem:s2+$0x4200]  }
0x73: {  	v1 =	vor.u32 v2, v1;
	v2 =	vshll.u32 v7, $0x10;
	v7 =	vld [tilespmem:s2+$0x4280]  }
0x74: {  	v1 =	vor.u32 v2, v1;
	v2 =	vshll.u32 v3, $0x11;
	v3 =	vld [tilespmem:s2+$0x4300]  }
0x75: {  	v1 =	vor.u32 v2, v1;
	v2 =	vshll.u32 v4, $0x12;
	v4 =	vld [tilespmem:s2+$0x4380]  }
0x76: {  	v1 =	vor.u32 v2, v1;
	v2 =	vshll.u32 v5, $0x13;
	v5 =	vld [tilespmem:s2+$0x6000]  }
0x77: {  	v1 =	vor.u32 v2, v1;
	v2 =	vshll.u32 v6, $0x14;
	v6 =	vld [tilespmem:s2+$0x6080]  }
0x78: {  	v1 =	vor.u32 v2, v1;
	v2 =	vshll.u32 v7, $0x15;
	v7 =	vld [tilespmem:s2+$0x6100]  }
0x79: {  	v1 =	vor.u32 v2, v1;
	v2 =	vshll.u32 v3, $0x16;
	v3 =	vld [tilespmem:s2+$0x6180]  }
0x7a: {  	v1 =	vor.u32 v2, v1;
	v2 =	vshll.u32 v4, $0x17;
	v4 =	vld [tilespmem:s2+$0x6200]  }
0x7b: {  	v1 =	vor.u32 v2, v1;
	v2 =	vshll.u32 v5, $0x18;
	v5 =	vld [tilespmem:s2+$0x6280]  }
0x7c: {  	v1 =	vor.u32 v2, v1;
	v2 =	vshll.u32 v6, $0x19;
	v6 =	vld [tilespmem:s2+$0x6300]  }
0x7d: {  	v1 =	vor.u32 v2, v1;
	v2 =	vshll.u32 v7, $0x1A;
	v7 =	vld [tilespmem:s2+$0x6380]  }
0x7e: {  	v1 =	vor.u32 v2, v1;
	v2 =	vshll.u32 v3, $0x1B  }
0x7f: {  	v1 =	vor.u32 v2, v1;
	v2 =	vshll.u32 v4, $0x1C  }
0x80: {  	v1 =	vor.u32 v2, v1;
	v2 =	vshll.u32 v5, $0x1D  }
.Ltmp0:
0x81: {  	v1 =	vor.u32 v2, v1;
	v2 =	vshll.u32 v6, $0x1E;
	(pc) =	sbr.rel @p0 .LBB2_2-.Ltmp0, $4  }
0x82: {  	v1 =	vor.u32 v2, v1;
	v2 =	vshll.u32 v7, $0x1F  }
0x83: {  	s24 =	sadd.s32 $0x80, s24;
	s23 =	sadd.s32 $0x10, s23;
	v1 =	vor.u32 v2, v1  }
0x84: {  	s6 =	sand.u32 $0x400, s24;
	s2 =	sand.u32 $0x70, s25;
	[tilespmem:s23+$0xFFFFFC00] =	vst v1;
	v1 =	vxor.u32 $0xFFFFFFFF, v1  }
0x85: {  	s25 =	sadd.s32 $0x10, s25;
	s2 =	sor.u32 s2, s6;
	[tilespmem:s23+$0x0] =	vst v1  }
0x86: {  	v1 =	vld [tilespmem:s2+$0x0]  }
0x87: {  	v2 =	vld [tilespmem:s2+$0x80]  }
0x88: {  	v3 =	vld [tilespmem:s2+$0x100]  }
0x89: {  	v4 =	vld [tilespmem:s2+$0x180]  }
0x8a: {  	v5 =	vld [tilespmem:s2+$0x200]  }
0x8b: {  	v6 =	vld [tilespmem:s2+$0x280];
	s5 =	sor.u32 s24, s5  }
0x8c: {  	v7 =	vld [tilespmem:s2+$0x300];
	s5 =	sor.u32 $0x380, s5;
	v2 =	vshll.u32 v2, $0x1  }
0x8d: {  	v1 =	vor.u32 v1, v2;
	v2 =	vshll.u32 v3, $0x2;
	v3 =	vld [tilespmem:s5+$0x0]  }
0x8e: {  	v20 =	vld [tilespmem:s2+$0x2000];
	v1 =	vor.u32 v2, v1;
	v2 =	vshll.u32 v4, $0x3  }
0x8f: {  	v21 =	vld [tilespmem:s2+$0x2080];
	v1 =	vor.u32 v2, v1;
	v2 =	vshll.u32 v5, $0x4  }
0x90: {  	v22 =	vld [tilespmem:s2+$0x2100];
	v1 =	vor.u32 v2, v1;
	v2 =	vshll.u32 v6, $0x5  }
0x91: {  	v23 =	vld [tilespmem:s2+$0x2180];
	v1 =	vor.u32 v2, v1;
	v2 =	vshll.u32 v7, $0x6  }
0x92: {  	v1 =	vor.u32 v2, v1;
	v2 =	vshll.u32 v3, $0x7;
	v3 =	vld [tilespmem:s2+$0x2200]  }
0x93: {  	v24 =	vld [tilespmem:s2+$0x2280];
	v1 =	vor.u32 v2, v1;
	v2 =	vshll.u32 v20, $0x8  }
0x94: {  	v25 =	vld [tilespmem:s2+$0x2300];
	v1 =	vor.u32 v2, v1;
	v2 =	vshll.u32 v21, $0x9  }
0x95: {  	v26 =	vld [tilespmem:s2+$0x2380];
	v1 =	vor.u32 v2, v1;
	v2 =	vshll.u32 v22, $0xA  }
0x96: {  	v27 =	vld [tilespmem:s2+$0x4000];
	v1 =	vor.u32 v2, v1;
	v2 =	vshll.u32 v23, $0xB  }
0x97: {  	v1 =	vor.u32 v2, v1;
	v2 =	vshll.u32 v3, $0xC;
	v3 =	vld [tilespmem:s2+$0x4080]  }
0x98: {  	v28 =	vld [tilespmem:s2+$0x4100];
	v1 =	vor.u32 v2, v1;
	v2 =	vshll.u32 v24, $0xD  }
0x99: {  	v29 =	vld [tilespmem:s2+$0x4180];
	v1 =	vor.u32 v2, v1;
	v2 =	vshll.u32 v25, $0xE  }
0x9a: {  	v30 =	vld [tilespmem:s2+$0x4200];
	v1 =	vor.u32 v2, v1;
	v2 =	vshll.u32 v26, $0xF  }
0x9b: {  	v31 =	vld [tilespmem:s2+$0x4280];
	v1 =	vor.u32 v2, v1;
	v2 =	vshll.u32 v27, $0x10  }
0x9c: {  	v1 =	vor.u32 v2, v1;
	v2 =	vshll.u32 v3, $0x11;
	v3 =	vld [tilespmem:s2+$0x4300]  }
0x9d: {  	v32 =	vld [tilespmem:s2+$0x4380];
	v1 =	vor.u32 v2, v1;
	v2 =	vshll.u32 v28, $0x12  }
0x9e: {  	v33 =	vld [tilespmem:s2+$0x6000];
	v1 =	vor.u32 v2, v1;
	v2 =	vshll.u32 v29, $0x13  }
0x9f: {  	v34 =	vld [tilespmem:s2+$0x6080];
	v1 =	vor.u32 v2, v1;
	v2 =	vshll.u32 v30, $0x14  }
0xa0: {  	v35 =	vld [tilespmem:s2+$0x6100];
	v1 =	vor.u32 v2, v1;
	v2 =	vshll.u32 v31, $0x15  }
0xa1: {  	v1 =	vor.u32 v2, v1;
	v2 =	vshll.u32 v3, $0x16;
	v3 =	vld [tilespmem:s2+$0x6180]  }
0xa2: {  	v36 =	vld [tilespmem:s2+$0x6200];
	v1 =	vor.u32 v2, v1;
	v2 =	vshll.u32 v32, $0x17  }
0xa3: {  	v37 =	vld [tilespmem:s2+$0x6280];
	v1 =	vor.u32 v2, v1;
	v2 =	vshll.u32 v33, $0x18  }
0xa4: {  	v38 =	vld [tilespmem:s2+$0x6300];
	v1 =	vor.u32 v2, v1;
	v2 =	vshll.u32 v34, $0x19  }
0xa5: {  	v39 =	vld [tilespmem:s2+$0x6380];
	v1 =	vor.u32 v2, v1;
	v2 =	vshll.u32 v35, $0x1A  }
0xa6: {  	v1 =	vor.u32 v2, v1;
	v2 =	vshll.u32 v3, $0x1B  }
0xa7: {  	v1 =	vor.u32 v2, v1;
	v2 =	vshll.u32 v36, $0x1C  }
0xa8: {  	v1 =	vor.u32 v2, v1;
	v2 =	vshll.u32 v37, $0x1D  }
0xa9: {  	v1 =	vor.u32 v2, v1;
	v2 =	vshll.u32 v38, $0x1E  }
0xaa: {  	v1 =	vor.u32 v2, v1;
	v2 =	vshll.u32 v39, $0x1F  }
0xab: {  	s23 =	sadd.s32 $0x10, s23;
	v1 =	vor.u32 v2, v1  }
0xac: {  	[tilespmem:s23+$0xFFFFFC00] =	vst v1;
	v1 =	vxor.u32 $0xFFFFFFFF, v1  }
0xad: {  	[tilespmem:s23+$0x0] =	vst v1  }
0xae: {  	s24 =	simm.s32 $0x100;
	s6 =	simm.s32 $0x800;
	_ =	swait.ge [sflag:s28], $0x2000  }
0xaf: {  	s25 =	sand.u32 $0x70, s24;
	s7 =	sand.u32 $0xC00, s6;
	[sflag:s28] =	ssyncset.done $0x0  }
0xb0: {  	s2 =	sor.u32 s25, s7;
	[sflag:s28] =	ssyncadd.s32 $0xFFFFE000  }
0xb1: {  	v1 =	vld [tilespmem:s2+$0x0]  }
0xb2: {  	v2 =	vld [tilespmem:s2+$0x80]  }
0xb3: {  	v3 =	vld [tilespmem:s2+$0x100]  }
0xb4: {  	v40 =	vld [tilespmem:s2+$0x180]  }
0xb5: {  	v41 =	vld [tilespmem:s2+$0x200]  }
0xb6: {  	s5 =	sor.u32 s6, s24;
	v42 =	vld [tilespmem:s2+$0x280]  }
0xb7: {  	s5 =	sor.u32 $0x380, s5;
	v43 =	vld [tilespmem:s2+$0x300];
	v2 =	vshll.u32 v2, $0x1  }
0xb8: {  	v1 =	vor.u32 v1, v2;
	v2 =	vshll.u32 v3, $0x2;
	v3 =	vld [tilespmem:s5+$0x0]  }
0xb9: {  	v44 =	vld [tilespmem:s2+$0x2000];
	v1 =	vor.u32 v2, v1;
	v2 =	vshll.u32 v40, $0x3  }
0xba: {  	v45 =	vld [tilespmem:s2+$0x2080];
	v1 =	vor.u32 v2, v1;
	v2 =	vshll.u32 v41, $0x4  }
0xbb: {  	v46 =	vld [tilespmem:s2+$0x2100];
	v1 =	vor.u32 v2, v1;
	v2 =	vshll.u32 v42, $0x5  }
0xbc: {  	v47 =	vld [tilespmem:s2+$0x2180];
	v1 =	vor.u32 v2, v1;
	v2 =	vshll.u32 v43, $0x6  }
0xbd: {  	v1 =	vor.u32 v2, v1;
	v2 =	vshll.u32 v3, $0x7;
	v3 =	vld [tilespmem:s2+$0x2200]  }
0xbe: {  	v48 =	vld [tilespmem:s2+$0x2280];
	v1 =	vor.u32 v2, v1;
	v2 =	vshll.u32 v44, $0x8  }
0xbf: {  	v49 =	vld [tilespmem:s2+$0x2300];
	v1 =	vor.u32 v2, v1;
	v2 =	vshll.u32 v45, $0x9  }
0xc0: {  	v50 =	vld [tilespmem:s2+$0x2380];
	v1 =	vor.u32 v2, v1;
	v2 =	vshll.u32 v46, $0xA  }
0xc1: {  	v51 =	vld [tilespmem:s2+$0x4000];
	v1 =	vor.u32 v2, v1;
	v2 =	vshll.u32 v47, $0xB  }
0xc2: {  	v1 =	vor.u32 v2, v1;
	v2 =	vshll.u32 v3, $0xC;
	v3 =	vld [tilespmem:s2+$0x4080]  }
0xc3: {  	v52 =	vld [tilespmem:s2+$0x4100];
	v1 =	vor.u32 v2, v1;
	v2 =	vshll.u32 v48, $0xD  }
0xc4: {  	v53 =	vld [tilespmem:s2+$0x4180];
	v1 =	vor.u32 v2, v1;
	v2 =	vshll.u32 v49, $0xE  }
0xc5: {  	v54 =	vld [tilespmem:s2+$0x4200];
	v1 =	vor.u32 v2, v1;
	v2 =	vshll.u32 v50, $0xF  }
0xc6: {  	v55 =	vld [tilespmem:s2+$0x4280];
	v1 =	vor.u32 v2, v1;
	v2 =	vshll.u32 v51, $0x10  }
0xc7: {  	v1 =	vor.u32 v2, v1;
	v2 =	vshll.u32 v3, $0x11;
	v3 =	vld [tilespmem:s2+$0x4300]  }
0xc8: {  	v56 =	vld [tilespmem:s2+$0x4380];
	v1 =	vor.u32 v2, v1;
	v2 =	vshll.u32 v52, $0x12  }
0xc9: {  	v57 =	vld [tilespmem:s2+$0x6000];
	v1 =	vor.u32 v2, v1;
	v2 =	vshll.u32 v53, $0x13  }
0xca: {  	v58 =	vld [tilespmem:s2+$0x6080];
	v1 =	vor.u32 v2, v1;
	v2 =	vshll.u32 v54, $0x14  }
0xcb: {  	v59 =	vld [tilespmem:s2+$0x6100];
	v1 =	vor.u32 v2, v1;
	v2 =	vshll.u32 v55, $0x15  }
0xcc: {  	v1 =	vor.u32 v2, v1;
	v2 =	vshll.u32 v3, $0x16;
	v3 =	vld [tilespmem:s2+$0x6180]  }
0xcd: {  	v60 =	vld [tilespmem:s2+$0x6200];
	v1 =	vor.u32 v2, v1;
	v2 =	vshll.u32 v56, $0x17  }
0xce: {  	v61 =	vld [tilespmem:s2+$0x6280];
	v1 =	vor.u32 v2, v1;
	v2 =	vshll.u32 v57, $0x18  }
0xcf: {  	v62 =	vld [tilespmem:s2+$0x6300];
	v1 =	vor.u32 v2, v1;
	v2 =	vshll.u32 v58, $0x19  }
0xd0: {  	v63 =	vld [tilespmem:s2+$0x6380];
	v1 =	vor.u32 v2, v1;
	v2 =	vshll.u32 v59, $0x1A  }
0xd1: {  	v1 =	vor.u32 v2, v1;
	v2 =	vshll.u32 v3, $0x1B  }
0xd2: {  	v1 =	vor.u32 v2, v1;
	v2 =	vshll.u32 v60, $0x1C  }
0xd3: {  	v1 =	vor.u32 v2, v1;
	v2 =	vshll.u32 v61, $0x1D  }
0xd4: {  	v1 =	vor.u32 v2, v1;
	v2 =	vshll.u32 v62, $0x1E  }
0xd5: {  	v1 =	vor.u32 v2, v1;
	v2 =	vshll.u32 v63, $0x1F  }
0xd6: {  	s24 =	simm.s32 $0x880;
	s23 =	simm.s32 $0xC501;
	s5 =	simm.s32 $0x110;
	v1 =	vor.u32 v2, v1  }
0xd7: {  	s25 =	sand.u32 $0xC00, s24;
	s7 =	sand.u32 $0x70, s5;
	[tilespmem:s23+$0xFFFFFC00] =	vst v1;
	v1 =	vxor.u32 $0xFFFFFFFF, v1  }
0xd8: {  	s2 =	sor.u32 s7, s25;
	s25 =	simm.s32 $0x120;
	[tilespmem:s23+$0x0] =	vst v1  }
.LBB2_4:
0xd9: {  	p0 =	sne.s32 s25, $0x1F0;
	v1 =	vld [tilespmem:s2+$0x0]  }
0xda: {  	v2 =	vld [tilespmem:s2+$0x80]  }
0xdb: {  	v3 =	vld [tilespmem:s2+$0x100]  }
0xdc: {  	v4 =	vld [tilespmem:s2+$0x180]  }
0xdd: {  	v5 =	vld [tilespmem:s2+$0x200]  }
0xde: {  	s6 =	sor.u32 s24, s5;
	s5 =	smov.u32 s25;
	v6 =	vld [tilespmem:s2+$0x280]  }
0xdf: {  	s6 =	sor.u32 $0x380, s6;
	v2 =	vshll.u32 v2, $0x1;
	v7 =	vld [tilespmem:s2+$0x300]  }
0xe0: {  	v1 =	vor.u32 v1, v2;
	v2 =	vshll.u32 v3, $0x2;
	v3 =	vld [tilespmem:s6+$0x0]  }
0xe1: {  	v1 =	vor.u32 v2, v1;
	v2 =	vshll.u32 v4, $0x3;
	v4 =	vld [tilespmem:s2+$0x2000]  }
0xe2: {  	v1 =	vor.u32 v2, v1;
	v2 =	vshll.u32 v5, $0x4;
	v5 =	vld [tilespmem:s2+$0x2080]  }
0xe3: {  	v1 =	vor.u32 v2, v1;
	v2 =	vshll.u32 v6, $0x5;
	v6 =	vld [tilespmem:s2+$0x2100]  }
0xe4: {  	v1 =	vor.u32 v2, v1;
	v2 =	vshll.u32 v7, $0x6;
	v7 =	vld [tilespmem:s2+$0x2180]  }
0xe5: {  	v1 =	vor.u32 v2, v1;
	v2 =	vshll.u32 v3, $0x7;
	v3 =	vld [tilespmem:s2+$0x2200]  }
0xe6: {  	v1 =	vor.u32 v2, v1;
	v2 =	vshll.u32 v4, $0x8;
	v4 =	vld [tilespmem:s2+$0x2280]  }
0xe7: {  	v1 =	vor.u32 v2, v1;
	v2 =	vshll.u32 v5, $0x9;
	v5 =	vld [tilespmem:s2+$0x2300]  }
0xe8: {  	v1 =	vor.u32 v2, v1;
	v2 =	vshll.u32 v6, $0xA;
	v6 =	vld [tilespmem:s2+$0x2380]  }
0xe9: {  	v1 =	vor.u32 v2, v1;
	v2 =	vshll.u32 v7, $0xB;
	v7 =	vld [tilespmem:s2+$0x4000]  }
0xea: {  	v1 =	vor.u32 v2, v1;
	v2 =	vshll.u32 v3, $0xC;
	v3 =	vld [tilespmem:s2+$0x4080]  }
0xeb: {  	v1 =	vor.u32 v2, v1;
	v2 =	vshll.u32 v4, $0xD;
	v4 =	vld [tilespmem:s2+$0x4100]  }
0xec: {  	v1 =	vor.u32 v2, v1;
	v2 =	vshll.u32 v5, $0xE;
	v5 =	vld [tilespmem:s2+$0x4180]  }
0xed: {  	v1 =	vor.u32 v2, v1;
	v2 =	vshll.u32 v6, $0xF;
	v6 =	vld [tilespmem:s2+$0x4200]  }
0xee: {  	v1 =	vor.u32 v2, v1;
	v2 =	vshll.u32 v7, $0x10;
	v7 =	vld [tilespmem:s2+$0x4280]  }
0xef: {  	v1 =	vor.u32 v2, v1;
	v2 =	vshll.u32 v3, $0x11;
	v3 =	vld [tilespmem:s2+$0x4300]  }
0xf0: {  	v1 =	vor.u32 v2, v1;
	v2 =	vshll.u32 v4, $0x12;
	v4 =	vld [tilespmem:s2+$0x4380]  }
0xf1: {  	v1 =	vor.u32 v2, v1;
	v2 =	vshll.u32 v5, $0x13;
	v5 =	vld [tilespmem:s2+$0x6000]  }
0xf2: {  	v1 =	vor.u32 v2, v1;
	v2 =	vshll.u32 v6, $0x14;
	v6 =	vld [tilespmem:s2+$0x6080]  }
0xf3: {  	v1 =	vor.u32 v2, v1;
	v2 =	vshll.u32 v7, $0x15;
	v7 =	vld [tilespmem:s2+$0x6100]  }
0xf4: {  	v1 =	vor.u32 v2, v1;
	v2 =	vshll.u32 v3, $0x16;
	v3 =	vld [tilespmem:s2+$0x6180]  }
0xf5: {  	v1 =	vor.u32 v2, v1;
	v2 =	vshll.u32 v4, $0x17;
	v4 =	vld [tilespmem:s2+$0x6200]  }
0xf6: {  	v1 =	vor.u32 v2, v1;
	v2 =	vshll.u32 v5, $0x18;
	v5 =	vld [tilespmem:s2+$0x6280]  }
0xf7: {  	v1 =	vor.u32 v2, v1;
	v2 =	vshll.u32 v6, $0x19;
	v6 =	vld [tilespmem:s2+$0x6300]  }
0xf8: {  	v1 =	vor.u32 v2, v1;
	v2 =	vshll.u32 v7, $0x1A;
	v7 =	vld [tilespmem:s2+$0x6380]  }
0xf9: {  	v1 =	vor.u32 v2, v1;
	v2 =	vshll.u32 v3, $0x1B  }
0xfa: {  	v1 =	vor.u32 v2, v1;
	v2 =	vshll.u32 v4, $0x1C  }
0xfb: {  	v1 =	vor.u32 v2, v1;
	v2 =	vshll.u32 v5, $0x1D  }
.Ltmp1:
0xfc: {  	v1 =	vor.u32 v2, v1;
	v2 =	vshll.u32 v6, $0x1E;
	(pc) =	sbr.rel @p0 .LBB2_4-.Ltmp1, $4  }
0xfd: {  	v1 =	vor.u32 v2, v1;
	v2 =	vshll.u32 v7, $0x1F  }
0xfe: {  	s24 =	sadd.s32 $0x80, s24;
	s23 =	sadd.s32 $0x10, s23;
	v1 =	vor.u32 v2, v1  }
0xff: {  	s6 =	sand.u32 $0xC00, s24;
	s2 =	sand.u32 $0x70, s25;
	[tilespmem:s23+$0xFFFFFC00] =	vst v1;
	v1 =	vxor.u32 $0xFFFFFFFF, v1  }
0x100: {  	s25 =	sadd.s32 $0x10, s25;
	s2 =	sor.u32 s2, s6;
	[tilespmem:s23+$0x0] =	vst v1  }
0x101: {  	v1 =	vld [tilespmem:s2+$0x0]  }
0x102: {  	v2 =	vld [tilespmem:s2+$0x80]  }
0x103: {  	v3 =	vld [tilespmem:s2+$0x100]  }
0x104: {  	v4 =	vld [tilespmem:s2+$0x180]  }
0x105: {  	v5 =	vld [tilespmem:s2+$0x200]  }
0x106: {  	v6 =	vld [tilespmem:s2+$0x280];
	s5 =	sor.u32 s24, s5  }
0x107: {  	v7 =	vld [tilespmem:s2+$0x300];
	s5 =	sor.u32 $0x380, s5;
	v2 =	vshll.u32 v2, $0x1  }
0x108: {  	v1 =	vor.u32 v1, v2;
	v2 =	vshll.u32 v3, $0x2;
	v3 =	vld [tilespmem:s5+$0x0]  }
0x109: {  	v20 =	vld [tilespmem:s2+$0x2000];
	v1 =	vor.u32 v2, v1;
	v2 =	vshll.u32 v4, $0x3  }
0x10a: {  	v21 =	vld [tilespmem:s2+$0x2080];
	v1 =	vor.u32 v2, v1;
	v2 =	vshll.u32 v5, $0x4  }
0x10b: {  	v22 =	vld [tilespmem:s2+$0x2100];
	v1 =	vor.u32 v2, v1;
	v2 =	vshll.u32 v6, $0x5  }
0x10c: {  	v23 =	vld [tilespmem:s2+$0x2180];
	v1 =	vor.u32 v2, v1;
	v2 =	vshll.u32 v7, $0x6  }
0x10d: {  	v1 =	vor.u32 v2, v1;
	v2 =	vshll.u32 v3, $0x7;
	v3 =	vld [tilespmem:s2+$0x2200]  }
0x10e: {  	v24 =	vld [tilespmem:s2+$0x2280];
	v1 =	vor.u32 v2, v1;
	v2 =	vshll.u32 v20, $0x8  }
0x10f: {  	v25 =	vld [tilespmem:s2+$0x2300];
	v1 =	vor.u32 v2, v1;
	v2 =	vshll.u32 v21, $0x9  }
0x110: {  	v26 =	vld [tilespmem:s2+$0x2380];
	v1 =	vor.u32 v2, v1;
	v2 =	vshll.u32 v22, $0xA  }
0x111: {  	v27 =	vld [tilespmem:s2+$0x4000];
	v1 =	vor.u32 v2, v1;
	v2 =	vshll.u32 v23, $0xB  }
0x112: {  	v1 =	vor.u32 v2, v1;
	v2 =	vshll.u32 v3, $0xC;
	v3 =	vld [tilespmem:s2+$0x4080]  }
0x113: {  	v28 =	vld [tilespmem:s2+$0x4100];
	v1 =	vor.u32 v2, v1;
	v2 =	vshll.u32 v24, $0xD  }
0x114: {  	v29 =	vld [tilespmem:s2+$0x4180];
	v1 =	vor.u32 v2, v1;
	v2 =	vshll.u32 v25, $0xE  }
0x115: {  	v30 =	vld [tilespmem:s2+$0x4200];
	v1 =	vor.u32 v2, v1;
	v2 =	vshll.u32 v26, $0xF  }
0x116: {  	v31 =	vld [tilespmem:s2+$0x4280];
	v1 =	vor.u32 v2, v1;
	v2 =	vshll.u32 v27, $0x10  }
0x117: {  	v1 =	vor.u32 v2, v1;
	v2 =	vshll.u32 v3, $0x11;
	v3 =	vld [tilespmem:s2+$0x4300]  }
0x118: {  	v32 =	vld [tilespmem:s2+$0x4380];
	v1 =	vor.u32 v2, v1;
	v2 =	vshll.u32 v28, $0x12  }
0x119: {  	v33 =	vld [tilespmem:s2+$0x6000];
	v1 =	vor.u32 v2, v1;
	v2 =	vshll.u32 v29, $0x13  }
0x11a: {  	v34 =	vld [tilespmem:s2+$0x6080];
	v1 =	vor.u32 v2, v1;
	v2 =	vshll.u32 v30, $0x14  }
0x11b: {  	v35 =	vld [tilespmem:s2+$0x6100];
	v1 =	vor.u32 v2, v1;
	v2 =	vshll.u32 v31, $0x15  }
0x11c: {  	v1 =	vor.u32 v2, v1;
	v2 =	vshll.u32 v3, $0x16;
	v3 =	vld [tilespmem:s2+$0x6180]  }
0x11d: {  	v36 =	vld [tilespmem:s2+$0x6200];
	v1 =	vor.u32 v2, v1;
	v2 =	vshll.u32 v32, $0x17  }
0x11e: {  	v37 =	vld [tilespmem:s2+$0x6280];
	v1 =	vor.u32 v2, v1;
	v2 =	vshll.u32 v33, $0x18  }
0x11f: {  	v38 =	vld [tilespmem:s2+$0x6300];
	v1 =	vor.u32 v2, v1;
	v2 =	vshll.u32 v34, $0x19  }
0x120: {  	v39 =	vld [tilespmem:s2+$0x6380];
	v1 =	vor.u32 v2, v1;
	v2 =	vshll.u32 v35, $0x1A  }
0x121: {  	v1 =	vor.u32 v2, v1;
	v2 =	vshll.u32 v3, $0x1B  }
0x122: {  	v1 =	vor.u32 v2, v1;
	v2 =	vshll.u32 v36, $0x1C  }
0x123: {  	v1 =	vor.u32 v2, v1;
	v2 =	vshll.u32 v37, $0x1D  }
0x124: {  	v1 =	vor.u32 v2, v1;
	v2 =	vshll.u32 v38, $0x1E  }
0x125: {  	v1 =	vor.u32 v2, v1;
	v2 =	vshll.u32 v39, $0x1F  }
0x126: {  	s23 =	sadd.s32 $0x10, s23;
	v1 =	vor.u32 v2, v1  }
0x127: {  	[tilespmem:s23+$0xFFFFFC00] =	vst v1;
	v1 =	vxor.u32 $0xFFFFFFFF, v1  }
0x128: {  	[tilespmem:s23+$0x0] =	vst v1  }
0x129: {  	s24 =	simm.s32 $0x200;
	s6 =	simm.s32 $0x1000;
	_ =	swait.ge [sflag:s29], $0x2000  }
0x12a: {  	s25 =	sand.u32 $0x70, s24;
	s7 =	sand.u32 $0x1C00, s6;
	[sflag:s29] =	ssyncset.done $0x0  }
0x12b: {  	s2 =	sor.u32 s25, s7;
	[sflag:s29] =	ssyncadd.s32 $0xFFFFE000  }
0x12c: {  	v1 =	vld [tilespmem:s2+$0x0]  }
0x12d: {  	v2 =	vld [tilespmem:s2+$0x80]  }
0x12e: {  	v3 =	vld [tilespmem:s2+$0x100]  }
0x12f: {  	v40 =	vld [tilespmem:s2+$0x180]  }
0x130: {  	v41 =	vld [tilespmem:s2+$0x200]  }
0x131: {  	s5 =	sor.u32 s6, s24;
	v42 =	vld [tilespmem:s2+$0x280]  }
0x132: {  	s5 =	sor.u32 $0x380, s5;
	v43 =	vld [tilespmem:s2+$0x300];
	v2 =	vshll.u32 v2, $0x1  }
0x133: {  	v1 =	vor.u32 v1, v2;
	v2 =	vshll.u32 v3, $0x2;
	v3 =	vld [tilespmem:s5+$0x0]  }
0x134: {  	v44 =	vld [tilespmem:s2+$0x2000];
	v1 =	vor.u32 v2, v1;
	v2 =	vshll.u32 v40, $0x3  }
0x135: {  	v45 =	vld [tilespmem:s2+$0x2080];
	v1 =	vor.u32 v2, v1;
	v2 =	vshll.u32 v41, $0x4  }
0x136: {  	v46 =	vld [tilespmem:s2+$0x2100];
	v1 =	vor.u32 v2, v1;
	v2 =	vshll.u32 v42, $0x5  }
0x137: {  	v47 =	vld [tilespmem:s2+$0x2180];
	v1 =	vor.u32 v2, v1;
	v2 =	vshll.u32 v43, $0x6  }
0x138: {  	v1 =	vor.u32 v2, v1;
	v2 =	vshll.u32 v3, $0x7;
	v3 =	vld [tilespmem:s2+$0x2200]  }
0x139: {  	v48 =	vld [tilespmem:s2+$0x2280];
	v1 =	vor.u32 v2, v1;
	v2 =	vshll.u32 v44, $0x8  }
0x13a: {  	v49 =	vld [tilespmem:s2+$0x2300];
	v1 =	vor.u32 v2, v1;
	v2 =	vshll.u32 v45, $0x9  }
0x13b: {  	v50 =	vld [tilespmem:s2+$0x2380];
	v1 =	vor.u32 v2, v1;
	v2 =	vshll.u32 v46, $0xA  }
0x13c: {  	v51 =	vld [tilespmem:s2+$0x4000];
	v1 =	vor.u32 v2, v1;
	v2 =	vshll.u32 v47, $0xB  }
0x13d: {  	v1 =	vor.u32 v2, v1;
	v2 =	vshll.u32 v3, $0xC;
	v3 =	vld [tilespmem:s2+$0x4080]  }
0x13e: {  	v52 =	vld [tilespmem:s2+$0x4100];
	v1 =	vor.u32 v2, v1;
	v2 =	vshll.u32 v48, $0xD  }
0x13f: {  	v53 =	vld [tilespmem:s2+$0x4180];
	v1 =	vor.u32 v2, v1;
	v2 =	vshll.u32 v49, $0xE  }
0x140: {  	v54 =	vld [tilespmem:s2+$0x4200];
	v1 =	vor.u32 v2, v1;
	v2 =	vshll.u32 v50, $0xF  }
0x141: {  	v55 =	vld [tilespmem:s2+$0x4280];
	v1 =	vor.u32 v2, v1;
	v2 =	vshll.u32 v51, $0x10  }
0x142: {  	v1 =	vor.u32 v2, v1;
	v2 =	vshll.u32 v3, $0x11;
	v3 =	vld [tilespmem:s2+$0x4300]  }
0x143: {  	v56 =	vld [tilespmem:s2+$0x4380];
	v1 =	vor.u32 v2, v1;
	v2 =	vshll.u32 v52, $0x12  }
0x144: {  	v57 =	vld [tilespmem:s2+$0x6000];
	v1 =	vor.u32 v2, v1;
	v2 =	vshll.u32 v53, $0x13  }
0x145: {  	v58 =	vld [tilespmem:s2+$0x6080];
	v1 =	vor.u32 v2, v1;
	v2 =	vshll.u32 v54, $0x14  }
0x146: {  	v59 =	vld [tilespmem:s2+$0x6100];
	v1 =	vor.u32 v2, v1;
	v2 =	vshll.u32 v55, $0x15  }
0x147: {  	v1 =	vor.u32 v2, v1;
	v2 =	vshll.u32 v3, $0x16;
	v3 =	vld [tilespmem:s2+$0x6180]  }
0x148: {  	v60 =	vld [tilespmem:s2+$0x6200];
	v1 =	vor.u32 v2, v1;
	v2 =	vshll.u32 v56, $0x17  }
0x149: {  	v61 =	vld [tilespmem:s2+$0x6280];
	v1 =	vor.u32 v2, v1;
	v2 =	vshll.u32 v57, $0x18  }
0x14a: {  	v62 =	vld [tilespmem:s2+$0x6300];
	v1 =	vor.u32 v2, v1;
	v2 =	vshll.u32 v58, $0x19  }
0x14b: {  	v63 =	vld [tilespmem:s2+$0x6380];
	v1 =	vor.u32 v2, v1;
	v2 =	vshll.u32 v59, $0x1A  }
0x14c: {  	v1 =	vor.u32 v2, v1;
	v2 =	vshll.u32 v3, $0x1B  }
0x14d: {  	v1 =	vor.u32 v2, v1;
	v2 =	vshll.u32 v60, $0x1C  }
0x14e: {  	v1 =	vor.u32 v2, v1;
	v2 =	vshll.u32 v61, $0x1D  }
0x14f: {  	v1 =	vor.u32 v2, v1;
	v2 =	vshll.u32 v62, $0x1E  }
0x150: {  	v1 =	vor.u32 v2, v1;
	v2 =	vshll.u32 v63, $0x1F  }
0x151: {  	s24 =	simm.s32 $0x1080;
	s23 =	simm.s32 $0xC601;
	s5 =	simm.s32 $0x210;
	v1 =	vor.u32 v2, v1  }
0x152: {  	s25 =	sand.u32 $0x1C00, s24;
	s7 =	sand.u32 $0x70, s5;
	[tilespmem:s23+$0xFFFFFC00] =	vst v1;
	v1 =	vxor.u32 $0xFFFFFFFF, v1  }
0x153: {  	s2 =	sor.u32 s7, s25;
	s25 =	simm.s32 $0x220;
	[tilespmem:s23+$0x0] =	vst v1  }
.LBB2_6:
0x154: {  	p0 =	sne.s32 s25, $0x2F0;
	v1 =	vld [tilespmem:s2+$0x0]  }
0x155: {  	v2 =	vld [tilespmem:s2+$0x80]  }
0x156: {  	v3 =	vld [tilespmem:s2+$0x100]  }
0x157: {  	v4 =	vld [tilespmem:s2+$0x180]  }
0x158: {  	v5 =	vld [tilespmem:s2+$0x200]  }
0x159: {  	s6 =	sor.u32 s24, s5;
	s5 =	smov.u32 s25;
	v6 =	vld [tilespmem:s2+$0x280]  }
0x15a: {  	s6 =	sor.u32 $0x380, s6;
	v2 =	vshll.u32 v2, $0x1;
	v7 =	vld [tilespmem:s2+$0x300]  }
0x15b: {  	v1 =	vor.u32 v1, v2;
	v2 =	vshll.u32 v3, $0x2;
	v3 =	vld [tilespmem:s6+$0x0]  }
0x15c: {  	v1 =	vor.u32 v2, v1;
	v2 =	vshll.u32 v4, $0x3;
	v4 =	vld [tilespmem:s2+$0x2000]  }
0x15d: {  	v1 =	vor.u32 v2, v1;
	v2 =	vshll.u32 v5, $0x4;
	v5 =	vld [tilespmem:s2+$0x2080]  }
0x15e: {  	v1 =	vor.u32 v2, v1;
	v2 =	vshll.u32 v6, $0x5;
	v6 =	vld [tilespmem:s2+$0x2100]  }
0x15f: {  	v1 =	vor.u32 v2, v1;
	v2 =	vshll.u32 v7, $0x6;
	v7 =	vld [tilespmem:s2+$0x2180]  }
0x160: {  	v1 =	vor.u32 v2, v1;
	v2 =	vshll.u32 v3, $0x7;
	v3 =	vld [tilespmem:s2+$0x2200]  }
0x161: {  	v1 =	vor.u32 v2, v1;
	v2 =	vshll.u32 v4, $0x8;
	v4 =	vld [tilespmem:s2+$0x2280]  }
0x162: {  	v1 =	vor.u32 v2, v1;
	v2 =	vshll.u32 v5, $0x9;
	v5 =	vld [tilespmem:s2+$0x2300]  }
0x163: {  	v1 =	vor.u32 v2, v1;
	v2 =	vshll.u32 v6, $0xA;
	v6 =	vld [tilespmem:s2+$0x2380]  }
0x164: {  	v1 =	vor.u32 v2, v1;
	v2 =	vshll.u32 v7, $0xB;
	v7 =	vld [tilespmem:s2+$0x4000]  }
0x165: {  	v1 =	vor.u32 v2, v1;
	v2 =	vshll.u32 v3, $0xC;
	v3 =	vld [tilespmem:s2+$0x4080]  }
0x166: {  	v1 =	vor.u32 v2, v1;
	v2 =	vshll.u32 v4, $0xD;
	v4 =	vld [tilespmem:s2+$0x4100]  }
0x167: {  	v1 =	vor.u32 v2, v1;
	v2 =	vshll.u32 v5, $0xE;
	v5 =	vld [tilespmem:s2+$0x4180]  }
0x168: {  	v1 =	vor.u32 v2, v1;
	v2 =	vshll.u32 v6, $0xF;
	v6 =	vld [tilespmem:s2+$0x4200]  }
0x169: {  	v1 =	vor.u32 v2, v1;
	v2 =	vshll.u32 v7, $0x10;
	v7 =	vld [tilespmem:s2+$0x4280]  }
0x16a: {  	v1 =	vor.u32 v2, v1;
	v2 =	vshll.u32 v3, $0x11;
	v3 =	vld [tilespmem:s2+$0x4300]  }
0x16b: {  	v1 =	vor.u32 v2, v1;
	v2 =	vshll.u32 v4, $0x12;
	v4 =	vld [tilespmem:s2+$0x4380]  }
0x16c: {  	v1 =	vor.u32 v2, v1;
	v2 =	vshll.u32 v5, $0x13;
	v5 =	vld [tilespmem:s2+$0x6000]  }
0x16d: {  	v1 =	vor.u32 v2, v1;
	v2 =	vshll.u32 v6, $0x14;
	v6 =	vld [tilespmem:s2+$0x6080]  }
0x16e: {  	v1 =	vor.u32 v2, v1;
	v2 =	vshll.u32 v7, $0x15;
	v7 =	vld [tilespmem:s2+$0x6100]  }
0x16f: {  	v1 =	vor.u32 v2, v1;
	v2 =	vshll.u32 v3, $0x16;
	v3 =	vld [tilespmem:s2+$0x6180]  }
0x170: {  	v1 =	vor.u32 v2, v1;
	v2 =	vshll.u32 v4, $0x17;
	v4 =	vld [tilespmem:s2+$0x6200]  }
0x171: {  	v1 =	vor.u32 v2, v1;
	v2 =	vshll.u32 v5, $0x18;
	v5 =	vld [tilespmem:s2+$0x6280]  }
0x172: {  	v1 =	vor.u32 v2, v1;
	v2 =	vshll.u32 v6, $0x19;
	v6 =	vld [tilespmem:s2+$0x6300]  }
0x173: {  	v1 =	vor.u32 v2, v1;
	v2 =	vshll.u32 v7, $0x1A;
	v7 =	vld [tilespmem:s2+$0x6380]  }
0x174: {  	v1 =	vor.u32 v2, v1;
	v2 =	vshll.u32 v3, $0x1B  }
0x175: {  	v1 =	vor.u32 v2, v1;
	v2 =	vshll.u32 v4, $0x1C  }
0x176: {  	v1 =	vor.u32 v2, v1;
	v2 =	vshll.u32 v5, $0x1D  }
.Ltmp2:
0x177: {  	v1 =	vor.u32 v2, v1;
	v2 =	vshll.u32 v6, $0x1E;
	(pc) =	sbr.rel @p0 .LBB2_6-.Ltmp2, $4  }
0x178: {  	v1 =	vor.u32 v2, v1;
	v2 =	vshll.u32 v7, $0x1F  }
0x179: {  	s24 =	sadd.s32 $0x80, s24;
	s23 =	sadd.s32 $0x10, s23;
	v1 =	vor.u32 v2, v1  }
0x17a: {  	s6 =	sand.u32 $0x1C00, s24;
	s2 =	sand.u32 $0x70, s25;
	[tilespmem:s23+$0xFFFFFC00] =	vst v1;
	v1 =	vxor.u32 $0xFFFFFFFF, v1  }
0x17b: {  	s25 =	sadd.s32 $0x10, s25;
	s2 =	sor.u32 s2, s6;
	[tilespmem:s23+$0x0] =	vst v1  }
0x17c: {  	v1 =	vld [tilespmem:s2+$0x0]  }
0x17d: {  	v2 =	vld [tilespmem:s2+$0x80]  }
0x17e: {  	v3 =	vld [tilespmem:s2+$0x100]  }
0x17f: {  	v4 =	vld [tilespmem:s2+$0x180]  }
0x180: {  	v5 =	vld [tilespmem:s2+$0x200]  }
0x181: {  	v6 =	vld [tilespmem:s2+$0x280];
	s5 =	sor.u32 s24, s5  }
0x182: {  	v7 =	vld [tilespmem:s2+$0x300];
	s5 =	sor.u32 $0x380, s5;
	v2 =	vshll.u32 v2, $0x1  }
0x183: {  	v1 =	vor.u32 v1, v2;
	v2 =	vshll.u32 v3, $0x2;
	v3 =	vld [tilespmem:s5+$0x0]  }
0x184: {  	v20 =	vld [tilespmem:s2+$0x2000];
	v1 =	vor.u32 v2, v1;
	v2 =	vshll.u32 v4, $0x3  }
0x185: {  	v21 =	vld [tilespmem:s2+$0x2080];
	v1 =	vor.u32 v2, v1;
	v2 =	vshll.u32 v5, $0x4  }
0x186: {  	v22 =	vld [tilespmem:s2+$0x2100];
	v1 =	vor.u32 v2, v1;
	v2 =	vshll.u32 v6, $0x5  }
0x187: {  	v23 =	vld [tilespmem:s2+$0x2180];
	v1 =	vor.u32 v2, v1;
	v2 =	vshll.u32 v7, $0x6  }
0x188: {  	v1 =	vor.u32 v2, v1;
	v2 =	vshll.u32 v3, $0x7;
	v3 =	vld [tilespmem:s2+$0x2200]  }
0x189: {  	v24 =	vld [tilespmem:s2+$0x2280];
	v1 =	vor.u32 v2, v1;
	v2 =	vshll.u32 v20, $0x8  }
0x18a: {  	v25 =	vld [tilespmem:s2+$0x2300];
	v1 =	vor.u32 v2, v1;
	v2 =	vshll.u32 v21, $0x9  }
0x18b: {  	v26 =	vld [tilespmem:s2+$0x2380];
	v1 =	vor.u32 v2, v1;
	v2 =	vshll.u32 v22, $0xA  }
0x18c: {  	v27 =	vld [tilespmem:s2+$0x4000];
	v1 =	vor.u32 v2, v1;
	v2 =	vshll.u32 v23, $0xB  }
0x18d: {  	v1 =	vor.u32 v2, v1;
	v2 =	vshll.u32 v3, $0xC;
	v3 =	vld [tilespmem:s2+$0x4080]  }
0x18e: {  	v28 =	vld [tilespmem:s2+$0x4100];
	v1 =	vor.u32 v2, v1;
	v2 =	vshll.u32 v24, $0xD  }
0x18f: {  	v29 =	vld [tilespmem:s2+$0x4180];
	v1 =	vor.u32 v2, v1;
	v2 =	vshll.u32 v25, $0xE  }
0x190: {  	v30 =	vld [tilespmem:s2+$0x4200];
	v1 =	vor.u32 v2, v1;
	v2 =	vshll.u32 v26, $0xF  }
0x191: {  	v31 =	vld [tilespmem:s2+$0x4280];
	v1 =	vor.u32 v2, v1;
	v2 =	vshll.u32 v27, $0x10  }
0x192: {  	v1 =	vor.u32 v2, v1;
	v2 =	vshll.u32 v3, $0x11;
	v3 =	vld [tilespmem:s2+$0x4300]  }
0x193: {  	v32 =	vld [tilespmem:s2+$0x4380];
	v1 =	vor.u32 v2, v1;
	v2 =	vshll.u32 v28, $0x12  }
0x194: {  	v33 =	vld [tilespmem:s2+$0x6000];
	v1 =	vor.u32 v2, v1;
	v2 =	vshll.u32 v29, $0x13  }
0x195: {  	v34 =	vld [tilespmem:s2+$0x6080];
	v1 =	vor.u32 v2, v1;
	v2 =	vshll.u32 v30, $0x14  }
0x196: {  	v35 =	vld [tilespmem:s2+$0x6100];
	v1 =	vor.u32 v2, v1;
	v2 =	vshll.u32 v31, $0x15  }
0x197: {  	v1 =	vor.u32 v2, v1;
	v2 =	vshll.u32 v3, $0x16;
	v3 =	vld [tilespmem:s2+$0x6180]  }
0x198: {  	v36 =	vld [tilespmem:s2+$0x6200];
	v1 =	vor.u32 v2, v1;
	v2 =	vshll.u32 v32, $0x17  }
0x199: {  	v37 =	vld [tilespmem:s2+$0x6280];
	v1 =	vor.u32 v2, v1;
	v2 =	vshll.u32 v33, $0x18  }
0x19a: {  	v38 =	vld [tilespmem:s2+$0x6300];
	v1 =	vor.u32 v2, v1;
	v2 =	vshll.u32 v34, $0x19  }
0x19b: {  	v39 =	vld [tilespmem:s2+$0x6380];
	v1 =	vor.u32 v2, v1;
	v2 =	vshll.u32 v35, $0x1A  }
0x19c: {  	v1 =	vor.u32 v2, v1;
	v2 =	vshll.u32 v3, $0x1B  }
0x19d: {  	v1 =	vor.u32 v2, v1;
	v2 =	vshll.u32 v36, $0x1C  }
0x19e: {  	v1 =	vor.u32 v2, v1;
	v2 =	vshll.u32 v37, $0x1D  }
0x19f: {  	v1 =	vor.u32 v2, v1;
	v2 =	vshll.u32 v38, $0x1E  }
0x1a0: {  	v1 =	vor.u32 v2, v1;
	v2 =	vshll.u32 v39, $0x1F  }
0x1a1: {  	s23 =	sadd.s32 $0x10, s23;
	v1 =	vor.u32 v2, v1  }
0x1a2: {  	[tilespmem:s23+$0xFFFFFC00] =	vst v1;
	v1 =	vxor.u32 $0xFFFFFFFF, v1  }
0x1a3: {  	[tilespmem:s23+$0x0] =	vst v1  }
0x1a4: {  	s24 =	simm.s32 $0x300;
	s6 =	simm.s32 $0x1800;
	_ =	swait.ge [sflag:s30], $0x2000  }
0x1a5: {  	s25 =	sand.u32 $0x70, s24;
	s7 =	sand.u32 $0x1C00, s6;
	[sflag:s30] =	ssyncset.done $0x0  }
0x1a6: {  	s2 =	sor.u32 s25, s7;
	[sflag:s30] =	ssyncadd.s32 $0xFFFFE000  }
0x1a7: {  	v1 =	vld [tilespmem:s2+$0x0]  }
0x1a8: {  	v2 =	vld [tilespmem:s2+$0x80]  }
0x1a9: {  	v3 =	vld [tilespmem:s2+$0x100]  }
0x1aa: {  	v40 =	vld [tilespmem:s2+$0x180]  }
0x1ab: {  	v41 =	vld [tilespmem:s2+$0x200]  }
0x1ac: {  	s5 =	sor.u32 s6, s24;
	v42 =	vld [tilespmem:s2+$0x280]  }
0x1ad: {  	s5 =	sor.u32 $0x380, s5;
	v43 =	vld [tilespmem:s2+$0x300];
	v2 =	vshll.u32 v2, $0x1  }
0x1ae: {  	v1 =	vor.u32 v1, v2;
	v2 =	vshll.u32 v3, $0x2;
	v3 =	vld [tilespmem:s5+$0x0]  }
0x1af: {  	v44 =	vld [tilespmem:s2+$0x2000];
	v1 =	vor.u32 v2, v1;
	v2 =	vshll.u32 v40, $0x3  }
0x1b0: {  	v45 =	vld [tilespmem:s2+$0x2080];
	v1 =	vor.u32 v2, v1;
	v2 =	vshll.u32 v41, $0x4  }
0x1b1: {  	v46 =	vld [tilespmem:s2+$0x2100];
	v1 =	vor.u32 v2, v1;
	v2 =	vshll.u32 v42, $0x5  }
0x1b2: {  	v47 =	vld [tilespmem:s2+$0x2180];
	v1 =	vor.u32 v2, v1;
	v2 =	vshll.u32 v43, $0x6  }
0x1b3: {  	v1 =	vor.u32 v2, v1;
	v2 =	vshll.u32 v3, $0x7;
	v3 =	vld [tilespmem:s2+$0x2200]  }
0x1b4: {  	v48 =	vld [tilespmem:s2+$0x2280];
	v1 =	vor.u32 v2, v1;
	v2 =	vshll.u32 v44, $0x8  }
0x1b5: {  	v49 =	vld [tilespmem:s2+$0x2300];
	v1 =	vor.u32 v2, v1;
	v2 =	vshll.u32 v45, $0x9  }
0x1b6: {  	v50 =	vld [tilespmem:s2+$0x2380];
	v1 =	vor.u32 v2, v1;
	v2 =	vshll.u32 v46, $0xA  }
0x1b7: {  	v51 =	vld [tilespmem:s2+$0x4000];
	v1 =	vor.u32 v2, v1;
	v2 =	vshll.u32 v47, $0xB  }
0x1b8: {  	v1 =	vor.u32 v2, v1;
	v2 =	vshll.u32 v3, $0xC;
	v3 =	vld [tilespmem:s2+$0x4080]  }
0x1b9: {  	v52 =	vld [tilespmem:s2+$0x4100];
	v1 =	vor.u32 v2, v1;
	v2 =	vshll.u32 v48, $0xD  }
0x1ba: {  	v53 =	vld [tilespmem:s2+$0x4180];
	v1 =	vor.u32 v2, v1;
	v2 =	vshll.u32 v49, $0xE  }
0x1bb: {  	v54 =	vld [tilespmem:s2+$0x4200];
	v1 =	vor.u32 v2, v1;
	v2 =	vshll.u32 v50, $0xF  }
0x1bc: {  	v55 =	vld [tilespmem:s2+$0x4280];
	v1 =	vor.u32 v2, v1;
	v2 =	vshll.u32 v51, $0x10  }
0x1bd: {  	v1 =	vor.u32 v2, v1;
	v2 =	vshll.u32 v3, $0x11;
	v3 =	vld [tilespmem:s2+$0x4300]  }
0x1be: {  	v56 =	vld [tilespmem:s2+$0x4380];
	v1 =	vor.u32 v2, v1;
	v2 =	vshll.u32 v52, $0x12  }
0x1bf: {  	v57 =	vld [tilespmem:s2+$0x6000];
	v1 =	vor.u32 v2, v1;
	v2 =	vshll.u32 v53, $0x13  }
0x1c0: {  	v58 =	vld [tilespmem:s2+$0x6080];
	v1 =	vor.u32 v2, v1;
	v2 =	vshll.u32 v54, $0x14  }
0x1c1: {  	v59 =	vld [tilespmem:s2+$0x6100];
	v1 =	vor.u32 v2, v1;
	v2 =	vshll.u32 v55, $0x15  }
0x1c2: {  	v1 =	vor.u32 v2, v1;
	v2 =	vshll.u32 v3, $0x16;
	v3 =	vld [tilespmem:s2+$0x6180]  }
0x1c3: {  	v60 =	vld [tilespmem:s2+$0x6200];
	v1 =	vor.u32 v2, v1;
	v2 =	vshll.u32 v56, $0x17  }
0x1c4: {  	v61 =	vld [tilespmem:s2+$0x6280];
	v1 =	vor.u32 v2, v1;
	v2 =	vshll.u32 v57, $0x18  }
0x1c5: {  	v62 =	vld [tilespmem:s2+$0x6300];
	v1 =	vor.u32 v2, v1;
	v2 =	vshll.u32 v58, $0x19  }
0x1c6: {  	v63 =	vld [tilespmem:s2+$0x6380];
	v1 =	vor.u32 v2, v1;
	v2 =	vshll.u32 v59, $0x1A  }
0x1c7: {  	v1 =	vor.u32 v2, v1;
	v2 =	vshll.u32 v3, $0x1B  }
0x1c8: {  	v1 =	vor.u32 v2, v1;
	v2 =	vshll.u32 v60, $0x1C  }
0x1c9: {  	v1 =	vor.u32 v2, v1;
	v2 =	vshll.u32 v61, $0x1D  }
0x1ca: {  	v1 =	vor.u32 v2, v1;
	v2 =	vshll.u32 v62, $0x1E  }
0x1cb: {  	v1 =	vor.u32 v2, v1;
	v2 =	vshll.u32 v63, $0x1F  }
0x1cc: {  	s24 =	simm.s32 $0x1880;
	s23 =	simm.s32 $0xC701;
	s5 =	simm.s32 $0x310;
	v1 =	vor.u32 v2, v1  }
0x1cd: {  	s25 =	sand.u32 $0x1C00, s24;
	s7 =	sand.u32 $0x70, s5;
	[tilespmem:s23+$0xFFFFFC00] =	vst v1;
	v1 =	vxor.u32 $0xFFFFFFFF, v1  }
0x1ce: {  	s2 =	sor.u32 s7, s25;
	s25 =	simm.s32 $0x320;
	[tilespmem:s23+$0x0] =	vst v1  }
.LBB2_8:
0x1cf: {  	p0 =	sne.s32 s25, $0x3F0;
	v1 =	vld [tilespmem:s2+$0x0]  }
0x1d0: {  	v2 =	vld [tilespmem:s2+$0x80]  }
0x1d1: {  	v3 =	vld [tilespmem:s2+$0x100]  }
0x1d2: {  	v4 =	vld [tilespmem:s2+$0x180]  }
0x1d3: {  	v5 =	vld [tilespmem:s2+$0x200]  }
0x1d4: {  	s6 =	sor.u32 s24, s5;
	s5 =	smov.u32 s25;
	v6 =	vld [tilespmem:s2+$0x280]  }
0x1d5: {  	s6 =	sor.u32 $0x380, s6;
	v2 =	vshll.u32 v2, $0x1;
	v7 =	vld [tilespmem:s2+$0x300]  }
0x1d6: {  	v1 =	vor.u32 v1, v2;
	v2 =	vshll.u32 v3, $0x2;
	v3 =	vld [tilespmem:s6+$0x0]  }
0x1d7: {  	v1 =	vor.u32 v2, v1;
	v2 =	vshll.u32 v4, $0x3;
	v4 =	vld [tilespmem:s2+$0x2000]  }
0x1d8: {  	v1 =	vor.u32 v2, v1;
	v2 =	vshll.u32 v5, $0x4;
	v5 =	vld [tilespmem:s2+$0x2080]  }
0x1d9: {  	v1 =	vor.u32 v2, v1;
	v2 =	vshll.u32 v6, $0x5;
	v6 =	vld [tilespmem:s2+$0x2100]  }
0x1da: {  	v1 =	vor.u32 v2, v1;
	v2 =	vshll.u32 v7, $0x6;
	v7 =	vld [tilespmem:s2+$0x2180]  }
0x1db: {  	v1 =	vor.u32 v2, v1;
	v2 =	vshll.u32 v3, $0x7;
	v3 =	vld [tilespmem:s2+$0x2200]  }
0x1dc: {  	v1 =	vor.u32 v2, v1;
	v2 =	vshll.u32 v4, $0x8;
	v4 =	vld [tilespmem:s2+$0x2280]  }
0x1dd: {  	v1 =	vor.u32 v2, v1;
	v2 =	vshll.u32 v5, $0x9;
	v5 =	vld [tilespmem:s2+$0x2300]  }
0x1de: {  	v1 =	vor.u32 v2, v1;
	v2 =	vshll.u32 v6, $0xA;
	v6 =	vld [tilespmem:s2+$0x2380]  }
0x1df: {  	v1 =	vor.u32 v2, v1;
	v2 =	vshll.u32 v7, $0xB;
	v7 =	vld [tilespmem:s2+$0x4000]  }
0x1e0: {  	v1 =	vor.u32 v2, v1;
	v2 =	vshll.u32 v3, $0xC;
	v3 =	vld [tilespmem:s2+$0x4080]  }
0x1e1: {  	v1 =	vor.u32 v2, v1;
	v2 =	vshll.u32 v4, $0xD;
	v4 =	vld [tilespmem:s2+$0x4100]  }
0x1e2: {  	v1 =	vor.u32 v2, v1;
	v2 =	vshll.u32 v5, $0xE;
	v5 =	vld [tilespmem:s2+$0x4180]  }
0x1e3: {  	v1 =	vor.u32 v2, v1;
	v2 =	vshll.u32 v6, $0xF;
	v6 =	vld [tilespmem:s2+$0x4200]  }
0x1e4: {  	v1 =	vor.u32 v2, v1;
	v2 =	vshll.u32 v7, $0x10;
	v7 =	vld [tilespmem:s2+$0x4280]  }
0x1e5: {  	v1 =	vor.u32 v2, v1;
	v2 =	vshll.u32 v3, $0x11;
	v3 =	vld [tilespmem:s2+$0x4300]  }
0x1e6: {  	v1 =	vor.u32 v2, v1;
	v2 =	vshll.u32 v4, $0x12;
	v4 =	vld [tilespmem:s2+$0x4380]  }
0x1e7: {  	v1 =	vor.u32 v2, v1;
	v2 =	vshll.u32 v5, $0x13;
	v5 =	vld [tilespmem:s2+$0x6000]  }
0x1e8: {  	v1 =	vor.u32 v2, v1;
	v2 =	vshll.u32 v6, $0x14;
	v6 =	vld [tilespmem:s2+$0x6080]  }
0x1e9: {  	v1 =	vor.u32 v2, v1;
	v2 =	vshll.u32 v7, $0x15;
	v7 =	vld [tilespmem:s2+$0x6100]  }
0x1ea: {  	v1 =	vor.u32 v2, v1;
	v2 =	vshll.u32 v3, $0x16;
	v3 =	vld [tilespmem:s2+$0x6180]  }
0x1eb: {  	v1 =	vor.u32 v2, v1;
	v2 =	vshll.u32 v4, $0x17;
	v4 =	vld [tilespmem:s2+$0x6200]  }
0x1ec: {  	v1 =	vor.u32 v2, v1;
	v2 =	vshll.u32 v5, $0x18;
	v5 =	vld [tilespmem:s2+$0x6280]  }
0x1ed: {  	v1 =	vor.u32 v2, v1;
	v2 =	vshll.u32 v6, $0x19;
	v6 =	vld [tilespmem:s2+$0x6300]  }
0x1ee: {  	v1 =	vor.u32 v2, v1;
	v2 =	vshll.u32 v7, $0x1A;
	v7 =	vld [tilespmem:s2+$0x6380]  }
0x1ef: {  	v1 =	vor.u32 v2, v1;
	v2 =	vshll.u32 v3, $0x1B  }
0x1f0: {  	v1 =	vor.u32 v2, v1;
	v2 =	vshll.u32 v4, $0x1C  }
0x1f1: {  	v1 =	vor.u32 v2, v1;
	v2 =	vshll.u32 v5, $0x1D  }
.Ltmp3:
0x1f2: {  	v1 =	vor.u32 v2, v1;
	v2 =	vshll.u32 v6, $0x1E;
	(pc) =	sbr.rel @p0 .LBB2_8-.Ltmp3, $4  }
0x1f3: {  	v1 =	vor.u32 v2, v1;
	v2 =	vshll.u32 v7, $0x1F  }
0x1f4: {  	s24 =	sadd.s32 $0x80, s24;
	s23 =	sadd.s32 $0x10, s23;
	v1 =	vor.u32 v2, v1  }
0x1f5: {  	s6 =	sand.u32 $0x1C00, s24;
	s2 =	sand.u32 $0x70, s25;
	[tilespmem:s23+$0xFFFFFC00] =	vst v1;
	v1 =	vxor.u32 $0xFFFFFFFF, v1  }
0x1f6: {  	s25 =	sadd.s32 $0x10, s25;
	s2 =	sor.u32 s2, s6;
	[tilespmem:s23+$0x0] =	vst v1  }
0x1f7: {  	v1 =	vld [tilespmem:s2+$0x0]  }
0x1f8: {  	v2 =	vld [tilespmem:s2+$0x80]  }
0x1f9: {  	v3 =	vld [tilespmem:s2+$0x100]  }
0x1fa: {  	v4 =	vld [tilespmem:s2+$0x180]  }
0x1fb: {  	v5 =	vld [tilespmem:s2+$0x200]  }
0x1fc: {  	v6 =	vld [tilespmem:s2+$0x280];
	s5 =	sor.u32 s24, s5  }
0x1fd: {  	v7 =	vld [tilespmem:s2+$0x300];
	s5 =	sor.u32 $0x380, s5;
	v2 =	vshll.u32 v2, $0x1  }
0x1fe: {  	v1 =	vor.u32 v1, v2;
	v2 =	vshll.u32 v3, $0x2;
	v3 =	vld [tilespmem:s5+$0x0]  }
0x1ff: {  	v44 =	vld [tilespmem:s2+$0x2000];
	v1 =	vor.u32 v2, v1;
	v2 =	vshll.u32 v4, $0x3  }
0x200: {  	v45 =	vld [tilespmem:s2+$0x2080];
	v1 =	vor.u32 v2, v1;
	v2 =	vshll.u32 v5, $0x4  }
0x201: {  	v46 =	vld [tilespmem:s2+$0x2100];
	v1 =	vor.u32 v2, v1;
	v2 =	vshll.u32 v6, $0x5  }
0x202: {  	v47 =	vld [tilespmem:s2+$0x2180];
	v1 =	vor.u32 v2, v1;
	v2 =	vshll.u32 v7, $0x6  }
0x203: {  	v1 =	vor.u32 v2, v1;
	v2 =	vshll.u32 v3, $0x7;
	v3 =	vld [tilespmem:s2+$0x2200]  }
0x204: {  	v48 =	vld [tilespmem:s2+$0x2280];
	v1 =	vor.u32 v2, v1;
	v2 =	vshll.u32 v44, $0x8  }
0x205: {  	v49 =	vld [tilespmem:s2+$0x2300];
	v1 =	vor.u32 v2, v1;
	v2 =	vshll.u32 v45, $0x9  }
0x206: {  	v50 =	vld [tilespmem:s2+$0x2380];
	v1 =	vor.u32 v2, v1;
	v2 =	vshll.u32 v46, $0xA  }
0x207: {  	v51 =	vld [tilespmem:s2+$0x4000];
	v1 =	vor.u32 v2, v1;
	v2 =	vshll.u32 v47, $0xB  }
0x208: {  	v1 =	vor.u32 v2, v1;
	v2 =	vshll.u32 v3, $0xC;
	v3 =	vld [tilespmem:s2+$0x4080]  }
0x209: {  	v52 =	vld [tilespmem:s2+$0x4100];
	v1 =	vor.u32 v2, v1;
	v2 =	vshll.u32 v48, $0xD  }
0x20a: {  	v53 =	vld [tilespmem:s2+$0x4180];
	v1 =	vor.u32 v2, v1;
	v2 =	vshll.u32 v49, $0xE  }
0x20b: {  	v54 =	vld [tilespmem:s2+$0x4200];
	v1 =	vor.u32 v2, v1;
	v2 =	vshll.u32 v50, $0xF  }
0x20c: {  	v55 =	vld [tilespmem:s2+$0x4280];
	v1 =	vor.u32 v2, v1;
	v2 =	vshll.u32 v51, $0x10  }
0x20d: {  	v1 =	vor.u32 v2, v1;
	v2 =	vshll.u32 v3, $0x11;
	v3 =	vld [tilespmem:s2+$0x4300]  }
0x20e: {  	v56 =	vld [tilespmem:s2+$0x4380];
	v1 =	vor.u32 v2, v1;
	v2 =	vshll.u32 v52, $0x12  }
0x20f: {  	v57 =	vld [tilespmem:s2+$0x6000];
	v1 =	vor.u32 v2, v1;
	v2 =	vshll.u32 v53, $0x13  }
0x210: {  	v58 =	vld [tilespmem:s2+$0x6080];
	v1 =	vor.u32 v2, v1;
	v2 =	vshll.u32 v54, $0x14  }
0x211: {  	v59 =	vld [tilespmem:s2+$0x6100];
	v1 =	vor.u32 v2, v1;
	v2 =	vshll.u32 v55, $0x15  }
0x212: {  	v1 =	vor.u32 v2, v1;
	v2 =	vshll.u32 v3, $0x16;
	v3 =	vld [tilespmem:s2+$0x6180]  }
0x213: {  	v60 =	vld [tilespmem:s2+$0x6200];
	v1 =	vor.u32 v2, v1;
	v2 =	vshll.u32 v56, $0x17  }
0x214: {  	v61 =	vld [tilespmem:s2+$0x6280];
	v1 =	vor.u32 v2, v1;
	v2 =	vshll.u32 v57, $0x18  }
0x215: {  	v62 =	vld [tilespmem:s2+$0x6300];
	v1 =	vor.u32 v2, v1;
	v2 =	vshll.u32 v58, $0x19  }
0x216: {  	v63 =	vld [tilespmem:s2+$0x6380];
	v1 =	vor.u32 v2, v1;
	v2 =	vshll.u32 v59, $0x1A  }
0x217: {  	v1 =	vor.u32 v2, v1;
	v2 =	vshll.u32 v3, $0x1B  }
0x218: {  	v1 =	vor.u32 v2, v1;
	v2 =	vshll.u32 v60, $0x1C  }
0x219: {  	v1 =	vor.u32 v2, v1;
	v2 =	vshll.u32 v61, $0x1D  }
0x21a: {  	v1 =	vor.u32 v2, v1;
	v2 =	vshll.u32 v62, $0x1E  }
0x21b: {  	v1 =	vor.u32 v2, v1;
	v2 =	vshll.u32 v63, $0x1F  }
0x21c: {  	s25 =	sadd.s32 $0x10, s23;
	v1 =	vor.u32 v2, v1  }
0x21d: {  	[tilespmem:s25+$0xFFFFFC00] =	vst v1;
	v1 =	vxor.u32 $0xFFFFFFFF, v1  }
0x21e: {  	[tilespmem:s25+$0x0] =	vst v1  }
0x21f: {  	_ =	swait.ge [sflag:s31], $0x4000  }
0x220: {  	s23 =	simm.s32 $0x0;
	[sflag:s31] =	ssyncset.done $0x0  }
0x221: {  	s24 =	simm.s32 $0x0;
	s25 =	simm.s32 $0x0;
	[sflag:s31] =	ssyncadd.s32 $0xFFFFC000  }
.LBB2_10:
0x222: {  	s2 =	sshll.u32 s24, $0x2;
	s5 =	sand.u32 $0x7, s23  }
0x223: {  	s2 =	sand.u32 $0xFFFFFE00, s2;
	s5 =	sshll.u32 s5, $0x6  }
0x224: {  	s2 =	sor.u32 s5, s2  }
0x225: {  	s2 =	sshrl.u32 s2, $0x2  }
0x226: {  	s2 =	sadd.s32 $0x8400, s2  }
0x227: {  	v1 =	vld [tilespmem:s2+$0x100];
	_ =	sdelay $0x1  }
0x228: {  	v3 =	vld [tilespmem:s2+$0xFFFFFC00]  }
0x229: {  	v2 =	vld [tilespmem:s2+$0xFFFFFD00];
	_ =	sdelay $0x1  }
0x22a: {  	v5 =	vld [tilespmem:s2+$0xFFFFFE00];
	v6 =	vunpack.i.l.s16.s32 v1  }
0x22b: {  	v4 =	vld [tilespmem:s2+$0xFFFFFF00];
	v11 =	vunpack.i.u.s16.s32 v1  }
0x22c: {  	v7 =	vld [tilespmem:s2+$0x0];
	v9 =	vunpack.i.l.s16.s32 v3  }
0x22d: {  	v14 =	vld [tilespmem:s2+$0x200];
	v12 =	vunpack.i.u.s16.s32 v2  }
0x22e: {  	v15 =	vld [tilespmem:s2+$0x300];
	v13 =	vunpack.i.l.s16.s32 v2  }
0x22f: {  	v16 =	vunpack.i.u.s16.s32 v5;
	v2 =	vld.idx.msk [tilespmem:v6+s0+$0x0], $0xffff  }
0x230: {  	v17 =	vunpack.i.u.s16.s32 v4;
	v1 =	vld.idx.msk [tilespmem:v11+s0+$0x0], $0xffff  }
0x231: {  	v18 =	vunpack.i.u.s16.s32 v7;
	v19 =	vld.idx.msk [tilespmem:v9+s0+$0x0], $0xffff  }
0x232: {  	v3 =	vunpack.i.u.s16.s32 v3;
	v8 =	vld.idx.msk [tilespmem:v12+s0+$0x0], $0xffff  }
0x233: {  	v23 =	vunpack.i.l.s16.s32 v14;
	v21 =	vld.idx.msk [tilespmem:v13+s0+$0x0], $0xffff  }
0x234: {  	v22 =	vunpack.i.l.s16.s32 v7;
	v7 =	vld.idx.msk [tilespmem:v16+s0+$0x0], $0xffff  }
0x235: {  	v20 =	vunpack.i.l.s16.s32 v4;
	v4 =	vld.idx.msk [tilespmem:v17+s0+$0x0], $0xffff  }
0x236: {  	v24 =	vunpack.i.l.s16.s32 v15;
	v25 =	vunpack.i.l.s16.s32 v5;
	v5 =	vor.u32 v18, v22;
	v10 =	vld.idx.msk [tilespmem:v18+s0+$0x0], $0xffff  }
0x237: {  	v5 =	vor.u32 v11, v5;
	v26 =	vld.idx.msk [tilespmem:v3+s0+$0x0], $0xffff  }
0x238: {  	s6 =	sadd.s32 $0x800, s2;
	v5 =	vor.u32 v6, v5;
	v9 =	vor.u32 v3, v9;
	v6 =	vld.idx.msk [tilespmem:v23+s0+$0x0], $0xffff  }
0x239: {  	v11 =	vunpack.i.u.s16.s32 v14;
	v18 =	vld [tilespmem:s6+$0x100];
	v3 =	vor.u32 v12, v9  }
0x23a: {  	v9 =	vld.idx.msk [tilespmem:v20+s0+$0x0], $0xffff;
	v12 =	vor.u32 v11, v5;
	v3 =	vor.u32 v13, v3  }
0x23b: {  	v5 =	vld.idx.msk [tilespmem:v24+s0+$0x0], $0xffff;
	v14 =	vor.u32 v23, v12;
	v12 =	vunpack.i.u.s16.s32 v15;
	v3 =	vor.u32 v16, v3  }
0x23c: {  	v13 =	vld.idx.msk [tilespmem:v22+s0+$0x0], $0xffff;
	v14 =	vor.u32 v12, v14;
	v3 =	vor.u32 v25, v3  }
0x23d: {  	s2 =	sshll.u32 s25, $0x4;
	v15 =	vld.idx.msk [tilespmem:v25+s0+$0x0], $0xffff;
	v14 =	vor.u32 v24, v14;
	v16 =	vor.u32 v17, v3;
	v19 =	vand.u32 v19, v26  }
0x23e: {  	s7 =	simm.s32 $0x2;
	s5 =	sand.u32 $0x70, s2;
	v3 =	vimm.s32 $0x0;
	v17 =	vor.u32 v20, v16;
	v16 =	vld [tilespmem:s6+$0xFFFFFC00];
	v19 =	vand.u32 v21, v19  }
.LBB2_11:
0x23f: {  	s7 =	sadd.s32 $0x2, s7;
	v20 =	vld [tilespmem:s6+$0xFFFFFD00]  }
0x240: {  	vm1 =	veq.s32 v17, $0x0;
	p0 =	slt.u32 s7, $0xE;
	v21 =	vld [tilespmem:s6+$0x0]  }
0x241: {  	v8 =	vand.u32 v8, v19;
	v10 =	vand.u32 v13, v10;
	vm0 =	veq.s32 v14, $0x0;
	v17 =	vld [tilespmem:s6+$0xFFFFFE00]  }
0x242: {  	v8 =	vand.u32 v15, v8;
	v13 =	vunpack.i.u.s16.s32 v18;
	v14 =	vunpack.i.l.s16.s32 v18;
	v15 =	vld.idx.msk [tilespmem:v11+s0+$0x0], $0xffff  }
0x243: {  	v7 =	vand.u32 v7, v8;
	v18 =	vunpack.i.u.s16.s32 v16;
	v11 =	vunpack.i.l.s16.s32 v16;
	v16 =	vld [tilespmem:s6+$0xFFFFFF00]  }
0x244: {  	v7 =	vand.u32 v9, v7;
	v8 =	vor.u32 v18, v11;
	v19 =	vunpack.i.u.s16.s32 v20;
	v22 =	vld [tilespmem:s6+$0x200]  }
0x245: {  	v2 =	vand.u32 v2, v10;
	v9 =	vor.u32 v19, v8;
	v23 =	vunpack.i.u.s16.s32 v21;
	v10 =	vld.idx.msk [tilespmem:v12+s0+$0x0], $0xffff  }
0x246: {  	v12 =	vunpack.i.l.s16.s32 v20;
	v20 =	vunpack.i.l.s16.s32 v21;
	v8 =	vand.u32 v1, v2;
	v21 =	vld [tilespmem:s6+$0x300]  }
0x247: {  	v4 =	vand.u32 v4, v7;
	v24 =	vunpack.i.u.s16.s32 v17;
	v25 =	vor.u32 v23, v20;
	v2 =	vld.idx.msk [tilespmem:v14+s0+$0x0], $0xffff  }
0x248: {  	v4 =	vsel vm1, $0x0, v4;
	v7 =	vor.u32 v13, v25;
	v26 =	vunpack.i.u.s16.s32 v16;
	v1 =	vld.idx.msk [tilespmem:v13+s0+$0x0], $0xffff  }
0x249: {  	v27 =	vunpack.i.l.s16.s32 v17;
	v6 =	vand.u32 v6, v8;
	v16 =	vunpack.i.l.s16.s32 v16;
	v25 =	vld.idx.msk [tilespmem:v11+s0+$0x0], $0xffff  }
0x24a: {  	v6 =	vand.u32 v15, v6;
	v11 =	vunpack.i.u.s16.s32 v22;
	v8 =	vld.idx.msk [tilespmem:v19+s0+$0x0], $0xffff;
	v19 =	vunpack.i.l.s16.s32 v22  }
0x24b: {  	v9 =	vor.u32 v12, v9;
	v5 =	vand.u32 v5, v6;
	v22 =	vld.idx.msk [tilespmem:v12+s0+$0x0], $0xffff;
	v12 =	vor.u32 v14, v7  }
0x24c: {  	v3 =	vor.u32 v3, v4;
	v5 =	vand.u32 v10, v5;
	v7 =	vld.idx.msk [tilespmem:v24+s0+$0x0], $0xffff;
	v6 =	vor.u32 v11, v12  }
0x24d: {  	v5 =	vsel vm0, $0x0, v5;
	v12 =	vunpack.i.u.s16.s32 v21;
	v4 =	vld.idx.msk [tilespmem:v26+s0+$0x0], $0xffff;
	v6 =	vor.u32 v19, v6  }
0x24e: {  	v15 =	vunpack.i.l.s16.s32 v21;
	v3 =	vor.u32 v5, v3;
	v10 =	vld.idx.msk [tilespmem:v23+s0+$0x0], $0xffff;
	v6 =	vor.u32 v12, v6  }
0x24f: {  	v5 =	vor.u32 v24, v9;
	v21 =	vld.idx.msk [tilespmem:v18+s0+$0x0], $0xffff;
	v14 =	vor.u32 v15, v6  }
0x250: {  	v5 =	vor.u32 v27, v5;
	v9 =	vld.idx.msk [tilespmem:v16+s0+$0x0], $0xffff  }
0x251: {  	v5 =	vor.u32 v26, v5;
	v13 =	vld.idx.msk [tilespmem:v20+s0+$0x0], $0xffff  }
.Ltmp4:
0x252: {  	v17 =	vor.u32 v16, v5;
	v6 =	vld.idx.msk [tilespmem:v19+s0+$0x0], $0xffff;
	(pc) =	sbr.rel @p0 .LBB2_11-.Ltmp4, $4  }
0x253: {  	v5 =	vld.idx.msk [tilespmem:v15+s0+$0x0], $0xffff  }
0x254: {  	s6 =	sadd.s32 $0x800, s6;
	v15 =	vld.idx.msk [tilespmem:v27+s0+$0x0], $0xffff  }
0x255: {  	v19 =	vand.u32 v25, v21;
	v18 =	vld [tilespmem:s6+$0x100]  }
0x256: {  	v19 =	vand.u32 v22, v19;
	v16 =	vld [tilespmem:s6+$0xFFFFFC00]  }
0x257: {  	_ = 	snop  }
0x258: {  	v20 =	vld [tilespmem:s6+$0xFFFFFD00]  }
0x259: {  	v21 =	vld [tilespmem:s6+$0x0]  }
0x25a: {  	v22 =	vld [tilespmem:s6+$0xFFFFFE00]  }
0x25b: {  	v11 =	vld.idx.msk [tilespmem:v11+s0+$0x0], $0xffff;
	v23 =	vunpack.i.l.s16.s32 v18  }
0x25c: {  	v24 =	vld [tilespmem:s6+$0xFFFFFF00];
	v42 =	vunpack.i.u.s16.s32 v18  }
0x25d: {  	v26 =	vld [tilespmem:s6+$0x200];
	v25 =	vunpack.i.l.s16.s32 v16  }
0x25e: {  	v12 =	vld.idx.msk [tilespmem:v12+s0+$0x0], $0xffff;
	v46 =	vunpack.i.u.s16.s32 v16  }
0x25f: {  	v28 =	vld [tilespmem:s6+$0x300];
	v27 =	vunpack.i.u.s16.s32 v20  }
0x260: {  	v20 =	vunpack.i.l.s16.s32 v20;
	v30 =	vld.idx.msk [tilespmem:v23+s0+$0x0], $0xffff  }
0x261: {  	v8 =	vand.u32 v8, v19;
	v29 =	vunpack.i.u.s16.s32 v22;
	v31 =	vld.idx.msk [tilespmem:v42+s0+$0x0], $0xffff  }
0x262: {  	vm0 =	veq.s32 v17, $0x0;
	v10 =	vand.u32 v13, v10;
	v43 =	vunpack.i.u.s16.s32 v24;
	v45 =	vld.idx.msk [tilespmem:v25+s0+$0x0], $0xffff  }
0x263: {  	vm1 =	veq.s32 v14, $0x0;
	v2 =	vand.u32 v2, v10;
	v44 =	vunpack.i.u.s16.s32 v21;
	v13 =	vld.idx.msk [tilespmem:v46+s0+$0x0], $0xffff  }
0x264: {  	v8 =	vand.u32 v15, v8;
	v1 =	vand.u32 v1, v2;
	v48 =	vunpack.i.l.s16.s32 v21;
	v47 =	vld.idx.msk [tilespmem:v27+s0+$0x0], $0xffff  }
0x265: {  	v7 =	vand.u32 v7, v8;
	v1 =	vand.u32 v6, v1;
	v50 =	vunpack.i.l.s16.s32 v24;
	v49 =	vld.idx.msk [tilespmem:v20+s0+$0x0], $0xffff  }
0x266: {  	v7 =	vand.u32 v9, v7;
	v16 =	vor.u32 v46, v25;
	v2 =	vunpack.i.l.s16.s32 v22;
	v51 =	vld.idx.msk [tilespmem:v29+s0+$0x0], $0xffff  }
0x267: {  	v4 =	vand.u32 v4, v7;
	v54 =	vunpack.i.l.s16.s32 v26;
	v55 =	vunpack.i.u.s16.s32 v26;
	v52 =	vld.idx.msk [tilespmem:v43+s0+$0x0], $0xffff  }
0x268: {  	v1 =	vand.u32 v11, v1;
	v57 =	vunpack.i.l.s16.s32 v28;
	v58 =	vunpack.i.u.s16.s32 v28;
	v15 =	vld.idx.msk [tilespmem:v44+s0+$0x0], $0xffff  }
0x269: {  	v16 =	vor.u32 v27, v16;
	v53 =	vor.u32 v44, v48;
	v1 =	vand.u32 v5, v1;
	v9 =	vld.idx.msk [tilespmem:v48+s0+$0x0], $0xffff  }
0x26a: {  	v4 =	vsel vm0, $0x0, v4;
	v18 =	vor.u32 v42, v53;
	v56 =	vor.u32 v20, v16;
	v59 =	vld.idx.msk [tilespmem:v50+s0+$0x0], $0xffff  }
0x26b: {  	v1 =	vand.u32 v12, v1;
	v3 =	vor.u32 v3, v4;
	v18 =	vor.u32 v23, v18;
	v60 =	vld.idx.msk [tilespmem:v2+s0+$0x0], $0xffff  }
0x26c: {  	v1 =	vsel vm1, $0x0, v1;
	v11 =	vor.u32 v29, v56;
	v18 =	vor.u32 v55, v18;
	v7 =	vld.idx.msk [tilespmem:v54+s0+$0x0], $0xffff  }
0x26d: {  	v1 =	vor.u32 v1, v3;
	v61 =	vor.u32 v54, v18;
	v6 =	vld.idx.msk [tilespmem:v55+s0+$0x0], $0xffff;
	v3 =	vand.u32 v45, v13  }
0x26e: {  	v62 =	vld.idx.msk [tilespmem:v57+s0+$0x0], $0xffff;
	v2 =	vor.u32 v2, v11;
	v3 =	vand.u32 v49, v3;
	v9 =	vand.u32 v9, v15  }
0x26f: {  	v5 =	vld.idx.msk [tilespmem:v58+s0+$0x0], $0xffff;
	v4 =	vor.u32 v58, v61;
	v3 =	vand.u32 v47, v3;
	v63 =	vand.u32 v30, v9  }
0x270: {  	v2 =	vor.u32 v43, v2;
	v3 =	vand.u32 v60, v3;
	v8 =	vand.u32 v31, v63  }
0x271: {  	v4 =	vor.u32 v57, v4;
	v3 =	vand.u32 v51, v3;
	v7 =	vand.u32 v7, v8  }
0x272: {  	v2 =	vor.u32 v50, v2;
	v3 =	vand.u32 v59, v3;
	v6 =	vand.u32 v6, v7  }
0x273: {  	vm14 =	veq.s32 v2, $0x0;
	v2 =	vand.u32 v52, v3;
	v3 =	vand.u32 v62, v6  }
0x274: {  	vm15 =	veq.s32 v4, $0x0;
	v2 =	vsel vm14, $0x0, v2;
	v3 =	vand.u32 v5, v3  }
0x275: {  	s6 =	sshll.u32 s25, $0x7;
	v1 =	vor.u32 v1, v2;
	v2 =	vsel vm15, $0x0, v3  }
0x276: {  	s7 =	sand.u32 $0x400, s6;
	v1 =	vor.u32 v2, v1  }
0x277: {  	s5 =	sor.u32 s5, s7;
	v2 =	vand.u32 $0x1, v1;
	v3 =	vshrl.u32 v1, $0x1  }
0x278: {  	[tilespmem:s5+$0xC880] =	vst v2;
	v2 =	vand.u32 $0x1, v3;
	v3 =	vshrl.u32 v1, $0x2  }
0x279: {  	[tilespmem:s5+$0xC900] =	vst v2;
	v2 =	vand.u32 $0x1, v3;
	v3 =	vshrl.u32 v1, $0x3  }
0x27a: {  	[tilespmem:s5+$0xC980] =	vst v2;
	v2 =	vand.u32 $0x1, v3;
	v3 =	vshrl.u32 v1, $0x4  }
0x27b: {  	[tilespmem:s5+$0xCA00] =	vst v2;
	v2 =	vand.u32 $0x1, v3;
	v3 =	vshrl.u32 v1, $0x5  }
0x27c: {  	[tilespmem:s5+$0xCA80] =	vst v2;
	v2 =	vand.u32 $0x1, v3;
	v3 =	vshrl.u32 v1, $0x6  }
0x27d: {  	s2 =	sor.u32 s6, s2;
	[tilespmem:s5+$0xCB00] =	vst v2;
	v2 =	vand.u32 $0x1, v3;
	v3 =	vshrl.u32 v1, $0x7  }
0x27e: {  	s2 =	sor.u32 $0x380, s2;
	[tilespmem:s5+$0xCB80] =	vst v2;
	v2 =	vand.u32 $0x1, v3;
	v3 =	vshrl.u32 v1, $0x8  }
0x27f: {  	[tilespmem:s2+$0xC880] =	vst v2;
	v2 =	vand.u32 $0x1, v3;
	v3 =	vshrl.u32 v1, $0x9  }
0x280: {  	[tilespmem:s5+$0xD080] =	vst v2;
	v2 =	vand.u32 $0x1, v3;
	v3 =	vshrl.u32 v1, $0xA  }
0x281: {  	[tilespmem:s5+$0xD100] =	vst v2;
	v2 =	vand.u32 $0x1, v3;
	v3 =	vshrl.u32 v1, $0xB  }
0x282: {  	[tilespmem:s5+$0xD180] =	vst v2;
	v2 =	vand.u32 $0x1, v3;
	v3 =	vshrl.u32 v1, $0xC  }
0x283: {  	[tilespmem:s5+$0xD200] =	vst v2;
	v2 =	vand.u32 $0x1, v3;
	v3 =	vshrl.u32 v1, $0xD  }
0x284: {  	[tilespmem:s5+$0xD280] =	vst v2;
	v2 =	vand.u32 $0x1, v3;
	v3 =	vshrl.u32 v1, $0xE  }
0x285: {  	[tilespmem:s5+$0xD300] =	vst v2;
	v2 =	vand.u32 $0x1, v3;
	v3 =	vshrl.u32 v1, $0xF  }
0x286: {  	[tilespmem:s5+$0xD380] =	vst v2;
	v2 =	vand.u32 $0x1, v3;
	v3 =	vshrl.u32 v1, $0x10  }
0x287: {  	[tilespmem:s5+$0xD400] =	vst v2;
	v2 =	vand.u32 $0x1, v3;
	v3 =	vshrl.u32 v1, $0x11  }
0x288: {  	[tilespmem:s5+$0xD880] =	vst v2;
	v2 =	vand.u32 $0x1, v3;
	v3 =	vshrl.u32 v1, $0x12  }
0x289: {  	[tilespmem:s5+$0xD900] =	vst v2;
	v2 =	vand.u32 $0x1, v3;
	v3 =	vshrl.u32 v1, $0x13  }
0x28a: {  	[tilespmem:s5+$0xD980] =	vst v2;
	v2 =	vand.u32 $0x1, v3;
	v3 =	vshrl.u32 v1, $0x14  }
0x28b: {  	[tilespmem:s5+$0xDA00] =	vst v2;
	v2 =	vand.u32 $0x1, v3;
	v3 =	vshrl.u32 v1, $0x15  }
0x28c: {  	[tilespmem:s5+$0xDA80] =	vst v2;
	v2 =	vand.u32 $0x1, v3;
	v3 =	vshrl.u32 v1, $0x16  }
0x28d: {  	[tilespmem:s5+$0xDB00] =	vst v2;
	v2 =	vand.u32 $0x1, v3;
	v3 =	vshrl.u32 v1, $0x17  }
0x28e: {  	[tilespmem:s5+$0xDB80] =	vst v2;
	v2 =	vand.u32 $0x1, v3;
	v3 =	vshrl.u32 v1, $0x18  }
0x28f: {  	[tilespmem:s5+$0xDC00] =	vst v2;
	v2 =	vand.u32 $0x1, v3;
	v3 =	vshrl.u32 v1, $0x19  }
0x290: {  	[tilespmem:s5+$0xE080] =	vst v2;
	v2 =	vand.u32 $0x1, v3;
	v3 =	vshrl.u32 v1, $0x1A  }
0x291: {  	s25 =	sadd.s32 $0x1, s25;
	[tilespmem:s5+$0xE100] =	vst v2;
	v2 =	vand.u32 $0x1, v3;
	v3 =	vshrl.u32 v1, $0x1B  }
0x292: {  	p0 =	sne.s32 s25, $0x10;
	[tilespmem:s5+$0xE180] =	vst v2;
	v2 =	vand.u32 $0x1, v3;
	v3 =	vshrl.u32 v1, $0x1C  }
.Ltmp5:
0x293: {  	[tilespmem:s5+$0xE200] =	vst v2;
	v2 =	vand.u32 $0x1, v3;
	v3 =	vshrl.u32 v1, $0x1D;
	(pc) =	sbr.rel @p0 .LBB2_10-.Ltmp5, $4  }
0x294: {  	[tilespmem:s5+$0xE280] =	vst v2;
	v2 =	vand.u32 $0x1, v3  }
0x295: {  	v3 =	vshrl.u32 v1, $0x1E;
	v1 =	vshrl.u32 v1, $0x1F;
	[tilespmem:s5+$0xE300] =	vst v2  }
0x296: {  	v2 =	vand.u32 $0x1, v3;
	[tilespmem:s5+$0xE400] =	vst v1  }
0x297: {  	s24 =	sadd.s32 $0x10, s24;
	s23 =	sadd.s32 $0x1, s23;
	[tilespmem:s5+$0xE380] =	vst v2  }
0x298: {  	s22 =	sadd.s32 $0x1, s22  }
0x299: {  	p0 =	sne.s32 s22, s9  }
.Ltmp6:
0x29a: {  	s2 =	simm.s32 $0xC880;
	(pc) =	sbr.rel @p0 .LBB2_1-.Ltmp6, $4  }
0x29b: {  	[hbm4b:s8+s3] =	stream.linear.scatter [tilespmem:s2], [sflag:$0x6], $0x2000, $0x38;
	[tilespmem:$0xE880] =	vst v63  }
0x29c: {  	_ =	swait.ge [sflag:s1], $0x2000  }
0x29d: {  	[sflag:s1] =	ssyncset.done $0x0  }
0x29e: {  	[sflag:s1] =	ssyncadd.s32 $0xFFFFE000  }
0x29f: {  	_ =	sfence.sel $0x180000  }
0x2a0: {  	[bflag:$0x0] =	sbarrier.arrive $0xFFFF  }
0x2a1: {  	_ =	strace $0x90000047  }
0x2a2: {  	s0 =	stileid.u32;
	[bflag:$0x2] =	sbarrier.arrive $0xFFFF  }
0x2a3: {  	p0 =	sne.s32 s0, $0x0;
	s0 =	rddreg [dreg:$0x3]  }
0x2a4: {  	s0 =	sadd.s32 @!p0 $0x100000, s0  }
0x2a5: {  	[sflag:s0] =	ssyncadd.tile.s32 @!p0 $0x1;
	_ =	shalt  }
.Lfunc_end2:
_tile_overlayer_lowered:
.L_overlay_start_2:
0x2a6: {  	(tag) =	ssettag $0x2  }
0x2a7: {  	s0 =	rddreg [dreg:$0x0];
	s2 =	stileid.u32  }
0x2a8: {  	s1 =	rddreg [dreg:$0x1];
	p0 =	sne.s32 s2, $0x0  }
0x2a9: {  	s3 =	rddreg [dreg:$0x2];
	[bflag:$0x3] =	sbarrier.arrive $0xFFFF;
	s2 =	simm.s32 @!p0 $0x1C06  }
0x2aa: {  	[timem:s3], [sflag:s2] =	dma.local @!p0 [hbm:s0], s1  }
0x2ab: {  	s0 =	simm.s32 @!p0 $0x6  }
0x2ac: {  	_ =	swait.ge @!p0 [sflag:s0], s1  }
0x2ad: {  	s1 =	ssub.s32 @!p0 $0x0, s1;
	[sflag:s0] =	ssyncset.done @!p0 $0x0  }
0x2ae: {  	[sflag:s0] =	ssyncadd.s32 @!p0 s1  }
0x2af: {  	[bflag:$0x3] =	sbarrier.arrive $0xFFFF  }
0x2b0: {  	_ =	shalt  }

</sc_bundles>
